<compile_context>
chip_gen: v7x
topology: tpu7x:2x2x1
jax: 0.10.2.dev20260603
libtpu: 0.0.44.dev20260713+nightly
codegen_flags: <defaults>
</compile_context>

<pallas_src>
import functools

import jax
import jax.numpy as jnp
from jax import lax
from jax.experimental import pallas as pl
from jax.experimental.pallas import tpu as pltpu
from jax.experimental.pallas import tpu_sc as plsc

N = 262144
R, C = 2048, 128
RADIX = 1024
KEY_POS = 0x3F800000
KEY_BASE = 0x3F7FFFFF

SCW = 16
CH = N // SCW
S = 1
VW = SCW * S
SUB = CH // S


def _weights(q, npos, nneg):
  nh = 4 * npos
  nh = jnp.where(nh == 0, 100, nh)
  itv = nh // 5
  ld = nneg // 5
  p = q - 200
  mult = jnp.zeros_like(q)
  for i in range(5):
    st = i * ld
    mult = mult + ((p >= st) & (p < st + itv)).astype(jnp.int32)
  return jnp.where((q >= 200) & (q < nneg), mult, 0)


def _tc_pre(v_ref, t_ref, key_ref, cex_ref, possum_ref, npos_ref, nneg_ref):
  v = v_ref[...]
  t = t_ref[...]
  neg = t < 1
  bits = lax.bitcast_convert_type(v, jnp.int32)
  key_ref[...] = jnp.where(neg, KEY_BASE - bits, KEY_POS)

  m = neg.astype(jnp.float32)
  iu = lax.broadcasted_iota(jnp.int32, (C, C), 0)
  il = lax.broadcasted_iota(jnp.int32, (C, C), 1)
  U = (iu < il).astype(jnp.float32)
  rowex = jnp.dot(m, U, preferred_element_type=jnp.float32)
  rowsum = jnp.sum(m, axis=1, keepdims=True)
  x = rowsum
  s = 1
  while s < R:
    x = x + jnp.pad(x, ((s, 0), (0, 0)))[:R]
    s *= 2
  rowpref = x - rowsum
  cex_ref[...] = (rowex + rowpref).astype(jnp.int32)

  logp = jnp.maximum(jnp.log(v), -100.0)
  possum_ref[...] = jnp.reshape(jnp.sum(jnp.where(neg, 0.0, -logp)), (1, 1))
  npos_ref[...] = jnp.reshape(jnp.sum(jnp.where(neg, 0, 1)), (1, 1))
  nneg_ref[...] = jnp.reshape(jnp.sum(jnp.where(neg, 1, 0)), (1, 1))


def _tc_post(t_ref, rank_ref, sg_ref, possum_ref, npos_ref, nneg_ref, out_ref):
  t = t_ref[...]
  neg = t < 1
  npos0 = npos_ref[0, 0]
  nneg0 = nneg_ref[0, 0]
  wq = _weights(rank_ref[...], npos0, nneg0).astype(jnp.float32)
  g = lax.bitcast_convert_type(KEY_BASE - sg_ref[...], jnp.float32)
  l1 = jnp.maximum(jnp.log(1.0 - g), -100.0)
  numer = jnp.sum(jnp.where(neg, wq * (-l1), 0.0))

  npos = npos_ref[0, 0]
  nneg = nneg_ref[0, 0]
  q = lax.broadcasted_iota(jnp.int32, (R, C), 0) * C + lax.broadcasted_iota(
      jnp.int32, (R, C), 1)
  denom = jnp.sum(_weights(q, npos, nneg).astype(jnp.float32))
  pos_loss = jnp.where(
      npos > 0,
      possum_ref[0, 0] / jnp.maximum(npos, 1).astype(jnp.float32),
      jnp.float32(0.0),
  )
  out_ref[...] = jnp.reshape(pos_loss + numer / denom, (1, 1))


def _sc_fused():
  mesh = plsc.VectorSubcoreMesh(
      core_axis_name="c", subcore_axis_name="s", num_cores=1)

  out_type = [
      jax.ShapeDtypeStruct((N,), jnp.int32),
      jax.ShapeDtypeStruct((N,), jnp.int32),
  ]
  scratch = [
      pltpu.VMEM((CH,), jnp.int32),
      pltpu.VMEM((CH,), jnp.int32),
      pltpu.VMEM((RADIX,), jnp.int32),
      pltpu.VMEM((RADIX,), jnp.int32),
      pltpu.VMEM((RADIX,), jnp.int32),
      pltpu.VMEM((RADIX,), jnp.int32),
      pltpu.VMEM((VW, 128), jnp.int32),
      pltpu.VMEM((CH,), jnp.int32),
      pltpu.VMEM((CH,), jnp.int32),
      pltpu.HBM((VW, RADIX), jnp.int32),
      pltpu.VMEM_SHARED((N,), jnp.int32),
      pltpu.VMEM_SHARED((N,), jnp.int32),
      pltpu.SemaphoreType.DMA,
  ]

  def body(keyin, cexin, rankout, sgout, keych, paych, o0, o1, o2, o3,
           strip, stageidx, stagepay, grid, pay, keyS, sem):
    offs_l = [o0, o1, o2, o3]
    wid = lax.axis_index("s")
    base = wid * CH
    widS = wid * S
    lanes = lax.iota(jnp.int32, 16)
    zero16 = jnp.zeros((16,), jnp.int32)

    def run_pass(shift, first, last):
      if first:
        pltpu.sync_copy(keyin.at[pl.ds(base, CH)], keych)
      else:
        pltpu.sync_copy(pay.at[pl.ds(base, CH)], paych)
        pltpu.sync_copy(keyS.at[pl.ds(base, CH)], keych)

      def zbody(i, _):
        for c in range(S):
          offs_l[c][pl.ds(i * 16, 16)] = zero16
        return 0

      lax.fori_loop(0, RADIX // 16, zbody, 0)

      def ha(r, _):
        for c in range(S):
          for u in range(2):
            j = r * 2 + u
            k = keych[pl.ds(c * SUB + j * 16, 16)]
            d = (k >> shift) & (RADIX - 1)
            cnt, lastm = plsc.scan_count(d)
            plsc.addupdate_scatter(offs_l[c], [d], cnt, mask=lastm)
        return 0

      lax.fori_loop(0, SUB // 32, ha, 0)

      for c in range(S):
        pltpu.sync_copy(offs_l[c], grid.at[widS + c])
      plsc.subcore_barrier()

      def hb(jb, carry):
        pltpu.sync_copy(grid.at[:, pl.ds(jb * 128, 128)], strip)

        def hbj(jj, carry):
          sl = pl.ds(jj * 16, 16)
          tot = jnp.zeros((16,), jnp.int32)
          for vw in range(VW):
            tot = tot + strip[vw, sl]
          inc = plsc.cumsum(tot)
          exc = inc - tot + carry
          part = jnp.zeros((16,), jnp.int32)
          for vw in range(VW):
            part = part + jnp.where(vw < widS, strip[vw, sl], 0)
          for c in range(S):
            offs_l[c][pl.ds(jb * 128 + jj * 16, 16)] = exc + part
            if c < S - 1:
              part = part + strip[widS + c, sl]
          return carry + jnp.sum(tot)

        return lax.fori_loop(0, 8, hbj, carry)

      lax.fori_loop(0, RADIX // 128, hb, jnp.int32(0))

      def hc(r, _):
        for c in range(S):
          for u in range(2):
            j = r * 2 + u
            off = c * SUB + j * 16
            k = keych[pl.ds(off, 16)]
            if first:
              p = base + off + lanes
            else:
              p = paych[pl.ds(off, 16)]
            d = (k >> shift) & (RADIX - 1)
            cnt, lastm = plsc.scan_count(d)
            bs = plsc.load_gather(offs_l[c], [d])
            pos = bs + cnt - 1
            plsc.addupdate_scatter(offs_l[c], [d], cnt, mask=lastm)
            stageidx[pl.ds(off, 16)] = pos
            if first:
              paych[pl.ds(off, 16)] = p
        return 0

      lax.fori_loop(0, SUB // 32, hc, 0)

      if last:
        c1 = pltpu.async_copy(stageidx, pay.at[paych], sem)
      else:
        c1 = pltpu.async_copy(paych, pay.at[stageidx], sem)
      c2 = pltpu.async_copy(keych, keyS.at[stageidx], sem)
      c1.wait()
      c2.wait()
      plsc.subcore_barrier()

    run_pass(0, True, False)
    run_pass(10, False, False)
    run_pass(20, False, True)

    pltpu.sync_copy(cexin.at[pl.ds(base, CH)], keych)
    pltpu.async_copy(keyS.at[keych], stagepay, sem).wait()
    pltpu.sync_copy(stagepay, sgout.at[pl.ds(base, CH)])
    pltpu.sync_copy(pay.at[pl.ds(base, CH)], rankout.at[pl.ds(base, CH)])

  return pl.kernel(
      body,
      out_type=out_type,
      mesh=mesh,
      scratch_types=scratch,
      compiler_params=pltpu.CompilerParams(needs_layout_passes=False),
  )


_sc_fused = functools.cache(_sc_fused)

_pre_call = pl.pallas_call(
    _tc_pre,
    out_shape=(
        jax.ShapeDtypeStruct((R, C), jnp.int32),
        jax.ShapeDtypeStruct((R, C), jnp.int32),
        jax.ShapeDtypeStruct((1, 1), jnp.float32),
        jax.ShapeDtypeStruct((1, 1), jnp.int32),
        jax.ShapeDtypeStruct((1, 1), jnp.int32),
    ),
)

_post_call = pl.pallas_call(
    _tc_post,
    out_shape=jax.ShapeDtypeStruct((1, 1), jnp.float32),
)


@jax.jit
def kernel(outputs, targets):
  v = outputs.reshape(R, C)
  t = targets.reshape(R, C)
  key2d, cex2d, possum, npos, nneg = _pre_call(v, t)
  key = key2d.reshape(N)
  cex = cex2d.reshape(N)
  rank, sg = _sc_fused()(key, cex)
  out = _post_call(t, rank.reshape(R, C), sg.reshape(R, C), possum, npos, nneg)
  return out.reshape(())

# --- scband reference (transcript-rebuilt; emitter-appended) ---
"""Pipeline reference for scband-loss-with-hardmining-69157563400539 (READ-ONLY COPY).

The authoritative reference and input builder live on the scoring server;
editing this copy changes nothing except your own understanding.
"""

import jax, jax.numpy as jnp
import numpy as np


def _bce(p, t):
    # torch.nn.BCELoss semantics: mean of -(t*log(p) + (1-t)*log(1-p)), logs clamped at -100
    logp = jnp.clip(jnp.log(p), -100.0, None)
    log1mp = jnp.clip(jnp.log(1.0 - p), -100.0, None)
    return -jnp.mean(t * logp + (1.0 - t) * log1mp)


def hard_mining(neg_output, neg_labels, num_neg, num_hard):
    num_hard = jnp.where(num_hard == 0, 100, num_hard)
    l = num_neg
    n = neg_output.shape[0]
    # torch: neg_output, idcs = torch.topk(neg_output, l)  -> neg_output becomes sorted (desc)
    sorted_vals, idcs = jax.lax.top_k(neg_output, n)
    interval = num_hard // 5
    l_devide = l // 5
    q = jnp.arange(n)
    p = q - 200
    mult = jnp.zeros((n,), dtype=jnp.int32)
    for i in range(5):
        start = i * l_devide
        mult = mult + ((p >= start) & (p < start + interval)).astype(jnp.int32)
    weights = jnp.where((q >= 200) & (q < l), mult, 0).astype(jnp.float32)
    # faithful to original: indices are applied to the SORTED output array
    neg_output = jnp.take(sorted_vals, idcs, axis=0)
    neg_labels = jnp.take(neg_labels, idcs, axis=0)
    return neg_output, neg_labels, weights


def setup_inputs(seed: int = 0) -> dict:
    key = jax.random.key(seed)
    k1, k2 = jax.random.split(key)
    outputs = jax.random.uniform(k1, (64, 4096), dtype=jnp.float32)
    targets = jax.random.randint(k2, (64, 4096), 0, 2, dtype=jnp.int32)
    return {"outputs": outputs, "targets": targets}


def reference(outputs, targets):
    out_flat = outputs.reshape(-1)
    tgt_flat = targets.reshape(-1)
    n = out_flat.shape[0]
    pos_idcs = tgt_flat > 0
    neg_idcs = tgt_flat < 1
    t_flat = tgt_flat.astype(jnp.float32)
    logp = jnp.clip(jnp.log(out_flat), -100.0, None)
    log1mp = jnp.clip(jnp.log(1.0 - out_flat), -100.0, None)
    num_pos = jnp.sum(pos_idcs.astype(jnp.int32))
    pos_terms = -(t_flat * logp + (1.0 - t_flat) * log1mp)
    pos_sum = jnp.sum(jnp.where(pos_idcs, pos_terms, 0.0))
    pos_loss = jnp.where(
        num_pos > 0,
        pos_sum / jnp.maximum(num_pos, 1).astype(jnp.float32),
        jnp.float32(0.0),
    )
    num_neg = jnp.sum(neg_idcs.astype(jnp.int32))
    order = jnp.argsort(jnp.where(neg_idcs, 0, 1))
    neg_compact = jnp.take(out_flat, order)
    lab_compact = jnp.take(t_flat, order)
    valid = jnp.arange(n) < num_neg
    padded_neg = jnp.where(valid, neg_compact, -jnp.inf)
    num_hard = 4 * num_pos
    neg_output, neg_target, weights = hard_mining(padded_neg, lab_compact, num_neg, num_hard)
    g = jnp.where(weights > 0, neg_output, 0.5)
    tl = jnp.where(weights > 0, neg_target, 0.0)
    lpg = jnp.clip(jnp.log(g), -100.0, None)
    l1pg = jnp.clip(jnp.log(1.0 - g), -100.0, None)
    neg_terms = -(tl * lpg + (1.0 - tl) * l1pg)
    neg_loss = jnp.sum(weights * neg_terms) / jnp.sum(weights)
    return pos_loss + neg_loss

if __name__ == "__main__":
    import jax
    _d = setup_inputs()
    print(jax.jit(kernel)(*tuple(_d.values())))

</pallas_src>

<mosaic_0001>
#map = affine_map<(d0, d1) -> (0)>
module attributes {stable_mosaic.version = 14 : i64} {
  func.func @body(%arg0: i32, %arg1: i32, %arg2: memref<262144xi32, #tpu.memory_space<hbm>>, %arg3: memref<262144xi32, #tpu.memory_space<hbm>>, %arg4: memref<262144xi32, #tpu.memory_space<hbm>>, %arg5: memref<262144xi32, #tpu.memory_space<hbm>>, %arg6: memref<16384xi32, #tpu.memory_space<vmem>>, %arg7: memref<16384xi32, #tpu.memory_space<vmem>>, %arg8: memref<1024xi32, #tpu.memory_space<vmem>>, %arg9: memref<1024xi32, #tpu.memory_space<vmem>>, %arg10: memref<1024xi32, #tpu.memory_space<vmem>>, %arg11: memref<1024xi32, #tpu.memory_space<vmem>>, %arg12: memref<16x128xi32, #tpu.memory_space<vmem>>, %arg13: memref<16384xi32, #tpu.memory_space<vmem>>, %arg14: memref<16384xi32, #tpu.memory_space<vmem>>, %arg15: memref<16x1024xi32, #tpu.memory_space<hbm>>, %arg16: memref<262144xi32, #tpu.memory_space<vmem_shared>>, %arg17: memref<262144xi32, #tpu.memory_space<vmem_shared>>, %arg18: memref<!tpu.dma_semaphore, #tpu.memory_space<semaphore_mem>>) attributes {dimension_semantics = [#tpu.dimension_semantics<core_parallel>, #tpu.dimension_semantics<subcore_parallel>], iteration_bounds = array<i64: 1, 16>, scalar_prefetch = 0 : i64, scratch_operands = 13 : i64, tpu.core_type = #tpu.core_type<sc_vector_subcore>, window_params = [{transform_indices = #map}, {transform_indices = #map}, {transform_indices = #map}, {transform_indices = #map}]} {
    %mul3A = arith.constant 16384 : i32
    %mul3A_0 = arith.muli %arg1, %mul3A : i32
    %mul3A_1 = arith.constant 1 : i32
    %mul3A_2 = arith.muli %arg1, %mul3A_1 : i32
    %iota3A = tpu.iota {dimensions = array<i32: 0>} : vector<16xi32>
    %broadcast_in_dim3A = arith.constant 0 : i32
    %broadcast_in_dim3A_3 = vector.broadcast %broadcast_in_dim3A : i32 to vector<16xi32>
    "tpu.region"() ({
      %run_scoped3A = tpu.sem_alloc : memref<!tpu.dma_semaphore, #tpu.memory_space<semaphore_mem>>
      %dma_start3A_123 = tpu.memref_slice %arg2[%mul3A_0] : memref<262144xi32, #tpu.memory_space<hbm>> -> memref<16384xi32, #tpu.memory_space<hbm>>
      %dma_start3A_124 = tpu.memref_slice %arg2[%mul3A_0] : memref<262144xi32, #tpu.memory_space<hbm>> -> memref<16384xi32, #tpu.memory_space<hbm>>
      tpu.enqueue_dma source(%dma_start3A_124 : memref<16384xi32, #tpu.memory_space<hbm>>) target(%arg6 : memref<16384xi32, #tpu.memory_space<vmem>>) target_semaphore(%run_scoped3A : memref<!tpu.dma_semaphore, #tpu.memory_space<semaphore_mem>>)
      %dma_wait3A_125 = tpu.memref_slice %arg2[%mul3A_0] : memref<262144xi32, #tpu.memory_space<hbm>> -> memref<16384xi32, #tpu.memory_space<hbm>>
      %dma_wait3A_126 = tpu.memref_slice %arg2[%mul3A_0] : memref<262144xi32, #tpu.memory_space<hbm>> -> memref<16384xi32, #tpu.memory_space<hbm>>
      tpu.wait_dma2 semaphore(%run_scoped3A : memref<!tpu.dma_semaphore, #tpu.memory_space<semaphore_mem>>) src(%dma_wait3A_126 : memref<16384xi32, #tpu.memory_space<hbm>>) dst(%arg6 : memref<16384xi32, #tpu.memory_space<vmem>>)
      tpu.yield
    }) : () -> ()
    %scan3A = arith.constant 0 : i32
    %scan3A_4 = arith.constant 0 : i32
    %scan3A_5 = arith.constant 64 : i32
    %scan3A_6 = arith.addi %scan3A_4, %scan3A_5 : i32
    %scan3A_7 = arith.constant 1 : i32
    %scan3A_8 = scf.for %scan3A_123 = %scan3A_4 to %scan3A_6 step %scan3A_7 iter_args(%scan3A_124 = %scan3A) -> (i32)  : i32 {
      %mul3A_125 = arith.constant 16 : i32
      %mul3A_126 = arith.muli %scan3A_123, %mul3A_125 : i32
      %swap3A = arith.index_cast %mul3A_126 : i32 to index
      %swap3A_127 = tpu.vector_load %arg8[%swap3A] {strides = array<i32>} : memref<1024xi32, #tpu.memory_space<vmem>>, vector<16xi32>,
      tpu.vector_store %arg8[%swap3A], %broadcast_in_dim3A_3 {strides = array<i32>} : memref<1024xi32, #tpu.memory_space<vmem>>, vector<16xi32>,
      %scan3A_128 = arith.constant 0 : i32
      scf.yield %scan3A_128 : i32
    }
    %scan3A_9 = arith.constant 64 : i32
    %scan3A_10 = arith.constant 0 : i32
    %scan3A_11 = arith.constant 0 : i32
    %scan3A_12 = arith.constant 512 : i32
    %scan3A_13 = arith.addi %scan3A_11, %scan3A_12 : i32
    %scan3A_14 = arith.constant 1 : i32
    %scan3A_15 = scf.for %scan3A_123 = %scan3A_11 to %scan3A_13 step %scan3A_14 iter_args(%scan3A_124 = %scan3A_10) -> (i32)  : i32 {
      %mul3A_125 = arith.constant 2 : i32
      %mul3A_126 = arith.muli %scan3A_123, %mul3A_125 : i32
      %add3A_127 = arith.constant 0 : i32
      %add3A_128 = arith.addi %mul3A_126, %add3A_127 : i32
      %mul3A_129 = arith.constant 16 : i32
      %mul3A_130 = arith.muli %add3A_128, %mul3A_129 : i32
      %add3A_131 = arith.constant 0 : i32
      %add3A_132 = arith.addi %add3A_131, %mul3A_130 : i32
      %get3A = arith.index_cast %add3A_132 : i32 to index
      %get3A_133 = tpu.vector_load %arg6[%get3A] {strides = array<i32>} : memref<16384xi32, #tpu.memory_space<vmem>>, vector<16xi32>,
      %shift_right_arithmetic3A = arith.constant 0 : i32
      %shift_right_arithmetic3A_134 = vector.broadcast %shift_right_arithmetic3A : i32 to vector<16xi32>
      %shift_right_arithmetic3A_135 = arith.shrsi %get3A_133, %shift_right_arithmetic3A_134 : vector<16xi32>
      %and3A = arith.constant 1023 : i32
      %and3A_136 = vector.broadcast %and3A : i32 to vector<16xi32>
      %and3A_137 = arith.andi %shift_right_arithmetic3A_135, %and3A_136 : vector<16xi32>
      %broadcast_in_dim3A_138 = arith.constant true
      %broadcast_in_dim3A_139 = vector.broadcast %broadcast_in_dim3A_138 : i1 to vector<16xi1>
      %unique3A, %unique3A_140 = tpu.scan_count mask(%broadcast_in_dim3A_139 : vector<16xi1>) value(%and3A_137 : vector<16xi32>) : vector<16xi1>, vector<16xi32>
      tpu.vector_store_idx %arg8[%and3A_137], %unique3A_140 masked %unique3A {add = true} : memref<1024xi32, #tpu.memory_space<vmem>>[vector<16xi32>], vector<16xi32>, vector<16xi1>
      %mul3A_141 = arith.constant 2 : i32
      %mul3A_142 = arith.muli %scan3A_123, %mul3A_141 : i32
      %add3A_143 = arith.constant 1 : i32
      %add3A_144 = arith.addi %mul3A_142, %add3A_143 : i32
      %mul3A_145 = arith.constant 16 : i32
      %mul3A_146 = arith.muli %add3A_144, %mul3A_145 : i32
      %add3A_147 = arith.constant 0 : i32
      %add3A_148 = arith.addi %add3A_147, %mul3A_146 : i32
      %get3A_149 = arith.index_cast %add3A_148 : i32 to index
      %get3A_150 = tpu.vector_load %arg6[%get3A_149] {strides = array<i32>} : memref<16384xi32, #tpu.memory_space<vmem>>, vector<16xi32>,
      %shift_right_arithmetic3A_151 = arith.constant 0 : i32
      %shift_right_arithmetic3A_152 = vector.broadcast %shift_right_arithmetic3A_151 : i32 to vector<16xi32>
      %shift_right_arithmetic3A_153 = arith.shrsi %get3A_150, %shift_right_arithmetic3A_152 : vector<16xi32>
      %and3A_154 = arith.constant 1023 : i32
      %and3A_155 = vector.broadcast %and3A_154 : i32 to vector<16xi32>
      %and3A_156 = arith.andi %shift_right_arithmetic3A_153, %and3A_155 : vector<16xi32>
      %broadcast_in_dim3A_157 = arith.constant true
      %broadcast_in_dim3A_158 = vector.broadcast %broadcast_in_dim3A_157 : i1 to vector<16xi1>
      %unique3A_159, %unique3A_160 = tpu.scan_count mask(%broadcast_in_dim3A_158 : vector<16xi1>) value(%and3A_156 : vector<16xi32>) : vector<16xi1>, vector<16xi32>
      tpu.vector_store_idx %arg8[%and3A_156], %unique3A_160 masked %unique3A_159 {add = true} : memref<1024xi32, #tpu.memory_space<vmem>>[vector<16xi32>], vector<16xi32>, vector<16xi1>
      %scan3A_161 = arith.constant 0 : i32
      scf.yield %scan3A_161 : i32
    }
    %scan3A_16 = arith.constant 512 : i32
    %add3A = arith.constant 0 : i32
    %add3A_17 = arith.addi %mul3A_2, %add3A : i32
    "tpu.region"() ({
      %run_scoped3A = tpu.sem_alloc : memref<!tpu.dma_semaphore, #tpu.memory_space<semaphore_mem>>
      %dma_start3A_123 = arith.constant 0 : i32
      %dma_start3A_124 = tpu.memref_slice %arg15[%add3A_17, %dma_start3A_123] : memref<16x1024xi32, #tpu.memory_space<hbm>> -> memref<1x1024xi32, #tpu.memory_space<hbm>>
      %dma_start3A_125 = tpu.memref_squeeze %dma_start3A_124 : memref<1x1024xi32, #tpu.memory_space<hbm>> -> memref<1024xi32, #tpu.memory_space<hbm>>
      %dma_start3A_126 = arith.constant 0 : i32
      %dma_start3A_127 = tpu.memref_slice %arg15[%add3A_17, %dma_start3A_126] : memref<16x1024xi32, #tpu.memory_space<hbm>> -> memref<1x1024xi32, #tpu.memory_space<hbm>>
      %dma_start3A_128 = tpu.memref_squeeze %dma_start3A_127 : memref<1x1024xi32, #tpu.memory_space<hbm>> -> memref<1024xi32, #tpu.memory_space<hbm>>
      tpu.enqueue_dma source(%arg8 : memref<1024xi32, #tpu.memory_space<vmem>>) target(%dma_start3A_128 : memref<1024xi32, #tpu.memory_space<hbm>>) target_semaphore(%run_scoped3A : memref<!tpu.dma_semaphore, #tpu.memory_space<semaphore_mem>>)
      %dma_wait3A_129 = arith.constant 0 : i32
      %dma_wait3A_130 = tpu.memref_slice %arg15[%add3A_17, %dma_wait3A_129] : memref<16x1024xi32, #tpu.memory_space<hbm>> -> memref<1x1024xi32, #tpu.memory_space<hbm>>
      %dma_wait3A_131 = tpu.memref_squeeze %dma_wait3A_130 : memref<1x1024xi32, #tpu.memory_space<hbm>> -> memref<1024xi32, #tpu.memory_space<hbm>>
      %dma_wait3A_132 = arith.constant 0 : i32
      %dma_wait3A_133 = tpu.memref_slice %arg15[%add3A_17, %dma_wait3A_132] : memref<16x1024xi32, #tpu.memory_space<hbm>> -> memref<1x1024xi32, #tpu.memory_space<hbm>>
      %dma_wait3A_134 = tpu.memref_squeeze %dma_wait3A_133 : memref<1x1024xi32, #tpu.memory_space<hbm>> -> memref<1024xi32, #tpu.memory_space<hbm>>
      tpu.wait_dma2 semaphore(%run_scoped3A : memref<!tpu.dma_semaphore, #tpu.memory_space<semaphore_mem>>) src(%arg8 : memref<1024xi32, #tpu.memory_space<vmem>>) dst(%dma_wait3A_134 : memref<1024xi32, #tpu.memory_space<hbm>>)
      tpu.yield
    }) : () -> ()
    %barrier3A = arith.constant 0 : index
    tpu.barrier barrier_id(%barrier3A)
    %scan3A_18 = arith.constant 0 : i32
    %scan3A_19 = arith.constant 0 : i32
    %scan3A_20 = arith.constant 8 : i32
    %scan3A_21 = arith.addi %scan3A_19, %scan3A_20 : i32
    %scan3A_22 = arith.constant 1 : i32
    %scan3A_23 = scf.for %scan3A_123 = %scan3A_19 to %scan3A_21 step %scan3A_22 iter_args(%scan3A_124 = %scan3A_18) -> (i32)  : i32 {
      %mul3A_125 = arith.constant 128 : i32
      %mul3A_126 = arith.muli %scan3A_123, %mul3A_125 : i32
      "tpu.region"() ({
        %run_scoped3A = tpu.sem_alloc : memref<!tpu.dma_semaphore, #tpu.memory_space<semaphore_mem>>
        %dma_start3A_133 = arith.constant 0 : i32
        %dma_start3A_134 = tpu.memref_slice %arg15[%dma_start3A_133, %mul3A_126] : memref<16x1024xi32, #tpu.memory_space<hbm>> -> memref<16x128xi32, #tpu.memory_space<hbm>>
        %dma_start3A_135 = arith.constant 0 : i32
        %dma_start3A_136 = tpu.memref_slice %arg15[%dma_start3A_135, %mul3A_126] : memref<16x1024xi32, #tpu.memory_space<hbm>> -> memref<16x128xi32, #tpu.memory_space<hbm>>
        tpu.enqueue_dma source(%dma_start3A_136 : memref<16x128xi32, #tpu.memory_space<hbm>>) target(%arg12 : memref<16x128xi32, #tpu.memory_space<vmem>>) target_semaphore(%run_scoped3A : memref<!tpu.dma_semaphore, #tpu.memory_space<semaphore_mem>>)
        %dma_wait3A_137 = arith.constant 0 : i32
        %dma_wait3A_138 = tpu.memref_slice %arg15[%dma_wait3A_137, %mul3A_126] : memref<16x1024xi32, #tpu.memory_space<hbm>> -> memref<16x128xi32, #tpu.memory_space<hbm>>
        %dma_wait3A_139 = arith.constant 0 : i32
        %dma_wait3A_140 = tpu.memref_slice %arg15[%dma_wait3A_139, %mul3A_126] : memref<16x1024xi32, #tpu.memory_space<hbm>> -> memref<16x128xi32, #tpu.memory_space<hbm>>
        tpu.wait_dma2 semaphore(%run_scoped3A : memref<!tpu.dma_semaphore, #tpu.memory_space<semaphore_mem>>) src(%dma_wait3A_140 : memref<16x128xi32, #tpu.memory_space<hbm>>) dst(%arg12 : memref<16x128xi32, #tpu.memory_space<vmem>>)
        tpu.yield
      }) : () -> ()
      %scan3A_127 = arith.constant 0 : i32
      %scan3A_128 = arith.constant 8 : i32
      %scan3A_129 = arith.addi %scan3A_127, %scan3A_128 : i32
      %scan3A_130 = arith.constant 1 : i32
      %scan3A_131 = scf.for %scan3A_133 = %scan3A_127 to %scan3A_129 step %scan3A_130 iter_args(%scan3A_134 = %scan3A_124) -> (i32)  : i32 {
        %mul3A_135 = arith.constant 16 : i32
        %mul3A_136 = arith.muli %scan3A_133, %mul3A_135 : i32
        %broadcast_in_dim3A_137 = arith.constant 0 : i32
        %broadcast_in_dim3A_138 = vector.broadcast %broadcast_in_dim3A_137 : i32 to vector<16xi32>
        %get3A = arith.constant 0 : i32
        %get3A_139 = arith.index_cast %get3A : i32 to index
        %get3A_140 = arith.index_cast %mul3A_136 : i32 to index
        %get3A_141 = tpu.vector_load %arg12[%get3A_139, %get3A_140] {strides = array<i32>} : memref<16x128xi32, #tpu.memory_space<vmem>>, vector<16xi32>,
        %add3A_142 = arith.addi %broadcast_in_dim3A_138, %get3A_141 : vector<16xi32>
        %get3A_143 = arith.constant 1 : i32
        %get3A_144 = arith.index_cast %get3A_143 : i32 to index
        %get3A_145 = arith.index_cast %mul3A_136 : i32 to index
        %get3A_146 = tpu.vector_load %arg12[%get3A_144, %get3A_145] {strides = array<i32>} : memref<16x128xi32, #tpu.memory_space<vmem>>, vector<16xi32>,
        %add3A_147 = arith.addi %add3A_142, %get3A_146 : vector<16xi32>
        %get3A_148 = arith.constant 2 : i32
        %get3A_149 = arith.index_cast %get3A_148 : i32 to index
        %get3A_150 = arith.index_cast %mul3A_136 : i32 to index
        %get3A_151 = tpu.vector_load %arg12[%get3A_149, %get3A_150] {strides = array<i32>} : memref<16x128xi32, #tpu.memory_space<vmem>>, vector<16xi32>,
        %add3A_152 = arith.addi %add3A_147, %get3A_151 : vector<16xi32>
        %get3A_153 = arith.constant 3 : i32
        %get3A_154 = arith.index_cast %get3A_153 : i32 to index
        %get3A_155 = arith.index_cast %mul3A_136 : i32 to index
        %get3A_156 = tpu.vector_load %arg12[%get3A_154, %get3A_155] {strides = array<i32>} : memref<16x128xi32, #tpu.memory_space<vmem>>, vector<16xi32>,
        %add3A_157 = arith.addi %add3A_152, %get3A_156 : vector<16xi32>
        %get3A_158 = arith.constant 4 : i32
        %get3A_159 = arith.index_cast %get3A_158 : i32 to index
        %get3A_160 = arith.index_cast %mul3A_136 : i32 to index
        %get3A_161 = tpu.vector_load %arg12[%get3A_159, %get3A_160] {strides = array<i32>} : memref<16x128xi32, #tpu.memory_space<vmem>>, vector<16xi32>,
        %add3A_162 = arith.addi %add3A_157, %get3A_161 : vector<16xi32>
        %get3A_163 = arith.constant 5 : i32
        %get3A_164 = arith.index_cast %get3A_163 : i32 to index
        %get3A_165 = arith.index_cast %mul3A_136 : i32 to index
        %get3A_166 = tpu.vector_load %arg12[%get3A_164, %get3A_165] {strides = array<i32>} : memref<16x128xi32, #tpu.memory_space<vmem>>, vector<16xi32>,
        %add3A_167 = arith.addi %add3A_162, %get3A_166 : vector<16xi32>
        %get3A_168 = arith.constant 6 : i32
        %get3A_169 = arith.index_cast %get3A_168 : i32 to index
        %get3A_170 = arith.index_cast %mul3A_136 : i32 to index
        %get3A_171 = tpu.vector_load %arg12[%get3A_169, %get3A_170] {strides = array<i32>} : memref<16x128xi32, #tpu.memory_space<vmem>>, vector<16xi32>,
        %add3A_172 = arith.addi %add3A_167, %get3A_171 : vector<16xi32>
        %get3A_173 = arith.constant 7 : i32
        %get3A_174 = arith.index_cast %get3A_173 : i32 to index
        %get3A_175 = arith.index_cast %mul3A_136 : i32 to index
        %get3A_176 = tpu.vector_load %arg12[%get3A_174, %get3A_175] {strides = array<i32>} : memref<16x128xi32, #tpu.memory_space<vmem>>, vector<16xi32>,
        %add3A_177 = arith.addi %add3A_172, %get3A_176 : vector<16xi32>
        %get3A_178 = arith.constant 8 : i32
        %get3A_179 = arith.index_cast %get3A_178 : i32 to index
        %get3A_180 = arith.index_cast %mul3A_136 : i32 to index
        %get3A_181 = tpu.vector_load %arg12[%get3A_179, %get3A_180] {strides = array<i32>} : memref<16x128xi32, #tpu.memory_space<vmem>>, vector<16xi32>,
        %add3A_182 = arith.addi %add3A_177, %get3A_181 : vector<16xi32>
        %get3A_183 = arith.constant 9 : i32
        %get3A_184 = arith.index_cast %get3A_183 : i32 to index
        %get3A_185 = arith.index_cast %mul3A_136 : i32 to index
        %get3A_186 = tpu.vector_load %arg12[%get3A_184, %get3A_185] {strides = array<i32>} : memref<16x128xi32, #tpu.memory_space<vmem>>, vector<16xi32>,
        %add3A_187 = arith.addi %add3A_182, %get3A_186 : vector<16xi32>
        %get3A_188 = arith.constant 10 : i32
        %get3A_189 = arith.index_cast %get3A_188 : i32 to index
        %get3A_190 = arith.index_cast %mul3A_136 : i32 to index
        %get3A_191 = tpu.vector_load %arg12[%get3A_189, %get3A_190] {strides = array<i32>} : memref<16x128xi32, #tpu.memory_space<vmem>>, vector<16xi32>,
        %add3A_192 = arith.addi %add3A_187, %get3A_191 : vector<16xi32>
        %get3A_193 = arith.constant 11 : i32
        %get3A_194 = arith.index_cast %get3A_193 : i32 to index
        %get3A_195 = arith.index_cast %mul3A_136 : i32 to index
        %get3A_196 = tpu.vector_load %arg12[%get3A_194, %get3A_195] {strides = array<i32>} : memref<16x128xi32, #tpu.memory_space<vmem>>, vector<16xi32>,
        %add3A_197 = arith.addi %add3A_192, %get3A_196 : vector<16xi32>
        %get3A_198 = arith.constant 12 : i32
        %get3A_199 = arith.index_cast %get3A_198 : i32 to index
        %get3A_200 = arith.index_cast %mul3A_136 : i32 to index
        %get3A_201 = tpu.vector_load %arg12[%get3A_199, %get3A_200] {strides = array<i32>} : memref<16x128xi32, #tpu.memory_space<vmem>>, vector<16xi32>,
        %add3A_202 = arith.addi %add3A_197, %get3A_201 : vector<16xi32>
        %get3A_203 = arith.constant 13 : i32
        %get3A_204 = arith.index_cast %get3A_203 : i32 to index
        %get3A_205 = arith.index_cast %mul3A_136 : i32 to index
        %get3A_206 = tpu.vector_load %arg12[%get3A_204, %get3A_205] {strides = array<i32>} : memref<16x128xi32, #tpu.memory_space<vmem>>, vector<16xi32>,
        %add3A_207 = arith.addi %add3A_202, %get3A_206 : vector<16xi32>
        %get3A_208 = arith.constant 14 : i32
        %get3A_209 = arith.index_cast %get3A_208 : i32 to index
        %get3A_210 = arith.index_cast %mul3A_136 : i32 to index
        %get3A_211 = tpu.vector_load %arg12[%get3A_209, %get3A_210] {strides = array<i32>} : memref<16x128xi32, #tpu.memory_space<vmem>>, vector<16xi32>,
        %add3A_212 = arith.addi %add3A_207, %get3A_211 : vector<16xi32>
        %get3A_213 = arith.constant 15 : i32
        %get3A_214 = arith.index_cast %get3A_213 : i32 to index
        %get3A_215 = arith.index_cast %mul3A_136 : i32 to index
        %get3A_216 = tpu.vector_load %arg12[%get3A_214, %get3A_215] {strides = array<i32>} : memref<16x128xi32, #tpu.memory_space<vmem>>, vector<16xi32>,
        %add3A_217 = arith.addi %add3A_212, %get3A_216 : vector<16xi32>
        %broadcast_in_dim3A_218 = arith.constant true
        %broadcast_in_dim3A_219 = vector.broadcast %broadcast_in_dim3A_218 : i1 to vector<16xi1>
        %masked_cumsum3A = tpu.scan <sum>, %add3A_217 masked %broadcast_in_dim3A_219 : vector<16xi32>, vector<16xi1> -> vector<16xi32>
        %sub3A = arith.subi %masked_cumsum3A, %add3A_217 : vector<16xi32>
        %add3A_220 = vector.broadcast %scan3A_134 : i32 to vector<16xi32>
        %add3A_221 = arith.addi %sub3A, %add3A_220 : vector<16xi32>
        %broadcast_in_dim3A_222 = arith.constant 0 : i32
        %broadcast_in_dim3A_223 = vector.broadcast %broadcast_in_dim3A_222 : i32 to vector<16xi32>
        %gt3A = arith.constant 0 : i32
        %gt3A_224 = arith.cmpi sgt, %mul3A_2, %gt3A : i32
        %get3A_225 = arith.constant 0 : i32
        %get3A_226 = arith.index_cast %get3A_225 : i32 to index
        %get3A_227 = arith.index_cast %mul3A_136 : i32 to index
        %get3A_228 = tpu.vector_load %arg12[%get3A_226, %get3A_227] {strides = array<i32>} : memref<16x128xi32, #tpu.memory_space<vmem>>, vector<16xi32>,
        %jit3A = arith.constant 0 : i32
        %broadcast_in_dim3A_229 = vector.broadcast %jit3A : i32 to vector<16xi32>
        %select_n3A = arith.select %gt3A_224, %get3A_228, %broadcast_in_dim3A_229 : vector<16xi32>
        %add3A_230 = arith.addi %broadcast_in_dim3A_223, %select_n3A : vector<16xi32>
        %gt3A_231 = arith.constant 1 : i32
        %gt3A_232 = arith.cmpi sgt, %mul3A_2, %gt3A_231 : i32
        %get3A_233 = arith.constant 1 : i32
        %get3A_234 = arith.index_cast %get3A_233 : i32 to index
        %get3A_235 = arith.index_cast %mul3A_136 : i32 to index
        %get3A_236 = tpu.vector_load %arg12[%get3A_234, %get3A_235] {strides = array<i32>} : memref<16x128xi32, #tpu.memory_space<vmem>>, vector<16xi32>,
        %jit3A_237 = arith.constant 0 : i32
        %broadcast_in_dim3A_238 = vector.broadcast %jit3A_237 : i32 to vector<16xi32>
        %select_n3A_239 = arith.select %gt3A_232, %get3A_236, %broadcast_in_dim3A_238 : vector<16xi32>
        %add3A_240 = arith.addi %add3A_230, %select_n3A_239 : vector<16xi32>
        %gt3A_241 = arith.constant 2 : i32
        %gt3A_242 = arith.cmpi sgt, %mul3A_2, %gt3A_241 : i32
        %get3A_243 = arith.constant 2 : i32
        %get3A_244 = arith.index_cast %get3A_243 : i32 to index
        %get3A_245 = arith.index_cast %mul3A_136 : i32 to index
        %get3A_246 = tpu.vector_load %arg12[%get3A_244, %get3A_245] {strides = array<i32>} : memref<16x128xi32, #tpu.memory_space<vmem>>, vector<16xi32>,
        %jit3A_247 = arith.constant 0 : i32
        %broadcast_in_dim3A_248 = vector.broadcast %jit3A_247 : i32 to vector<16xi32>
        %select_n3A_249 = arith.select %gt3A_242, %get3A_246, %broadcast_in_dim3A_248 : vector<16xi32>
        %add3A_250 = arith.addi %add3A_240, %select_n3A_249 : vector<16xi32>
        %gt3A_251 = arith.constant 3 : i32
        %gt3A_252 = arith.cmpi sgt, %mul3A_2, %gt3A_251 : i32
        %get3A_253 = arith.constant 3 : i32
        %get3A_254 = arith.index_cast %get3A_253 : i32 to index
        %get3A_255 = arith.index_cast %mul3A_136 : i32 to index
        %get3A_256 = tpu.vector_load %arg12[%get3A_254, %get3A_255] {strides = array<i32>} : memref<16x128xi32, #tpu.memory_space<vmem>>, vector<16xi32>,
        %jit3A_257 = arith.constant 0 : i32
        %broadcast_in_dim3A_258 = vector.broadcast %jit3A_257 : i32 to vector<16xi32>
        %select_n3A_259 = arith.select %gt3A_252, %get3A_256, %broadcast_in_dim3A_258 : vector<16xi32>
        %add3A_260 = arith.addi %add3A_250, %select_n3A_259 : vector<16xi32>
        %gt3A_261 = arith.constant 4 : i32
        %gt3A_262 = arith.cmpi sgt, %mul3A_2, %gt3A_261 : i32
        %get3A_263 = arith.constant 4 : i32
        %get3A_264 = arith.index_cast %get3A_263 : i32 to index
        %get3A_265 = arith.index_cast %mul3A_136 : i32 to index
        %get3A_266 = tpu.vector_load %arg12[%get3A_264, %get3A_265] {strides = array<i32>} : memref<16x128xi32, #tpu.memory_space<vmem>>, vector<16xi32>,
        %jit3A_267 = arith.constant 0 : i32
        %broadcast_in_dim3A_268 = vector.broadcast %jit3A_267 : i32 to vector<16xi32>
        %select_n3A_269 = arith.select %gt3A_262, %get3A_266, %broadcast_in_dim3A_268 : vector<16xi32>
        %add3A_270 = arith.addi %add3A_260, %select_n3A_269 : vector<16xi32>
        %gt3A_271 = arith.constant 5 : i32
        %gt3A_272 = arith.cmpi sgt, %mul3A_2, %gt3A_271 : i32
        %get3A_273 = arith.constant 5 : i32
        %get3A_274 = arith.index_cast %get3A_273 : i32 to index
        %get3A_275 = arith.index_cast %mul3A_136 : i32 to index
        %get3A_276 = tpu.vector_load %arg12[%get3A_274, %get3A_275] {strides = array<i32>} : memref<16x128xi32, #tpu.memory_space<vmem>>, vector<16xi32>,
        %jit3A_277 = arith.constant 0 : i32
        %broadcast_in_dim3A_278 = vector.broadcast %jit3A_277 : i32 to vector<16xi32>
        %select_n3A_279 = arith.select %gt3A_272, %get3A_276, %broadcast_in_dim3A_278 : vector<16xi32>
        %add3A_280 = arith.addi %add3A_270, %select_n3A_279 : vector<16xi32>
        %gt3A_281 = arith.constant 6 : i32
        %gt3A_282 = arith.cmpi sgt, %mul3A_2, %gt3A_281 : i32
        %get3A_283 = arith.constant 6 : i32
        %get3A_284 = arith.index_cast %get3A_283 : i32 to index
        %get3A_285 = arith.index_cast %mul3A_136 : i32 to index
        %get3A_286 = tpu.vector_load %arg12[%get3A_284, %get3A_285] {strides = array<i32>} : memref<16x128xi32, #tpu.memory_space<vmem>>, vector<16xi32>,
        %jit3A_287 = arith.constant 0 : i32
        %broadcast_in_dim3A_288 = vector.broadcast %jit3A_287 : i32 to vector<16xi32>
        %select_n3A_289 = arith.select %gt3A_282, %get3A_286, %broadcast_in_dim3A_288 : vector<16xi32>
        %add3A_290 = arith.addi %add3A_280, %select_n3A_289 : vector<16xi32>
        %gt3A_291 = arith.constant 7 : i32
        %gt3A_292 = arith.cmpi sgt, %mul3A_2, %gt3A_291 : i32
        %get3A_293 = arith.constant 7 : i32
        %get3A_294 = arith.index_cast %get3A_293 : i32 to index
        %get3A_295 = arith.index_cast %mul3A_136 : i32 to index
        %get3A_296 = tpu.vector_load %arg12[%get3A_294, %get3A_295] {strides = array<i32>} : memref<16x128xi32, #tpu.memory_space<vmem>>, vector<16xi32>,
        %jit3A_297 = arith.constant 0 : i32
        %broadcast_in_dim3A_298 = vector.broadcast %jit3A_297 : i32 to vector<16xi32>
        %select_n3A_299 = arith.select %gt3A_292, %get3A_296, %broadcast_in_dim3A_298 : vector<16xi32>
        %add3A_300 = arith.addi %add3A_290, %select_n3A_299 : vector<16xi32>
        %gt3A_301 = arith.constant 8 : i32
        %gt3A_302 = arith.cmpi sgt, %mul3A_2, %gt3A_301 : i32
        %get3A_303 = arith.constant 8 : i32
        %get3A_304 = arith.index_cast %get3A_303 : i32 to index
        %get3A_305 = arith.index_cast %mul3A_136 : i32 to index
        %get3A_306 = tpu.vector_load %arg12[%get3A_304, %get3A_305] {strides = array<i32>} : memref<16x128xi32, #tpu.memory_space<vmem>>, vector<16xi32>,
        %jit3A_307 = arith.constant 0 : i32
        %broadcast_in_dim3A_308 = vector.broadcast %jit3A_307 : i32 to vector<16xi32>
        %select_n3A_309 = arith.select %gt3A_302, %get3A_306, %broadcast_in_dim3A_308 : vector<16xi32>
        %add3A_310 = arith.addi %add3A_300, %select_n3A_309 : vector<16xi32>
        %gt3A_311 = arith.constant 9 : i32
        %gt3A_312 = arith.cmpi sgt, %mul3A_2, %gt3A_311 : i32
        %get3A_313 = arith.constant 9 : i32
        %get3A_314 = arith.index_cast %get3A_313 : i32 to index
        %get3A_315 = arith.index_cast %mul3A_136 : i32 to index
        %get3A_316 = tpu.vector_load %arg12[%get3A_314, %get3A_315] {strides = array<i32>} : memref<16x128xi32, #tpu.memory_space<vmem>>, vector<16xi32>,
        %jit3A_317 = arith.constant 0 : i32
        %broadcast_in_dim3A_318 = vector.broadcast %jit3A_317 : i32 to vector<16xi32>
        %select_n3A_319 = arith.select %gt3A_312, %get3A_316, %broadcast_in_dim3A_318 : vector<16xi32>
        %add3A_320 = arith.addi %add3A_310, %select_n3A_319 : vector<16xi32>
        %gt3A_321 = arith.constant 10 : i32
        %gt3A_322 = arith.cmpi sgt, %mul3A_2, %gt3A_321 : i32
        %get3A_323 = arith.constant 10 : i32
        %get3A_324 = arith.index_cast %get3A_323 : i32 to index
        %get3A_325 = arith.index_cast %mul3A_136 : i32 to index
        %get3A_326 = tpu.vector_load %arg12[%get3A_324, %get3A_325] {strides = array<i32>} : memref<16x128xi32, #tpu.memory_space<vmem>>, vector<16xi32>,
        %jit3A_327 = arith.constant 0 : i32
        %broadcast_in_dim3A_328 = vector.broadcast %jit3A_327 : i32 to vector<16xi32>
        %select_n3A_329 = arith.select %gt3A_322, %get3A_326, %broadcast_in_dim3A_328 : vector<16xi32>
        %add3A_330 = arith.addi %add3A_320, %select_n3A_329 : vector<16xi32>
        %gt3A_331 = arith.constant 11 : i32
        %gt3A_332 = arith.cmpi sgt, %mul3A_2, %gt3A_331 : i32
        %get3A_333 = arith.constant 11 : i32
        %get3A_334 = arith.index_cast %get3A_333 : i32 to index
        %get3A_335 = arith.index_cast %mul3A_136 : i32 to index
        %get3A_336 = tpu.vector_load %arg12[%get3A_334, %get3A_335] {strides = array<i32>} : memref<16x128xi32, #tpu.memory_space<vmem>>, vector<16xi32>,
        %jit3A_337 = arith.constant 0 : i32
        %broadcast_in_dim3A_338 = vector.broadcast %jit3A_337 : i32 to vector<16xi32>
        %select_n3A_339 = arith.select %gt3A_332, %get3A_336, %broadcast_in_dim3A_338 : vector<16xi32>
        %add3A_340 = arith.addi %add3A_330, %select_n3A_339 : vector<16xi32>
        %gt3A_341 = arith.constant 12 : i32
        %gt3A_342 = arith.cmpi sgt, %mul3A_2, %gt3A_341 : i32
        %get3A_343 = arith.constant 12 : i32
        %get3A_344 = arith.index_cast %get3A_343 : i32 to index
        %get3A_345 = arith.index_cast %mul3A_136 : i32 to index
        %get3A_346 = tpu.vector_load %arg12[%get3A_344, %get3A_345] {strides = array<i32>} : memref<16x128xi32, #tpu.memory_space<vmem>>, vector<16xi32>,
        %jit3A_347 = arith.constant 0 : i32
        %broadcast_in_dim3A_348 = vector.broadcast %jit3A_347 : i32 to vector<16xi32>
        %select_n3A_349 = arith.select %gt3A_342, %get3A_346, %broadcast_in_dim3A_348 : vector<16xi32>
        %add3A_350 = arith.addi %add3A_340, %select_n3A_349 : vector<16xi32>
        %gt3A_351 = arith.constant 13 : i32
        %gt3A_352 = arith.cmpi sgt, %mul3A_2, %gt3A_351 : i32
        %get3A_353 = arith.constant 13 : i32
        %get3A_354 = arith.index_cast %get3A_353 : i32 to index
        %get3A_355 = arith.index_cast %mul3A_136 : i32 to index
        %get3A_356 = tpu.vector_load %arg12[%get3A_354, %get3A_355] {strides = array<i32>} : memref<16x128xi32, #tpu.memory_space<vmem>>, vector<16xi32>,
        %jit3A_357 = arith.constant 0 : i32
        %broadcast_in_dim3A_358 = vector.broadcast %jit3A_357 : i32 to vector<16xi32>
        %select_n3A_359 = arith.select %gt3A_352, %get3A_356, %broadcast_in_dim3A_358 : vector<16xi32>
        %add3A_360 = arith.addi %add3A_350, %select_n3A_359 : vector<16xi32>
        %gt3A_361 = arith.constant 14 : i32
        %gt3A_362 = arith.cmpi sgt, %mul3A_2, %gt3A_361 : i32
        %get3A_363 = arith.constant 14 : i32
        %get3A_364 = arith.index_cast %get3A_363 : i32 to index
        %get3A_365 = arith.index_cast %mul3A_136 : i32 to index
        %get3A_366 = tpu.vector_load %arg12[%get3A_364, %get3A_365] {strides = array<i32>} : memref<16x128xi32, #tpu.memory_space<vmem>>, vector<16xi32>,
        %jit3A_367 = arith.constant 0 : i32
        %broadcast_in_dim3A_368 = vector.broadcast %jit3A_367 : i32 to vector<16xi32>
        %select_n3A_369 = arith.select %gt3A_362, %get3A_366, %broadcast_in_dim3A_368 : vector<16xi32>
        %add3A_370 = arith.addi %add3A_360, %select_n3A_369 : vector<16xi32>
        %gt3A_371 = arith.constant 15 : i32
        %gt3A_372 = arith.cmpi sgt, %mul3A_2, %gt3A_371 : i32
        %get3A_373 = arith.constant 15 : i32
        %get3A_374 = arith.index_cast %get3A_373 : i32 to index
        %get3A_375 = arith.index_cast %mul3A_136 : i32 to index
        %get3A_376 = tpu.vector_load %arg12[%get3A_374, %get3A_375] {strides = array<i32>} : memref<16x128xi32, #tpu.memory_space<vmem>>, vector<16xi32>,
        %jit3A_377 = arith.constant 0 : i32
        %broadcast_in_dim3A_378 = vector.broadcast %jit3A_377 : i32 to vector<16xi32>
        %select_n3A_379 = arith.select %gt3A_372, %get3A_376, %broadcast_in_dim3A_378 : vector<16xi32>
        %add3A_380 = arith.addi %add3A_370, %select_n3A_379 : vector<16xi32>
        %add3A_381 = arith.addi %add3A_221, %add3A_380 : vector<16xi32>
        %mul3A_382 = arith.constant 128 : i32
        %mul3A_383 = arith.muli %scan3A_123, %mul3A_382 : i32
        %mul3A_384 = arith.constant 16 : i32
        %mul3A_385 = arith.muli %scan3A_133, %mul3A_384 : i32
        %add3A_386 = arith.addi %mul3A_383, %mul3A_385 : i32
        %swap3A = arith.index_cast %add3A_386 : i32 to index
        %swap3A_387 = tpu.vector_load %arg8[%swap3A] {strides = array<i32>} : memref<1024xi32, #tpu.memory_space<vmem>>, vector<16xi32>,
        tpu.vector_store %arg8[%swap3A], %add3A_381 {strides = array<i32>} : memref<1024xi32, #tpu.memory_space<vmem>>, vector<16xi32>,
        %reduce_sum3A = arith.constant true
        %reduce_sum3A_388 = vector.broadcast %reduce_sum3A : i1 to vector<16xi1>
        %reduce_sum3A_389 = tpu.scan <sum>, %add3A_217 masked %reduce_sum3A_388 : vector<16xi32>, vector<16xi1> -> vector<16xi32>
        %reduce_sum3A_390 = vector.extract %reduce_sum3A_389[15] : i32 from vector<16xi32>
        %add3A_391 = arith.addi %scan3A_134, %reduce_sum3A_390 : i32
        scf.yield %add3A_391 : i32
      }
      %scan3A_132 = arith.constant 8 : i32
      scf.yield %scan3A_131 : i32
    }
    %scan3A_24 = arith.constant 8 : i32
    %scan3A_25 = arith.constant 0 : i32
    %scan3A_26 = arith.constant 0 : i32
    %scan3A_27 = arith.constant 512 : i32
    %scan3A_28 = arith.addi %scan3A_26, %scan3A_27 : i32
    %scan3A_29 = arith.constant 1 : i32
    %scan3A_30 = scf.for %scan3A_123 = %scan3A_26 to %scan3A_28 step %scan3A_29 iter_args(%scan3A_124 = %scan3A_25) -> (i32)  : i32 {
      %mul3A_125 = arith.constant 2 : i32
      %mul3A_126 = arith.muli %scan3A_123, %mul3A_125 : i32
      %add3A_127 = arith.constant 0 : i32
      %add3A_128 = arith.addi %mul3A_126, %add3A_127 : i32
      %mul3A_129 = arith.constant 16 : i32
      %mul3A_130 = arith.muli %add3A_128, %mul3A_129 : i32
      %add3A_131 = arith.constant 0 : i32
      %add3A_132 = arith.addi %add3A_131, %mul3A_130 : i32
      %get3A = arith.index_cast %add3A_132 : i32 to index
      %get3A_133 = tpu.vector_load %arg6[%get3A] {strides = array<i32>} : memref<16384xi32, #tpu.memory_space<vmem>>, vector<16xi32>,
      %add3A_134 = arith.addi %mul3A_0, %add3A_132 : i32
      %add3A_135 = vector.broadcast %add3A_134 : i32 to vector<16xi32>
      %add3A_136 = arith.addi %add3A_135, %iota3A : vector<16xi32>
      %shift_right_arithmetic3A = arith.constant 0 : i32
      %shift_right_arithmetic3A_137 = vector.broadcast %shift_right_arithmetic3A : i32 to vector<16xi32>
      %shift_right_arithmetic3A_138 = arith.shrsi %get3A_133, %shift_right_arithmetic3A_137 : vector<16xi32>
      %and3A = arith.constant 1023 : i32
      %and3A_139 = vector.broadcast %and3A : i32 to vector<16xi32>
      %and3A_140 = arith.andi %shift_right_arithmetic3A_138, %and3A_139 : vector<16xi32>
      %broadcast_in_dim3A_141 = arith.constant true
      %broadcast_in_dim3A_142 = vector.broadcast %broadcast_in_dim3A_141 : i1 to vector<16xi1>
      %unique3A, %unique3A_143 = tpu.scan_count mask(%broadcast_in_dim3A_142 : vector<16xi1>) value(%and3A_140 : vector<16xi32>) : vector<16xi1>, vector<16xi32>
      %gather3A = tpu.vector_load_idx %arg8[%and3A_140] : memref<1024xi32, #tpu.memory_space<vmem>>[vector<16xi32>], vector<16xi32>,
      %add3A_144 = arith.addi %gather3A, %unique3A_143 : vector<16xi32>
      %sub3A = arith.constant 1 : i32
      %sub3A_145 = vector.broadcast %sub3A : i32 to vector<16xi32>
      %sub3A_146 = arith.subi %add3A_144, %sub3A_145 : vector<16xi32>
      tpu.vector_store_idx %arg8[%and3A_140], %unique3A_143 masked %unique3A {add = true} : memref<1024xi32, #tpu.memory_space<vmem>>[vector<16xi32>], vector<16xi32>, vector<16xi1>
      %swap3A = arith.index_cast %add3A_132 : i32 to index
      %swap3A_147 = tpu.vector_load %arg13[%swap3A] {strides = array<i32>} : memref<16384xi32, #tpu.memory_space<vmem>>, vector<16xi32>,
      tpu.vector_store %arg13[%swap3A], %sub3A_146 {strides = array<i32>} : memref<16384xi32, #tpu.memory_space<vmem>>, vector<16xi32>,
      %swap3A_148 = arith.index_cast %add3A_132 : i32 to index
      %swap3A_149 = tpu.vector_load %arg7[%swap3A_148] {strides = array<i32>} : memref<16384xi32, #tpu.memory_space<vmem>>, vector<16xi32>,
      tpu.vector_store %arg7[%swap3A_148], %add3A_136 {strides = array<i32>} : memref<16384xi32, #tpu.memory_space<vmem>>, vector<16xi32>,
      %mul3A_150 = arith.constant 2 : i32
      %mul3A_151 = arith.muli %scan3A_123, %mul3A_150 : i32
      %add3A_152 = arith.constant 1 : i32
      %add3A_153 = arith.addi %mul3A_151, %add3A_152 : i32
      %mul3A_154 = arith.constant 16 : i32
      %mul3A_155 = arith.muli %add3A_153, %mul3A_154 : i32
      %add3A_156 = arith.constant 0 : i32
      %add3A_157 = arith.addi %add3A_156, %mul3A_155 : i32
      %get3A_158 = arith.index_cast %add3A_157 : i32 to index
      %get3A_159 = tpu.vector_load %arg6[%get3A_158] {strides = array<i32>} : memref<16384xi32, #tpu.memory_space<vmem>>, vector<16xi32>,
      %add3A_160 = arith.addi %mul3A_0, %add3A_157 : i32
      %add3A_161 = vector.broadcast %add3A_160 : i32 to vector<16xi32>
      %add3A_162 = arith.addi %add3A_161, %iota3A : vector<16xi32>
      %shift_right_arithmetic3A_163 = arith.constant 0 : i32
      %shift_right_arithmetic3A_164 = vector.broadcast %shift_right_arithmetic3A_163 : i32 to vector<16xi32>
      %shift_right_arithmetic3A_165 = arith.shrsi %get3A_159, %shift_right_arithmetic3A_164 : vector<16xi32>
      %and3A_166 = arith.constant 1023 : i32
      %and3A_167 = vector.broadcast %and3A_166 : i32 to vector<16xi32>
      %and3A_168 = arith.andi %shift_right_arithmetic3A_165, %and3A_167 : vector<16xi32>
      %broadcast_in_dim3A_169 = arith.constant true
      %broadcast_in_dim3A_170 = vector.broadcast %broadcast_in_dim3A_169 : i1 to vector<16xi1>
      %unique3A_171, %unique3A_172 = tpu.scan_count mask(%broadcast_in_dim3A_170 : vector<16xi1>) value(%and3A_168 : vector<16xi32>) : vector<16xi1>, vector<16xi32>
      %gather3A_173 = tpu.vector_load_idx %arg8[%and3A_168] : memref<1024xi32, #tpu.memory_space<vmem>>[vector<16xi32>], vector<16xi32>,
      %add3A_174 = arith.addi %gather3A_173, %unique3A_172 : vector<16xi32>
      %sub3A_175 = arith.constant 1 : i32
      %sub3A_176 = vector.broadcast %sub3A_175 : i32 to vector<16xi32>
      %sub3A_177 = arith.subi %add3A_174, %sub3A_176 : vector<16xi32>
      tpu.vector_store_idx %arg8[%and3A_168], %unique3A_172 masked %unique3A_171 {add = true} : memref<1024xi32, #tpu.memory_space<vmem>>[vector<16xi32>], vector<16xi32>, vector<16xi1>
      %swap3A_178 = arith.index_cast %add3A_157 : i32 to index
      %swap3A_179 = tpu.vector_load %arg13[%swap3A_178] {strides = array<i32>} : memref<16384xi32, #tpu.memory_space<vmem>>, vector<16xi32>,
      tpu.vector_store %arg13[%swap3A_178], %sub3A_177 {strides = array<i32>} : memref<16384xi32, #tpu.memory_space<vmem>>, vector<16xi32>,
      %swap3A_180 = arith.index_cast %add3A_157 : i32 to index
      %swap3A_181 = tpu.vector_load %arg7[%swap3A_180] {strides = array<i32>} : memref<16384xi32, #tpu.memory_space<vmem>>, vector<16xi32>,
      tpu.vector_store %arg7[%swap3A_180], %add3A_162 {strides = array<i32>} : memref<16384xi32, #tpu.memory_space<vmem>>, vector<16xi32>,
      %scan3A_182 = arith.constant 0 : i32
      scf.yield %scan3A_182 : i32
    }
    %scan3A_31 = arith.constant 512 : i32
    %dma_start3A = arith.constant 0 : i32
    %dma_start3A_32 = tpu.memref_slice %arg16[%dma_start3A] : memref<262144xi32, #tpu.memory_space<vmem_shared>> -> memref<262144xi32, #tpu.memory_space<vmem_shared>>
    tpu.enqueue_indirect_dma source(%arg7 : memref<16384xi32, #tpu.memory_space<vmem>>) target(%dma_start3A_32 : memref<262144xi32, #tpu.memory_space<vmem_shared>>) offsets(%arg13 : memref<16384xi32, #tpu.memory_space<vmem>>) semaphore(%arg18 : memref<!tpu.dma_semaphore, #tpu.memory_space<semaphore_mem>>)
    %dma_start3A_33 = arith.constant 0 : i32
    %dma_start3A_34 = tpu.memref_slice %arg17[%dma_start3A_33] : memref<262144xi32, #tpu.memory_space<vmem_shared>> -> memref<262144xi32, #tpu.memory_space<vmem_shared>>
    tpu.enqueue_indirect_dma source(%arg6 : memref<16384xi32, #tpu.memory_space<vmem>>) target(%dma_start3A_34 : memref<262144xi32, #tpu.memory_space<vmem_shared>>) offsets(%arg13 : memref<16384xi32, #tpu.memory_space<vmem>>) semaphore(%arg18 : memref<!tpu.dma_semaphore, #tpu.memory_space<semaphore_mem>>)
    %dma_wait3A = arith.constant 0 : i32
    %dma_wait3A_35 = tpu.memref_slice %arg16[%dma_wait3A] : memref<262144xi32, #tpu.memory_space<vmem_shared>> -> memref<262144xi32, #tpu.memory_space<vmem_shared>>
    tpu.wait_indirect_dma semaphore(%arg18 : memref<!tpu.dma_semaphore, #tpu.memory_space<semaphore_mem>>) src(%arg7 : memref<16384xi32, #tpu.memory_space<vmem>>) dst(%dma_wait3A_35 : memref<262144xi32, #tpu.memory_space<vmem_shared>>)
    %dma_wait3A_36 = arith.constant 0 : i32
    %dma_wait3A_37 = tpu.memref_slice %arg17[%dma_wait3A_36] : memref<262144xi32, #tpu.memory_space<vmem_shared>> -> memref<262144xi32, #tpu.memory_space<vmem_shared>>
    tpu.wait_indirect_dma semaphore(%arg18 : memref<!tpu.dma_semaphore, #tpu.memory_space<semaphore_mem>>) src(%arg6 : memref<16384xi32, #tpu.memory_space<vmem>>) dst(%dma_wait3A_37 : memref<262144xi32, #tpu.memory_space<vmem_shared>>)
    %barrier3A_38 = arith.constant 0 : index
    tpu.barrier barrier_id(%barrier3A_38)
    "tpu.region"() ({
      %run_scoped3A = tpu.sem_alloc : memref<!tpu.dma_semaphore, #tpu.memory_space<semaphore_mem>>
      %dma_start3A_123 = tpu.memref_slice %arg16[%mul3A_0] : memref<262144xi32, #tpu.memory_space<vmem_shared>> -> memref<16384xi32, #tpu.memory_space<vmem_shared>>
      %dma_start3A_124 = tpu.memref_slice %arg16[%mul3A_0] : memref<262144xi32, #tpu.memory_space<vmem_shared>> -> memref<16384xi32, #tpu.memory_space<vmem_shared>>
      tpu.enqueue_dma source(%dma_start3A_124 : memref<16384xi32, #tpu.memory_space<vmem_shared>>) target(%arg7 : memref<16384xi32, #tpu.memory_space<vmem>>) target_semaphore(%run_scoped3A : memref<!tpu.dma_semaphore, #tpu.memory_space<semaphore_mem>>)
      %dma_wait3A_125 = tpu.memref_slice %arg16[%mul3A_0] : memref<262144xi32, #tpu.memory_space<vmem_shared>> -> memref<16384xi32, #tpu.memory_space<vmem_shared>>
      %dma_wait3A_126 = tpu.memref_slice %arg16[%mul3A_0] : memref<262144xi32, #tpu.memory_space<vmem_shared>> -> memref<16384xi32, #tpu.memory_space<vmem_shared>>
      tpu.wait_dma2 semaphore(%run_scoped3A : memref<!tpu.dma_semaphore, #tpu.memory_space<semaphore_mem>>) src(%dma_wait3A_126 : memref<16384xi32, #tpu.memory_space<vmem_shared>>) dst(%arg7 : memref<16384xi32, #tpu.memory_space<vmem>>)
      tpu.yield
    }) : () -> ()
    "tpu.region"() ({
      %run_scoped3A = tpu.sem_alloc : memref<!tpu.dma_semaphore, #tpu.memory_space<semaphore_mem>>
      %dma_start3A_123 = tpu.memref_slice %arg17[%mul3A_0] : memref<262144xi32, #tpu.memory_space<vmem_shared>> -> memref<16384xi32, #tpu.memory_space<vmem_shared>>
      %dma_start3A_124 = tpu.memref_slice %arg17[%mul3A_0] : memref<262144xi32, #tpu.memory_space<vmem_shared>> -> memref<16384xi32, #tpu.memory_space<vmem_shared>>
      tpu.enqueue_dma source(%dma_start3A_124 : memref<16384xi32, #tpu.memory_space<vmem_shared>>) target(%arg6 : memref<16384xi32, #tpu.memory_space<vmem>>) target_semaphore(%run_scoped3A : memref<!tpu.dma_semaphore, #tpu.memory_space<semaphore_mem>>)
      %dma_wait3A_125 = tpu.memref_slice %arg17[%mul3A_0] : memref<262144xi32, #tpu.memory_space<vmem_shared>> -> memref<16384xi32, #tpu.memory_space<vmem_shared>>
      %dma_wait3A_126 = tpu.memref_slice %arg17[%mul3A_0] : memref<262144xi32, #tpu.memory_space<vmem_shared>> -> memref<16384xi32, #tpu.memory_space<vmem_shared>>
      tpu.wait_dma2 semaphore(%run_scoped3A : memref<!tpu.dma_semaphore, #tpu.memory_space<semaphore_mem>>) src(%dma_wait3A_126 : memref<16384xi32, #tpu.memory_space<vmem_shared>>) dst(%arg6 : memref<16384xi32, #tpu.memory_space<vmem>>)
      tpu.yield
    }) : () -> ()
    %scan3A_39 = arith.constant 0 : i32
    %scan3A_40 = arith.constant 0 : i32
    %scan3A_41 = arith.constant 64 : i32
    %scan3A_42 = arith.addi %scan3A_40, %scan3A_41 : i32
    %scan3A_43 = arith.constant 1 : i32
    %scan3A_44 = scf.for %scan3A_123 = %scan3A_40 to %scan3A_42 step %scan3A_43 iter_args(%scan3A_124 = %scan3A_39) -> (i32)  : i32 {
      %mul3A_125 = arith.constant 16 : i32
      %mul3A_126 = arith.muli %scan3A_123, %mul3A_125 : i32
      %swap3A = arith.index_cast %mul3A_126 : i32 to index
      %swap3A_127 = tpu.vector_load %arg8[%swap3A] {strides = array<i32>} : memref<1024xi32, #tpu.memory_space<vmem>>, vector<16xi32>,
      tpu.vector_store %arg8[%swap3A], %broadcast_in_dim3A_3 {strides = array<i32>} : memref<1024xi32, #tpu.memory_space<vmem>>, vector<16xi32>,
      %scan3A_128 = arith.constant 0 : i32
      scf.yield %scan3A_128 : i32
    }
    %scan3A_45 = arith.constant 64 : i32
    %scan3A_46 = arith.constant 0 : i32
    %scan3A_47 = arith.constant 0 : i32
    %scan3A_48 = arith.constant 512 : i32
    %scan3A_49 = arith.addi %scan3A_47, %scan3A_48 : i32
    %scan3A_50 = arith.constant 1 : i32
    %scan3A_51 = scf.for %scan3A_123 = %scan3A_47 to %scan3A_49 step %scan3A_50 iter_args(%scan3A_124 = %scan3A_46) -> (i32)  : i32 {
      %mul3A_125 = arith.constant 2 : i32
      %mul3A_126 = arith.muli %scan3A_123, %mul3A_125 : i32
      %add3A_127 = arith.constant 0 : i32
      %add3A_128 = arith.addi %mul3A_126, %add3A_127 : i32
      %mul3A_129 = arith.constant 16 : i32
      %mul3A_130 = arith.muli %add3A_128, %mul3A_129 : i32
      %add3A_131 = arith.constant 0 : i32
      %add3A_132 = arith.addi %add3A_131, %mul3A_130 : i32
      %get3A = arith.index_cast %add3A_132 : i32 to index
      %get3A_133 = tpu.vector_load %arg6[%get3A] {strides = array<i32>} : memref<16384xi32, #tpu.memory_space<vmem>>, vector<16xi32>,
      %shift_right_arithmetic3A = arith.constant 10 : i32
      %shift_right_arithmetic3A_134 = vector.broadcast %shift_right_arithmetic3A : i32 to vector<16xi32>
      %shift_right_arithmetic3A_135 = arith.shrsi %get3A_133, %shift_right_arithmetic3A_134 : vector<16xi32>
      %and3A = arith.constant 1023 : i32
      %and3A_136 = vector.broadcast %and3A : i32 to vector<16xi32>
      %and3A_137 = arith.andi %shift_right_arithmetic3A_135, %and3A_136 : vector<16xi32>
      %broadcast_in_dim3A_138 = arith.constant true
      %broadcast_in_dim3A_139 = vector.broadcast %broadcast_in_dim3A_138 : i1 to vector<16xi1>
      %unique3A, %unique3A_140 = tpu.scan_count mask(%broadcast_in_dim3A_139 : vector<16xi1>) value(%and3A_137 : vector<16xi32>) : vector<16xi1>, vector<16xi32>
      tpu.vector_store_idx %arg8[%and3A_137], %unique3A_140 masked %unique3A {add = true} : memref<1024xi32, #tpu.memory_space<vmem>>[vector<16xi32>], vector<16xi32>, vector<16xi1>
      %mul3A_141 = arith.constant 2 : i32
      %mul3A_142 = arith.muli %scan3A_123, %mul3A_141 : i32
      %add3A_143 = arith.constant 1 : i32
      %add3A_144 = arith.addi %mul3A_142, %add3A_143 : i32
      %mul3A_145 = arith.constant 16 : i32
      %mul3A_146 = arith.muli %add3A_144, %mul3A_145 : i32
      %add3A_147 = arith.constant 0 : i32
      %add3A_148 = arith.addi %add3A_147, %mul3A_146 : i32
      %get3A_149 = arith.index_cast %add3A_148 : i32 to index
      %get3A_150 = tpu.vector_load %arg6[%get3A_149] {strides = array<i32>} : memref<16384xi32, #tpu.memory_space<vmem>>, vector<16xi32>,
      %shift_right_arithmetic3A_151 = arith.constant 10 : i32
      %shift_right_arithmetic3A_152 = vector.broadcast %shift_right_arithmetic3A_151 : i32 to vector<16xi32>
      %shift_right_arithmetic3A_153 = arith.shrsi %get3A_150, %shift_right_arithmetic3A_152 : vector<16xi32>
      %and3A_154 = arith.constant 1023 : i32
      %and3A_155 = vector.broadcast %and3A_154 : i32 to vector<16xi32>
      %and3A_156 = arith.andi %shift_right_arithmetic3A_153, %and3A_155 : vector<16xi32>
      %broadcast_in_dim3A_157 = arith.constant true
      %broadcast_in_dim3A_158 = vector.broadcast %broadcast_in_dim3A_157 : i1 to vector<16xi1>
      %unique3A_159, %unique3A_160 = tpu.scan_count mask(%broadcast_in_dim3A_158 : vector<16xi1>) value(%and3A_156 : vector<16xi32>) : vector<16xi1>, vector<16xi32>
      tpu.vector_store_idx %arg8[%and3A_156], %unique3A_160 masked %unique3A_159 {add = true} : memref<1024xi32, #tpu.memory_space<vmem>>[vector<16xi32>], vector<16xi32>, vector<16xi1>
      %scan3A_161 = arith.constant 0 : i32
      scf.yield %scan3A_161 : i32
    }
    %scan3A_52 = arith.constant 512 : i32
    %add3A_53 = arith.constant 0 : i32
    %add3A_54 = arith.addi %mul3A_2, %add3A_53 : i32
    "tpu.region"() ({
      %run_scoped3A = tpu.sem_alloc : memref<!tpu.dma_semaphore, #tpu.memory_space<semaphore_mem>>
      %dma_start3A_123 = arith.constant 0 : i32
      %dma_start3A_124 = tpu.memref_slice %arg15[%add3A_54, %dma_start3A_123] : memref<16x1024xi32, #tpu.memory_space<hbm>> -> memref<1x1024xi32, #tpu.memory_space<hbm>>
      %dma_start3A_125 = tpu.memref_squeeze %dma_start3A_124 : memref<1x1024xi32, #tpu.memory_space<hbm>> -> memref<1024xi32, #tpu.memory_space<hbm>>
      %dma_start3A_126 = arith.constant 0 : i32
      %dma_start3A_127 = tpu.memref_slice %arg15[%add3A_54, %dma_start3A_126] : memref<16x1024xi32, #tpu.memory_space<hbm>> -> memref<1x1024xi32, #tpu.memory_space<hbm>>
      %dma_start3A_128 = tpu.memref_squeeze %dma_start3A_127 : memref<1x1024xi32, #tpu.memory_space<hbm>> -> memref<1024xi32, #tpu.memory_space<hbm>>
      tpu.enqueue_dma source(%arg8 : memref<1024xi32, #tpu.memory_space<vmem>>) target(%dma_start3A_128 : memref<1024xi32, #tpu.memory_space<hbm>>) target_semaphore(%run_scoped3A : memref<!tpu.dma_semaphore, #tpu.memory_space<semaphore_mem>>)
      %dma_wait3A_129 = arith.constant 0 : i32
      %dma_wait3A_130 = tpu.memref_slice %arg15[%add3A_54, %dma_wait3A_129] : memref<16x1024xi32, #tpu.memory_space<hbm>> -> memref<1x1024xi32, #tpu.memory_space<hbm>>
      %dma_wait3A_131 = tpu.memref_squeeze %dma_wait3A_130 : memref<1x1024xi32, #tpu.memory_space<hbm>> -> memref<1024xi32, #tpu.memory_space<hbm>>
      %dma_wait3A_132 = arith.constant 0 : i32
      %dma_wait3A_133 = tpu.memref_slice %arg15[%add3A_54, %dma_wait3A_132] : memref<16x1024xi32, #tpu.memory_space<hbm>> -> memref<1x1024xi32, #tpu.memory_space<hbm>>
      %dma_wait3A_134 = tpu.memref_squeeze %dma_wait3A_133 : memref<1x1024xi32, #tpu.memory_space<hbm>> -> memref<1024xi32, #tpu.memory_space<hbm>>
      tpu.wait_dma2 semaphore(%run_scoped3A : memref<!tpu.dma_semaphore, #tpu.memory_space<semaphore_mem>>) src(%arg8 : memref<1024xi32, #tpu.memory_space<vmem>>) dst(%dma_wait3A_134 : memref<1024xi32, #tpu.memory_space<hbm>>)
      tpu.yield
    }) : () -> ()
    %barrier3A_55 = arith.constant 0 : index
    tpu.barrier barrier_id(%barrier3A_55)
    %scan3A_56 = arith.constant 0 : i32
    %scan3A_57 = arith.constant 0 : i32
    %scan3A_58 = arith.constant 8 : i32
    %scan3A_59 = arith.addi %scan3A_57, %scan3A_58 : i32
    %scan3A_60 = arith.constant 1 : i32
    %scan3A_61 = scf.for %scan3A_123 = %scan3A_57 to %scan3A_59 step %scan3A_60 iter_args(%scan3A_124 = %scan3A_56) -> (i32)  : i32 {
      %mul3A_125 = arith.constant 128 : i32
      %mul3A_126 = arith.muli %scan3A_123, %mul3A_125 : i32
      "tpu.region"() ({
        %run_scoped3A = tpu.sem_alloc : memref<!tpu.dma_semaphore, #tpu.memory_space<semaphore_mem>>
        %dma_start3A_133 = arith.constant 0 : i32
        %dma_start3A_134 = tpu.memref_slice %arg15[%dma_start3A_133, %mul3A_126] : memref<16x1024xi32, #tpu.memory_space<hbm>> -> memref<16x128xi32, #tpu.memory_space<hbm>>
        %dma_start3A_135 = arith.constant 0 : i32
        %dma_start3A_136 = tpu.memref_slice %arg15[%dma_start3A_135, %mul3A_126] : memref<16x1024xi32, #tpu.memory_space<hbm>> -> memref<16x128xi32, #tpu.memory_space<hbm>>
        tpu.enqueue_dma source(%dma_start3A_136 : memref<16x128xi32, #tpu.memory_space<hbm>>) target(%arg12 : memref<16x128xi32, #tpu.memory_space<vmem>>) target_semaphore(%run_scoped3A : memref<!tpu.dma_semaphore, #tpu.memory_space<semaphore_mem>>)
        %dma_wait3A_137 = arith.constant 0 : i32
        %dma_wait3A_138 = tpu.memref_slice %arg15[%dma_wait3A_137, %mul3A_126] : memref<16x1024xi32, #tpu.memory_space<hbm>> -> memref<16x128xi32, #tpu.memory_space<hbm>>
        %dma_wait3A_139 = arith.constant 0 : i32
        %dma_wait3A_140 = tpu.memref_slice %arg15[%dma_wait3A_139, %mul3A_126] : memref<16x1024xi32, #tpu.memory_space<hbm>> -> memref<16x128xi32, #tpu.memory_space<hbm>>
        tpu.wait_dma2 semaphore(%run_scoped3A : memref<!tpu.dma_semaphore, #tpu.memory_space<semaphore_mem>>) src(%dma_wait3A_140 : memref<16x128xi32, #tpu.memory_space<hbm>>) dst(%arg12 : memref<16x128xi32, #tpu.memory_space<vmem>>)
        tpu.yield
      }) : () -> ()
      %scan3A_127 = arith.constant 0 : i32
      %scan3A_128 = arith.constant 8 : i32
      %scan3A_129 = arith.addi %scan3A_127, %scan3A_128 : i32
      %scan3A_130 = arith.constant 1 : i32
      %scan3A_131 = scf.for %scan3A_133 = %scan3A_127 to %scan3A_129 step %scan3A_130 iter_args(%scan3A_134 = %scan3A_124) -> (i32)  : i32 {
        %mul3A_135 = arith.constant 16 : i32
        %mul3A_136 = arith.muli %scan3A_133, %mul3A_135 : i32
        %broadcast_in_dim3A_137 = arith.constant 0 : i32
        %broadcast_in_dim3A_138 = vector.broadcast %broadcast_in_dim3A_137 : i32 to vector<16xi32>
        %get3A = arith.constant 0 : i32
        %get3A_139 = arith.index_cast %get3A : i32 to index
        %get3A_140 = arith.index_cast %mul3A_136 : i32 to index
        %get3A_141 = tpu.vector_load %arg12[%get3A_139, %get3A_140] {strides = array<i32>} : memref<16x128xi32, #tpu.memory_space<vmem>>, vector<16xi32>,
        %add3A_142 = arith.addi %broadcast_in_dim3A_138, %get3A_141 : vector<16xi32>
        %get3A_143 = arith.constant 1 : i32
        %get3A_144 = arith.index_cast %get3A_143 : i32 to index
        %get3A_145 = arith.index_cast %mul3A_136 : i32 to index
        %get3A_146 = tpu.vector_load %arg12[%get3A_144, %get3A_145] {strides = array<i32>} : memref<16x128xi32, #tpu.memory_space<vmem>>, vector<16xi32>,
        %add3A_147 = arith.addi %add3A_142, %get3A_146 : vector<16xi32>
        %get3A_148 = arith.constant 2 : i32
        %get3A_149 = arith.index_cast %get3A_148 : i32 to index
        %get3A_150 = arith.index_cast %mul3A_136 : i32 to index
        %get3A_151 = tpu.vector_load %arg12[%get3A_149, %get3A_150] {strides = array<i32>} : memref<16x128xi32, #tpu.memory_space<vmem>>, vector<16xi32>,
        %add3A_152 = arith.addi %add3A_147, %get3A_151 : vector<16xi32>
        %get3A_153 = arith.constant 3 : i32
        %get3A_154 = arith.index_cast %get3A_153 : i32 to index
        %get3A_155 = arith.index_cast %mul3A_136 : i32 to index
        %get3A_156 = tpu.vector_load %arg12[%get3A_154, %get3A_155] {strides = array<i32>} : memref<16x128xi32, #tpu.memory_space<vmem>>, vector<16xi32>,
        %add3A_157 = arith.addi %add3A_152, %get3A_156 : vector<16xi32>
        %get3A_158 = arith.constant 4 : i32
        %get3A_159 = arith.index_cast %get3A_158 : i32 to index
        %get3A_160 = arith.index_cast %mul3A_136 : i32 to index
        %get3A_161 = tpu.vector_load %arg12[%get3A_159, %get3A_160] {strides = array<i32>} : memref<16x128xi32, #tpu.memory_space<vmem>>, vector<16xi32>,
        %add3A_162 = arith.addi %add3A_157, %get3A_161 : vector<16xi32>
        %get3A_163 = arith.constant 5 : i32
        %get3A_164 = arith.index_cast %get3A_163 : i32 to index
        %get3A_165 = arith.index_cast %mul3A_136 : i32 to index
        %get3A_166 = tpu.vector_load %arg12[%get3A_164, %get3A_165] {strides = array<i32>} : memref<16x128xi32, #tpu.memory_space<vmem>>, vector<16xi32>,
        %add3A_167 = arith.addi %add3A_162, %get3A_166 : vector<16xi32>
        %get3A_168 = arith.constant 6 : i32
        %get3A_169 = arith.index_cast %get3A_168 : i32 to index
        %get3A_170 = arith.index_cast %mul3A_136 : i32 to index
        %get3A_171 = tpu.vector_load %arg12[%get3A_169, %get3A_170] {strides = array<i32>} : memref<16x128xi32, #tpu.memory_space<vmem>>, vector<16xi32>,
        %add3A_172 = arith.addi %add3A_167, %get3A_171 : vector<16xi32>
        %get3A_173 = arith.constant 7 : i32
        %get3A_174 = arith.index_cast %get3A_173 : i32 to index
        %get3A_175 = arith.index_cast %mul3A_136 : i32 to index
        %get3A_176 = tpu.vector_load %arg12[%get3A_174, %get3A_175] {strides = array<i32>} : memref<16x128xi32, #tpu.memory_space<vmem>>, vector<16xi32>,
        %add3A_177 = arith.addi %add3A_172, %get3A_176 : vector<16xi32>
        %get3A_178 = arith.constant 8 : i32
        %get3A_179 = arith.index_cast %get3A_178 : i32 to index
        %get3A_180 = arith.index_cast %mul3A_136 : i32 to index
        %get3A_181 = tpu.vector_load %arg12[%get3A_179, %get3A_180] {strides = array<i32>} : memref<16x128xi32, #tpu.memory_space<vmem>>, vector<16xi32>,
        %add3A_182 = arith.addi %add3A_177, %get3A_181 : vector<16xi32>
        %get3A_183 = arith.constant 9 : i32
        %get3A_184 = arith.index_cast %get3A_183 : i32 to index
        %get3A_185 = arith.index_cast %mul3A_136 : i32 to index
        %get3A_186 = tpu.vector_load %arg12[%get3A_184, %get3A_185] {strides = array<i32>} : memref<16x128xi32, #tpu.memory_space<vmem>>, vector<16xi32>,
        %add3A_187 = arith.addi %add3A_182, %get3A_186 : vector<16xi32>
        %get3A_188 = arith.constant 10 : i32
        %get3A_189 = arith.index_cast %get3A_188 : i32 to index
        %get3A_190 = arith.index_cast %mul3A_136 : i32 to index
        %get3A_191 = tpu.vector_load %arg12[%get3A_189, %get3A_190] {strides = array<i32>} : memref<16x128xi32, #tpu.memory_space<vmem>>, vector<16xi32>,
        %add3A_192 = arith.addi %add3A_187, %get3A_191 : vector<16xi32>
        %get3A_193 = arith.constant 11 : i32
        %get3A_194 = arith.index_cast %get3A_193 : i32 to index
        %get3A_195 = arith.index_cast %mul3A_136 : i32 to index
        %get3A_196 = tpu.vector_load %arg12[%get3A_194, %get3A_195] {strides = array<i32>} : memref<16x128xi32, #tpu.memory_space<vmem>>, vector<16xi32>,
        %add3A_197 = arith.addi %add3A_192, %get3A_196 : vector<16xi32>
        %get3A_198 = arith.constant 12 : i32
        %get3A_199 = arith.index_cast %get3A_198 : i32 to index
        %get3A_200 = arith.index_cast %mul3A_136 : i32 to index
        %get3A_201 = tpu.vector_load %arg12[%get3A_199, %get3A_200] {strides = array<i32>} : memref<16x128xi32, #tpu.memory_space<vmem>>, vector<16xi32>,
        %add3A_202 = arith.addi %add3A_197, %get3A_201 : vector<16xi32>
        %get3A_203 = arith.constant 13 : i32
        %get3A_204 = arith.index_cast %get3A_203 : i32 to index
        %get3A_205 = arith.index_cast %mul3A_136 : i32 to index
        %get3A_206 = tpu.vector_load %arg12[%get3A_204, %get3A_205] {strides = array<i32>} : memref<16x128xi32, #tpu.memory_space<vmem>>, vector<16xi32>,
        %add3A_207 = arith.addi %add3A_202, %get3A_206 : vector<16xi32>
        %get3A_208 = arith.constant 14 : i32
        %get3A_209 = arith.index_cast %get3A_208 : i32 to index
        %get3A_210 = arith.index_cast %mul3A_136 : i32 to index
        %get3A_211 = tpu.vector_load %arg12[%get3A_209, %get3A_210] {strides = array<i32>} : memref<16x128xi32, #tpu.memory_space<vmem>>, vector<16xi32>,
        %add3A_212 = arith.addi %add3A_207, %get3A_211 : vector<16xi32>
        %get3A_213 = arith.constant 15 : i32
        %get3A_214 = arith.index_cast %get3A_213 : i32 to index
        %get3A_215 = arith.index_cast %mul3A_136 : i32 to index
        %get3A_216 = tpu.vector_load %arg12[%get3A_214, %get3A_215] {strides = array<i32>} : memref<16x128xi32, #tpu.memory_space<vmem>>, vector<16xi32>,
        %add3A_217 = arith.addi %add3A_212, %get3A_216 : vector<16xi32>
        %broadcast_in_dim3A_218 = arith.constant true
        %broadcast_in_dim3A_219 = vector.broadcast %broadcast_in_dim3A_218 : i1 to vector<16xi1>
        %masked_cumsum3A = tpu.scan <sum>, %add3A_217 masked %broadcast_in_dim3A_219 : vector<16xi32>, vector<16xi1> -> vector<16xi32>
        %sub3A = arith.subi %masked_cumsum3A, %add3A_217 : vector<16xi32>
        %add3A_220 = vector.broadcast %scan3A_134 : i32 to vector<16xi32>
        %add3A_221 = arith.addi %sub3A, %add3A_220 : vector<16xi32>
        %broadcast_in_dim3A_222 = arith.constant 0 : i32
        %broadcast_in_dim3A_223 = vector.broadcast %broadcast_in_dim3A_222 : i32 to vector<16xi32>
        %gt3A = arith.constant 0 : i32
        %gt3A_224 = arith.cmpi sgt, %mul3A_2, %gt3A : i32
        %get3A_225 = arith.constant 0 : i32
        %get3A_226 = arith.index_cast %get3A_225 : i32 to index
        %get3A_227 = arith.index_cast %mul3A_136 : i32 to index
        %get3A_228 = tpu.vector_load %arg12[%get3A_226, %get3A_227] {strides = array<i32>} : memref<16x128xi32, #tpu.memory_space<vmem>>, vector<16xi32>,
        %jit3A = arith.constant 0 : i32
        %broadcast_in_dim3A_229 = vector.broadcast %jit3A : i32 to vector<16xi32>
        %select_n3A = arith.select %gt3A_224, %get3A_228, %broadcast_in_dim3A_229 : vector<16xi32>
        %add3A_230 = arith.addi %broadcast_in_dim3A_223, %select_n3A : vector<16xi32>
        %gt3A_231 = arith.constant 1 : i32
        %gt3A_232 = arith.cmpi sgt, %mul3A_2, %gt3A_231 : i32
        %get3A_233 = arith.constant 1 : i32
        %get3A_234 = arith.index_cast %get3A_233 : i32 to index
        %get3A_235 = arith.index_cast %mul3A_136 : i32 to index
        %get3A_236 = tpu.vector_load %arg12[%get3A_234, %get3A_235] {strides = array<i32>} : memref<16x128xi32, #tpu.memory_space<vmem>>, vector<16xi32>,
        %jit3A_237 = arith.constant 0 : i32
        %broadcast_in_dim3A_238 = vector.broadcast %jit3A_237 : i32 to vector<16xi32>
        %select_n3A_239 = arith.select %gt3A_232, %get3A_236, %broadcast_in_dim3A_238 : vector<16xi32>
        %add3A_240 = arith.addi %add3A_230, %select_n3A_239 : vector<16xi32>
        %gt3A_241 = arith.constant 2 : i32
        %gt3A_242 = arith.cmpi sgt, %mul3A_2, %gt3A_241 : i32
        %get3A_243 = arith.constant 2 : i32
        %get3A_244 = arith.index_cast %get3A_243 : i32 to index
        %get3A_245 = arith.index_cast %mul3A_136 : i32 to index
        %get3A_246 = tpu.vector_load %arg12[%get3A_244, %get3A_245] {strides = array<i32>} : memref<16x128xi32, #tpu.memory_space<vmem>>, vector<16xi32>,
        %jit3A_247 = arith.constant 0 : i32
        %broadcast_in_dim3A_248 = vector.broadcast %jit3A_247 : i32 to vector<16xi32>
        %select_n3A_249 = arith.select %gt3A_242, %get3A_246, %broadcast_in_dim3A_248 : vector<16xi32>
        %add3A_250 = arith.addi %add3A_240, %select_n3A_249 : vector<16xi32>
        %gt3A_251 = arith.constant 3 : i32
        %gt3A_252 = arith.cmpi sgt, %mul3A_2, %gt3A_251 : i32
        %get3A_253 = arith.constant 3 : i32
        %get3A_254 = arith.index_cast %get3A_253 : i32 to index
        %get3A_255 = arith.index_cast %mul3A_136 : i32 to index
        %get3A_256 = tpu.vector_load %arg12[%get3A_254, %get3A_255] {strides = array<i32>} : memref<16x128xi32, #tpu.memory_space<vmem>>, vector<16xi32>,
        %jit3A_257 = arith.constant 0 : i32
        %broadcast_in_dim3A_258 = vector.broadcast %jit3A_257 : i32 to vector<16xi32>
        %select_n3A_259 = arith.select %gt3A_252, %get3A_256, %broadcast_in_dim3A_258 : vector<16xi32>
        %add3A_260 = arith.addi %add3A_250, %select_n3A_259 : vector<16xi32>
        %gt3A_261 = arith.constant 4 : i32
        %gt3A_262 = arith.cmpi sgt, %mul3A_2, %gt3A_261 : i32
        %get3A_263 = arith.constant 4 : i32
        %get3A_264 = arith.index_cast %get3A_263 : i32 to index
        %get3A_265 = arith.index_cast %mul3A_136 : i32 to index
        %get3A_266 = tpu.vector_load %arg12[%get3A_264, %get3A_265] {strides = array<i32>} : memref<16x128xi32, #tpu.memory_space<vmem>>, vector<16xi32>,
        %jit3A_267 = arith.constant 0 : i32
        %broadcast_in_dim3A_268 = vector.broadcast %jit3A_267 : i32 to vector<16xi32>
        %select_n3A_269 = arith.select %gt3A_262, %get3A_266, %broadcast_in_dim3A_268 : vector<16xi32>
        %add3A_270 = arith.addi %add3A_260, %select_n3A_269 : vector<16xi32>
        %gt3A_271 = arith.constant 5 : i32
        %gt3A_272 = arith.cmpi sgt, %mul3A_2, %gt3A_271 : i32
        %get3A_273 = arith.constant 5 : i32
        %get3A_274 = arith.index_cast %get3A_273 : i32 to index
        %get3A_275 = arith.index_cast %mul3A_136 : i32 to index
        %get3A_276 = tpu.vector_load %arg12[%get3A_274, %get3A_275] {strides = array<i32>} : memref<16x128xi32, #tpu.memory_space<vmem>>, vector<16xi32>,
        %jit3A_277 = arith.constant 0 : i32
        %broadcast_in_dim3A_278 = vector.broadcast %jit3A_277 : i32 to vector<16xi32>
        %select_n3A_279 = arith.select %gt3A_272, %get3A_276, %broadcast_in_dim3A_278 : vector<16xi32>
        %add3A_280 = arith.addi %add3A_270, %select_n3A_279 : vector<16xi32>
        %gt3A_281 = arith.constant 6 : i32
        %gt3A_282 = arith.cmpi sgt, %mul3A_2, %gt3A_281 : i32
        %get3A_283 = arith.constant 6 : i32
        %get3A_284 = arith.index_cast %get3A_283 : i32 to index
        %get3A_285 = arith.index_cast %mul3A_136 : i32 to index
        %get3A_286 = tpu.vector_load %arg12[%get3A_284, %get3A_285] {strides = array<i32>} : memref<16x128xi32, #tpu.memory_space<vmem>>, vector<16xi32>,
        %jit3A_287 = arith.constant 0 : i32
        %broadcast_in_dim3A_288 = vector.broadcast %jit3A_287 : i32 to vector<16xi32>
        %select_n3A_289 = arith.select %gt3A_282, %get3A_286, %broadcast_in_dim3A_288 : vector<16xi32>
        %add3A_290 = arith.addi %add3A_280, %select_n3A_289 : vector<16xi32>
        %gt3A_291 = arith.constant 7 : i32
        %gt3A_292 = arith.cmpi sgt, %mul3A_2, %gt3A_291 : i32
        %get3A_293 = arith.constant 7 : i32
        %get3A_294 = arith.index_cast %get3A_293 : i32 to index
        %get3A_295 = arith.index_cast %mul3A_136 : i32 to index
        %get3A_296 = tpu.vector_load %arg12[%get3A_294, %get3A_295] {strides = array<i32>} : memref<16x128xi32, #tpu.memory_space<vmem>>, vector<16xi32>,
        %jit3A_297 = arith.constant 0 : i32
        %broadcast_in_dim3A_298 = vector.broadcast %jit3A_297 : i32 to vector<16xi32>
        %select_n3A_299 = arith.select %gt3A_292, %get3A_296, %broadcast_in_dim3A_298 : vector<16xi32>
        %add3A_300 = arith.addi %add3A_290, %select_n3A_299 : vector<16xi32>
        %gt3A_301 = arith.constant 8 : i32
        %gt3A_302 = arith.cmpi sgt, %mul3A_2, %gt3A_301 : i32
        %get3A_303 = arith.constant 8 : i32
        %get3A_304 = arith.index_cast %get3A_303 : i32 to index
        %get3A_305 = arith.index_cast %mul3A_136 : i32 to index
        %get3A_306 = tpu.vector_load %arg12[%get3A_304, %get3A_305] {strides = array<i32>} : memref<16x128xi32, #tpu.memory_space<vmem>>, vector<16xi32>,
        %jit3A_307 = arith.constant 0 : i32
        %broadcast_in_dim3A_308 = vector.broadcast %jit3A_307 : i32 to vector<16xi32>
        %select_n3A_309 = arith.select %gt3A_302, %get3A_306, %broadcast_in_dim3A_308 : vector<16xi32>
        %add3A_310 = arith.addi %add3A_300, %select_n3A_309 : vector<16xi32>
        %gt3A_311 = arith.constant 9 : i32
        %gt3A_312 = arith.cmpi sgt, %mul3A_2, %gt3A_311 : i32
        %get3A_313 = arith.constant 9 : i32
        %get3A_314 = arith.index_cast %get3A_313 : i32 to index
        %get3A_315 = arith.index_cast %mul3A_136 : i32 to index
        %get3A_316 = tpu.vector_load %arg12[%get3A_314, %get3A_315] {strides = array<i32>} : memref<16x128xi32, #tpu.memory_space<vmem>>, vector<16xi32>,
        %jit3A_317 = arith.constant 0 : i32
        %broadcast_in_dim3A_318 = vector.broadcast %jit3A_317 : i32 to vector<16xi32>
        %select_n3A_319 = arith.select %gt3A_312, %get3A_316, %broadcast_in_dim3A_318 : vector<16xi32>
        %add3A_320 = arith.addi %add3A_310, %select_n3A_319 : vector<16xi32>
        %gt3A_321 = arith.constant 10 : i32
        %gt3A_322 = arith.cmpi sgt, %mul3A_2, %gt3A_321 : i32
        %get3A_323 = arith.constant 10 : i32
        %get3A_324 = arith.index_cast %get3A_323 : i32 to index
        %get3A_325 = arith.index_cast %mul3A_136 : i32 to index
        %get3A_326 = tpu.vector_load %arg12[%get3A_324, %get3A_325] {strides = array<i32>} : memref<16x128xi32, #tpu.memory_space<vmem>>, vector<16xi32>,
        %jit3A_327 = arith.constant 0 : i32
        %broadcast_in_dim3A_328 = vector.broadcast %jit3A_327 : i32 to vector<16xi32>
        %select_n3A_329 = arith.select %gt3A_322, %get3A_326, %broadcast_in_dim3A_328 : vector<16xi32>
        %add3A_330 = arith.addi %add3A_320, %select_n3A_329 : vector<16xi32>
        %gt3A_331 = arith.constant 11 : i32
        %gt3A_332 = arith.cmpi sgt, %mul3A_2, %gt3A_331 : i32
        %get3A_333 = arith.constant 11 : i32
        %get3A_334 = arith.index_cast %get3A_333 : i32 to index
        %get3A_335 = arith.index_cast %mul3A_136 : i32 to index
        %get3A_336 = tpu.vector_load %arg12[%get3A_334, %get3A_335] {strides = array<i32>} : memref<16x128xi32, #tpu.memory_space<vmem>>, vector<16xi32>,
        %jit3A_337 = arith.constant 0 : i32
        %broadcast_in_dim3A_338 = vector.broadcast %jit3A_337 : i32 to vector<16xi32>
        %select_n3A_339 = arith.select %gt3A_332, %get3A_336, %broadcast_in_dim3A_338 : vector<16xi32>
        %add3A_340 = arith.addi %add3A_330, %select_n3A_339 : vector<16xi32>
        %gt3A_341 = arith.constant 12 : i32
        %gt3A_342 = arith.cmpi sgt, %mul3A_2, %gt3A_341 : i32
        %get3A_343 = arith.constant 12 : i32
        %get3A_344 = arith.index_cast %get3A_343 : i32 to index
        %get3A_345 = arith.index_cast %mul3A_136 : i32 to index
        %get3A_346 = tpu.vector_load %arg12[%get3A_344, %get3A_345] {strides = array<i32>} : memref<16x128xi32, #tpu.memory_space<vmem>>, vector<16xi32>,
        %jit3A_347 = arith.constant 0 : i32
        %broadcast_in_dim3A_348 = vector.broadcast %jit3A_347 : i32 to vector<16xi32>
        %select_n3A_349 = arith.select %gt3A_342, %get3A_346, %broadcast_in_dim3A_348 : vector<16xi32>
        %add3A_350 = arith.addi %add3A_340, %select_n3A_349 : vector<16xi32>
        %gt3A_351 = arith.constant 13 : i32
        %gt3A_352 = arith.cmpi sgt, %mul3A_2, %gt3A_351 : i32
        %get3A_353 = arith.constant 13 : i32
        %get3A_354 = arith.index_cast %get3A_353 : i32 to index
        %get3A_355 = arith.index_cast %mul3A_136 : i32 to index
        %get3A_356 = tpu.vector_load %arg12[%get3A_354, %get3A_355] {strides = array<i32>} : memref<16x128xi32, #tpu.memory_space<vmem>>, vector<16xi32>,
        %jit3A_357 = arith.constant 0 : i32
        %broadcast_in_dim3A_358 = vector.broadcast %jit3A_357 : i32 to vector<16xi32>
        %select_n3A_359 = arith.select %gt3A_352, %get3A_356, %broadcast_in_dim3A_358 : vector<16xi32>
        %add3A_360 = arith.addi %add3A_350, %select_n3A_359 : vector<16xi32>
        %gt3A_361 = arith.constant 14 : i32
        %gt3A_362 = arith.cmpi sgt, %mul3A_2, %gt3A_361 : i32
        %get3A_363 = arith.constant 14 : i32
        %get3A_364 = arith.index_cast %get3A_363 : i32 to index
        %get3A_365 = arith.index_cast %mul3A_136 : i32 to index
        %get3A_366 = tpu.vector_load %arg12[%get3A_364, %get3A_365] {strides = array<i32>} : memref<16x128xi32, #tpu.memory_space<vmem>>, vector<16xi32>,
        %jit3A_367 = arith.constant 0 : i32
        %broadcast_in_dim3A_368 = vector.broadcast %jit3A_367 : i32 to vector<16xi32>
        %select_n3A_369 = arith.select %gt3A_362, %get3A_366, %broadcast_in_dim3A_368 : vector<16xi32>
        %add3A_370 = arith.addi %add3A_360, %select_n3A_369 : vector<16xi32>
        %gt3A_371 = arith.constant 15 : i32
        %gt3A_372 = arith.cmpi sgt, %mul3A_2, %gt3A_371 : i32
        %get3A_373 = arith.constant 15 : i32
        %get3A_374 = arith.index_cast %get3A_373 : i32 to index
        %get3A_375 = arith.index_cast %mul3A_136 : i32 to index
        %get3A_376 = tpu.vector_load %arg12[%get3A_374, %get3A_375] {strides = array<i32>} : memref<16x128xi32, #tpu.memory_space<vmem>>, vector<16xi32>,
        %jit3A_377 = arith.constant 0 : i32
        %broadcast_in_dim3A_378 = vector.broadcast %jit3A_377 : i32 to vector<16xi32>
        %select_n3A_379 = arith.select %gt3A_372, %get3A_376, %broadcast_in_dim3A_378 : vector<16xi32>
        %add3A_380 = arith.addi %add3A_370, %select_n3A_379 : vector<16xi32>
        %add3A_381 = arith.addi %add3A_221, %add3A_380 : vector<16xi32>
        %mul3A_382 = arith.constant 128 : i32
        %mul3A_383 = arith.muli %scan3A_123, %mul3A_382 : i32
        %mul3A_384 = arith.constant 16 : i32
        %mul3A_385 = arith.muli %scan3A_133, %mul3A_384 : i32
        %add3A_386 = arith.addi %mul3A_383, %mul3A_385 : i32
        %swap3A = arith.index_cast %add3A_386 : i32 to index
        %swap3A_387 = tpu.vector_load %arg8[%swap3A] {strides = array<i32>} : memref<1024xi32, #tpu.memory_space<vmem>>, vector<16xi32>,
        tpu.vector_store %arg8[%swap3A], %add3A_381 {strides = array<i32>} : memref<1024xi32, #tpu.memory_space<vmem>>, vector<16xi32>,
        %reduce_sum3A = arith.constant true
        %reduce_sum3A_388 = vector.broadcast %reduce_sum3A : i1 to vector<16xi1>
        %reduce_sum3A_389 = tpu.scan <sum>, %add3A_217 masked %reduce_sum3A_388 : vector<16xi32>, vector<16xi1> -> vector<16xi32>
        %reduce_sum3A_390 = vector.extract %reduce_sum3A_389[15] : i32 from vector<16xi32>
        %add3A_391 = arith.addi %scan3A_134, %reduce_sum3A_390 : i32
        scf.yield %add3A_391 : i32
      }
      %scan3A_132 = arith.constant 8 : i32
      scf.yield %scan3A_131 : i32
    }
    %scan3A_62 = arith.constant 8 : i32
    %scan3A_63 = arith.constant 0 : i32
    %scan3A_64 = arith.constant 0 : i32
    %scan3A_65 = arith.constant 512 : i32
    %scan3A_66 = arith.addi %scan3A_64, %scan3A_65 : i32
    %scan3A_67 = arith.constant 1 : i32
    %scan3A_68 = scf.for %scan3A_123 = %scan3A_64 to %scan3A_66 step %scan3A_67 iter_args(%scan3A_124 = %scan3A_63) -> (i32)  : i32 {
      %mul3A_125 = arith.constant 2 : i32
      %mul3A_126 = arith.muli %scan3A_123, %mul3A_125 : i32
      %add3A_127 = arith.constant 0 : i32
      %add3A_128 = arith.addi %mul3A_126, %add3A_127 : i32
      %mul3A_129 = arith.constant 16 : i32
      %mul3A_130 = arith.muli %add3A_128, %mul3A_129 : i32
      %add3A_131 = arith.constant 0 : i32
      %add3A_132 = arith.addi %add3A_131, %mul3A_130 : i32
      %get3A = arith.index_cast %add3A_132 : i32 to index
      %get3A_133 = tpu.vector_load %arg6[%get3A] {strides = array<i32>} : memref<16384xi32, #tpu.memory_space<vmem>>, vector<16xi32>,
      %get3A_134 = arith.index_cast %add3A_132 : i32 to index
      %get3A_135 = tpu.vector_load %arg7[%get3A_134] {strides = array<i32>} : memref<16384xi32, #tpu.memory_space<vmem>>, vector<16xi32>,
      %shift_right_arithmetic3A = arith.constant 10 : i32
      %shift_right_arithmetic3A_136 = vector.broadcast %shift_right_arithmetic3A : i32 to vector<16xi32>
      %shift_right_arithmetic3A_137 = arith.shrsi %get3A_133, %shift_right_arithmetic3A_136 : vector<16xi32>
      %and3A = arith.constant 1023 : i32
      %and3A_138 = vector.broadcast %and3A : i32 to vector<16xi32>
      %and3A_139 = arith.andi %shift_right_arithmetic3A_137, %and3A_138 : vector<16xi32>
      %broadcast_in_dim3A_140 = arith.constant true
      %broadcast_in_dim3A_141 = vector.broadcast %broadcast_in_dim3A_140 : i1 to vector<16xi1>
      %unique3A, %unique3A_142 = tpu.scan_count mask(%broadcast_in_dim3A_141 : vector<16xi1>) value(%and3A_139 : vector<16xi32>) : vector<16xi1>, vector<16xi32>
      %gather3A = tpu.vector_load_idx %arg8[%and3A_139] : memref<1024xi32, #tpu.memory_space<vmem>>[vector<16xi32>], vector<16xi32>,
      %add3A_143 = arith.addi %gather3A, %unique3A_142 : vector<16xi32>
      %sub3A = arith.constant 1 : i32
      %sub3A_144 = vector.broadcast %sub3A : i32 to vector<16xi32>
      %sub3A_145 = arith.subi %add3A_143, %sub3A_144 : vector<16xi32>
      tpu.vector_store_idx %arg8[%and3A_139], %unique3A_142 masked %unique3A {add = true} : memref<1024xi32, #tpu.memory_space<vmem>>[vector<16xi32>], vector<16xi32>, vector<16xi1>
      %swap3A = arith.index_cast %add3A_132 : i32 to index
      %swap3A_146 = tpu.vector_load %arg13[%swap3A] {strides = array<i32>} : memref<16384xi32, #tpu.memory_space<vmem>>, vector<16xi32>,
      tpu.vector_store %arg13[%swap3A], %sub3A_145 {strides = array<i32>} : memref<16384xi32, #tpu.memory_space<vmem>>, vector<16xi32>,
      %mul3A_147 = arith.constant 2 : i32
      %mul3A_148 = arith.muli %scan3A_123, %mul3A_147 : i32
      %add3A_149 = arith.constant 1 : i32
      %add3A_150 = arith.addi %mul3A_148, %add3A_149 : i32
      %mul3A_151 = arith.constant 16 : i32
      %mul3A_152 = arith.muli %add3A_150, %mul3A_151 : i32
      %add3A_153 = arith.constant 0 : i32
      %add3A_154 = arith.addi %add3A_153, %mul3A_152 : i32
      %get3A_155 = arith.index_cast %add3A_154 : i32 to index
      %get3A_156 = tpu.vector_load %arg6[%get3A_155] {strides = array<i32>} : memref<16384xi32, #tpu.memory_space<vmem>>, vector<16xi32>,
      %get3A_157 = arith.index_cast %add3A_154 : i32 to index
      %get3A_158 = tpu.vector_load %arg7[%get3A_157] {strides = array<i32>} : memref<16384xi32, #tpu.memory_space<vmem>>, vector<16xi32>,
      %shift_right_arithmetic3A_159 = arith.constant 10 : i32
      %shift_right_arithmetic3A_160 = vector.broadcast %shift_right_arithmetic3A_159 : i32 to vector<16xi32>
      %shift_right_arithmetic3A_161 = arith.shrsi %get3A_156, %shift_right_arithmetic3A_160 : vector<16xi32>
      %and3A_162 = arith.constant 1023 : i32
      %and3A_163 = vector.broadcast %and3A_162 : i32 to vector<16xi32>
      %and3A_164 = arith.andi %shift_right_arithmetic3A_161, %and3A_163 : vector<16xi32>
      %broadcast_in_dim3A_165 = arith.constant true
      %broadcast_in_dim3A_166 = vector.broadcast %broadcast_in_dim3A_165 : i1 to vector<16xi1>
      %unique3A_167, %unique3A_168 = tpu.scan_count mask(%broadcast_in_dim3A_166 : vector<16xi1>) value(%and3A_164 : vector<16xi32>) : vector<16xi1>, vector<16xi32>
      %gather3A_169 = tpu.vector_load_idx %arg8[%and3A_164] : memref<1024xi32, #tpu.memory_space<vmem>>[vector<16xi32>], vector<16xi32>,
      %add3A_170 = arith.addi %gather3A_169, %unique3A_168 : vector<16xi32>
      %sub3A_171 = arith.constant 1 : i32
      %sub3A_172 = vector.broadcast %sub3A_171 : i32 to vector<16xi32>
      %sub3A_173 = arith.subi %add3A_170, %sub3A_172 : vector<16xi32>
      tpu.vector_store_idx %arg8[%and3A_164], %unique3A_168 masked %unique3A_167 {add = true} : memref<1024xi32, #tpu.memory_space<vmem>>[vector<16xi32>], vector<16xi32>, vector<16xi1>
      %swap3A_174 = arith.index_cast %add3A_154 : i32 to index
      %swap3A_175 = tpu.vector_load %arg13[%swap3A_174] {strides = array<i32>} : memref<16384xi32, #tpu.memory_space<vmem>>, vector<16xi32>,
      tpu.vector_store %arg13[%swap3A_174], %sub3A_173 {strides = array<i32>} : memref<16384xi32, #tpu.memory_space<vmem>>, vector<16xi32>,
      %scan3A_176 = arith.constant 0 : i32
      scf.yield %scan3A_176 : i32
    }
    %scan3A_69 = arith.constant 512 : i32
    %dma_start3A_70 = arith.constant 0 : i32
    %dma_start3A_71 = tpu.memref_slice %arg16[%dma_start3A_70] : memref<262144xi32, #tpu.memory_space<vmem_shared>> -> memref<262144xi32, #tpu.memory_space<vmem_shared>>
    tpu.enqueue_indirect_dma source(%arg7 : memref<16384xi32, #tpu.memory_space<vmem>>) target(%dma_start3A_71 : memref<262144xi32, #tpu.memory_space<vmem_shared>>) offsets(%arg13 : memref<16384xi32, #tpu.memory_space<vmem>>) semaphore(%arg18 : memref<!tpu.dma_semaphore, #tpu.memory_space<semaphore_mem>>)
    %dma_start3A_72 = arith.constant 0 : i32
    %dma_start3A_73 = tpu.memref_slice %arg17[%dma_start3A_72] : memref<262144xi32, #tpu.memory_space<vmem_shared>> -> memref<262144xi32, #tpu.memory_space<vmem_shared>>
    tpu.enqueue_indirect_dma source(%arg6 : memref<16384xi32, #tpu.memory_space<vmem>>) target(%dma_start3A_73 : memref<262144xi32, #tpu.memory_space<vmem_shared>>) offsets(%arg13 : memref<16384xi32, #tpu.memory_space<vmem>>) semaphore(%arg18 : memref<!tpu.dma_semaphore, #tpu.memory_space<semaphore_mem>>)
    %dma_wait3A_74 = arith.constant 0 : i32
    %dma_wait3A_75 = tpu.memref_slice %arg16[%dma_wait3A_74] : memref<262144xi32, #tpu.memory_space<vmem_shared>> -> memref<262144xi32, #tpu.memory_space<vmem_shared>>
    tpu.wait_indirect_dma semaphore(%arg18 : memref<!tpu.dma_semaphore, #tpu.memory_space<semaphore_mem>>) src(%arg7 : memref<16384xi32, #tpu.memory_space<vmem>>) dst(%dma_wait3A_75 : memref<262144xi32, #tpu.memory_space<vmem_shared>>)
    %dma_wait3A_76 = arith.constant 0 : i32
    %dma_wait3A_77 = tpu.memref_slice %arg17[%dma_wait3A_76] : memref<262144xi32, #tpu.memory_space<vmem_shared>> -> memref<262144xi32, #tpu.memory_space<vmem_shared>>
    tpu.wait_indirect_dma semaphore(%arg18 : memref<!tpu.dma_semaphore, #tpu.memory_space<semaphore_mem>>) src(%arg6 : memref<16384xi32, #tpu.memory_space<vmem>>) dst(%dma_wait3A_77 : memref<262144xi32, #tpu.memory_space<vmem_shared>>)
    %barrier3A_78 = arith.constant 0 : index
    tpu.barrier barrier_id(%barrier3A_78)
    "tpu.region"() ({
      %run_scoped3A = tpu.sem_alloc : memref<!tpu.dma_semaphore, #tpu.memory_space<semaphore_mem>>
      %dma_start3A_123 = tpu.memref_slice %arg16[%mul3A_0] : memref<262144xi32, #tpu.memory_space<vmem_shared>> -> memref<16384xi32, #tpu.memory_space<vmem_shared>>
      %dma_start3A_124 = tpu.memref_slice %arg16[%mul3A_0] : memref<262144xi32, #tpu.memory_space<vmem_shared>> -> memref<16384xi32, #tpu.memory_space<vmem_shared>>
      tpu.enqueue_dma source(%dma_start3A_124 : memref<16384xi32, #tpu.memory_space<vmem_shared>>) target(%arg7 : memref<16384xi32, #tpu.memory_space<vmem>>) target_semaphore(%run_scoped3A : memref<!tpu.dma_semaphore, #tpu.memory_space<semaphore_mem>>)
      %dma_wait3A_125 = tpu.memref_slice %arg16[%mul3A_0] : memref<262144xi32, #tpu.memory_space<vmem_shared>> -> memref<16384xi32, #tpu.memory_space<vmem_shared>>
      %dma_wait3A_126 = tpu.memref_slice %arg16[%mul3A_0] : memref<262144xi32, #tpu.memory_space<vmem_shared>> -> memref<16384xi32, #tpu.memory_space<vmem_shared>>
      tpu.wait_dma2 semaphore(%run_scoped3A : memref<!tpu.dma_semaphore, #tpu.memory_space<semaphore_mem>>) src(%dma_wait3A_126 : memref<16384xi32, #tpu.memory_space<vmem_shared>>) dst(%arg7 : memref<16384xi32, #tpu.memory_space<vmem>>)
      tpu.yield
    }) : () -> ()
    "tpu.region"() ({
      %run_scoped3A = tpu.sem_alloc : memref<!tpu.dma_semaphore, #tpu.memory_space<semaphore_mem>>
      %dma_start3A_123 = tpu.memref_slice %arg17[%mul3A_0] : memref<262144xi32, #tpu.memory_space<vmem_shared>> -> memref<16384xi32, #tpu.memory_space<vmem_shared>>
      %dma_start3A_124 = tpu.memref_slice %arg17[%mul3A_0] : memref<262144xi32, #tpu.memory_space<vmem_shared>> -> memref<16384xi32, #tpu.memory_space<vmem_shared>>
      tpu.enqueue_dma source(%dma_start3A_124 : memref<16384xi32, #tpu.memory_space<vmem_shared>>) target(%arg6 : memref<16384xi32, #tpu.memory_space<vmem>>) target_semaphore(%run_scoped3A : memref<!tpu.dma_semaphore, #tpu.memory_space<semaphore_mem>>)
      %dma_wait3A_125 = tpu.memref_slice %arg17[%mul3A_0] : memref<262144xi32, #tpu.memory_space<vmem_shared>> -> memref<16384xi32, #tpu.memory_space<vmem_shared>>
      %dma_wait3A_126 = tpu.memref_slice %arg17[%mul3A_0] : memref<262144xi32, #tpu.memory_space<vmem_shared>> -> memref<16384xi32, #tpu.memory_space<vmem_shared>>
      tpu.wait_dma2 semaphore(%run_scoped3A : memref<!tpu.dma_semaphore, #tpu.memory_space<semaphore_mem>>) src(%dma_wait3A_126 : memref<16384xi32, #tpu.memory_space<vmem_shared>>) dst(%arg6 : memref<16384xi32, #tpu.memory_space<vmem>>)
      tpu.yield
    }) : () -> ()
    %scan3A_79 = arith.constant 0 : i32
    %scan3A_80 = arith.constant 0 : i32
    %scan3A_81 = arith.constant 64 : i32
    %scan3A_82 = arith.addi %scan3A_80, %scan3A_81 : i32
    %scan3A_83 = arith.constant 1 : i32
    %scan3A_84 = scf.for %scan3A_123 = %scan3A_80 to %scan3A_82 step %scan3A_83 iter_args(%scan3A_124 = %scan3A_79) -> (i32)  : i32 {
      %mul3A_125 = arith.constant 16 : i32
      %mul3A_126 = arith.muli %scan3A_123, %mul3A_125 : i32
      %swap3A = arith.index_cast %mul3A_126 : i32 to index
      %swap3A_127 = tpu.vector_load %arg8[%swap3A] {strides = array<i32>} : memref<1024xi32, #tpu.memory_space<vmem>>, vector<16xi32>,
      tpu.vector_store %arg8[%swap3A], %broadcast_in_dim3A_3 {strides = array<i32>} : memref<1024xi32, #tpu.memory_space<vmem>>, vector<16xi32>,
      %scan3A_128 = arith.constant 0 : i32
      scf.yield %scan3A_128 : i32
    }
    %scan3A_85 = arith.constant 64 : i32
    %scan3A_86 = arith.constant 0 : i32
    %scan3A_87 = arith.constant 0 : i32
    %scan3A_88 = arith.constant 512 : i32
    %scan3A_89 = arith.addi %scan3A_87, %scan3A_88 : i32
    %scan3A_90 = arith.constant 1 : i32
    %scan3A_91 = scf.for %scan3A_123 = %scan3A_87 to %scan3A_89 step %scan3A_90 iter_args(%scan3A_124 = %scan3A_86) -> (i32)  : i32 {
      %mul3A_125 = arith.constant 2 : i32
      %mul3A_126 = arith.muli %scan3A_123, %mul3A_125 : i32
      %add3A_127 = arith.constant 0 : i32
      %add3A_128 = arith.addi %mul3A_126, %add3A_127 : i32
      %mul3A_129 = arith.constant 16 : i32
      %mul3A_130 = arith.muli %add3A_128, %mul3A_129 : i32
      %add3A_131 = arith.constant 0 : i32
      %add3A_132 = arith.addi %add3A_131, %mul3A_130 : i32
      %get3A = arith.index_cast %add3A_132 : i32 to index
      %get3A_133 = tpu.vector_load %arg6[%get3A] {strides = array<i32>} : memref<16384xi32, #tpu.memory_space<vmem>>, vector<16xi32>,
      %shift_right_arithmetic3A = arith.constant 20 : i32
      %shift_right_arithmetic3A_134 = vector.broadcast %shift_right_arithmetic3A : i32 to vector<16xi32>
      %shift_right_arithmetic3A_135 = arith.shrsi %get3A_133, %shift_right_arithmetic3A_134 : vector<16xi32>
      %and3A = arith.constant 1023 : i32
      %and3A_136 = vector.broadcast %and3A : i32 to vector<16xi32>
      %and3A_137 = arith.andi %shift_right_arithmetic3A_135, %and3A_136 : vector<16xi32>
      %broadcast_in_dim3A_138 = arith.constant true
      %broadcast_in_dim3A_139 = vector.broadcast %broadcast_in_dim3A_138 : i1 to vector<16xi1>
      %unique3A, %unique3A_140 = tpu.scan_count mask(%broadcast_in_dim3A_139 : vector<16xi1>) value(%and3A_137 : vector<16xi32>) : vector<16xi1>, vector<16xi32>
      tpu.vector_store_idx %arg8[%and3A_137], %unique3A_140 masked %unique3A {add = true} : memref<1024xi32, #tpu.memory_space<vmem>>[vector<16xi32>], vector<16xi32>, vector<16xi1>
      %mul3A_141 = arith.constant 2 : i32
      %mul3A_142 = arith.muli %scan3A_123, %mul3A_141 : i32
      %add3A_143 = arith.constant 1 : i32
      %add3A_144 = arith.addi %mul3A_142, %add3A_143 : i32
      %mul3A_145 = arith.constant 16 : i32
      %mul3A_146 = arith.muli %add3A_144, %mul3A_145 : i32
      %add3A_147 = arith.constant 0 : i32
      %add3A_148 = arith.addi %add3A_147, %mul3A_146 : i32
      %get3A_149 = arith.index_cast %add3A_148 : i32 to index
      %get3A_150 = tpu.vector_load %arg6[%get3A_149] {strides = array<i32>} : memref<16384xi32, #tpu.memory_space<vmem>>, vector<16xi32>,
      %shift_right_arithmetic3A_151 = arith.constant 20 : i32
      %shift_right_arithmetic3A_152 = vector.broadcast %shift_right_arithmetic3A_151 : i32 to vector<16xi32>
      %shift_right_arithmetic3A_153 = arith.shrsi %get3A_150, %shift_right_arithmetic3A_152 : vector<16xi32>
      %and3A_154 = arith.constant 1023 : i32
      %and3A_155 = vector.broadcast %and3A_154 : i32 to vector<16xi32>
      %and3A_156 = arith.andi %shift_right_arithmetic3A_153, %and3A_155 : vector<16xi32>
      %broadcast_in_dim3A_157 = arith.constant true
      %broadcast_in_dim3A_158 = vector.broadcast %broadcast_in_dim3A_157 : i1 to vector<16xi1>
      %unique3A_159, %unique3A_160 = tpu.scan_count mask(%broadcast_in_dim3A_158 : vector<16xi1>) value(%and3A_156 : vector<16xi32>) : vector<16xi1>, vector<16xi32>
      tpu.vector_store_idx %arg8[%and3A_156], %unique3A_160 masked %unique3A_159 {add = true} : memref<1024xi32, #tpu.memory_space<vmem>>[vector<16xi32>], vector<16xi32>, vector<16xi1>
      %scan3A_161 = arith.constant 0 : i32
      scf.yield %scan3A_161 : i32
    }
    %scan3A_92 = arith.constant 512 : i32
    %add3A_93 = arith.constant 0 : i32
    %add3A_94 = arith.addi %mul3A_2, %add3A_93 : i32
    "tpu.region"() ({
      %run_scoped3A = tpu.sem_alloc : memref<!tpu.dma_semaphore, #tpu.memory_space<semaphore_mem>>
      %dma_start3A_123 = arith.constant 0 : i32
      %dma_start3A_124 = tpu.memref_slice %arg15[%add3A_94, %dma_start3A_123] : memref<16x1024xi32, #tpu.memory_space<hbm>> -> memref<1x1024xi32, #tpu.memory_space<hbm>>
      %dma_start3A_125 = tpu.memref_squeeze %dma_start3A_124 : memref<1x1024xi32, #tpu.memory_space<hbm>> -> memref<1024xi32, #tpu.memory_space<hbm>>
      %dma_start3A_126 = arith.constant 0 : i32
      %dma_start3A_127 = tpu.memref_slice %arg15[%add3A_94, %dma_start3A_126] : memref<16x1024xi32, #tpu.memory_space<hbm>> -> memref<1x1024xi32, #tpu.memory_space<hbm>>
      %dma_start3A_128 = tpu.memref_squeeze %dma_start3A_127 : memref<1x1024xi32, #tpu.memory_space<hbm>> -> memref<1024xi32, #tpu.memory_space<hbm>>
      tpu.enqueue_dma source(%arg8 : memref<1024xi32, #tpu.memory_space<vmem>>) target(%dma_start3A_128 : memref<1024xi32, #tpu.memory_space<hbm>>) target_semaphore(%run_scoped3A : memref<!tpu.dma_semaphore, #tpu.memory_space<semaphore_mem>>)
      %dma_wait3A_129 = arith.constant 0 : i32
      %dma_wait3A_130 = tpu.memref_slice %arg15[%add3A_94, %dma_wait3A_129] : memref<16x1024xi32, #tpu.memory_space<hbm>> -> memref<1x1024xi32, #tpu.memory_space<hbm>>
      %dma_wait3A_131 = tpu.memref_squeeze %dma_wait3A_130 : memref<1x1024xi32, #tpu.memory_space<hbm>> -> memref<1024xi32, #tpu.memory_space<hbm>>
      %dma_wait3A_132 = arith.constant 0 : i32
      %dma_wait3A_133 = tpu.memref_slice %arg15[%add3A_94, %dma_wait3A_132] : memref<16x1024xi32, #tpu.memory_space<hbm>> -> memref<1x1024xi32, #tpu.memory_space<hbm>>
      %dma_wait3A_134 = tpu.memref_squeeze %dma_wait3A_133 : memref<1x1024xi32, #tpu.memory_space<hbm>> -> memref<1024xi32, #tpu.memory_space<hbm>>
      tpu.wait_dma2 semaphore(%run_scoped3A : memref<!tpu.dma_semaphore, #tpu.memory_space<semaphore_mem>>) src(%arg8 : memref<1024xi32, #tpu.memory_space<vmem>>) dst(%dma_wait3A_134 : memref<1024xi32, #tpu.memory_space<hbm>>)
      tpu.yield
    }) : () -> ()
    %barrier3A_95 = arith.constant 0 : index
    tpu.barrier barrier_id(%barrier3A_95)
    %scan3A_96 = arith.constant 0 : i32
    %scan3A_97 = arith.constant 0 : i32
    %scan3A_98 = arith.constant 8 : i32
    %scan3A_99 = arith.addi %scan3A_97, %scan3A_98 : i32
    %scan3A_100 = arith.constant 1 : i32
    %scan3A_101 = scf.for %scan3A_123 = %scan3A_97 to %scan3A_99 step %scan3A_100 iter_args(%scan3A_124 = %scan3A_96) -> (i32)  : i32 {
      %mul3A_125 = arith.constant 128 : i32
      %mul3A_126 = arith.muli %scan3A_123, %mul3A_125 : i32
      "tpu.region"() ({
        %run_scoped3A = tpu.sem_alloc : memref<!tpu.dma_semaphore, #tpu.memory_space<semaphore_mem>>
        %dma_start3A_133 = arith.constant 0 : i32
        %dma_start3A_134 = tpu.memref_slice %arg15[%dma_start3A_133, %mul3A_126] : memref<16x1024xi32, #tpu.memory_space<hbm>> -> memref<16x128xi32, #tpu.memory_space<hbm>>
        %dma_start3A_135 = arith.constant 0 : i32
        %dma_start3A_136 = tpu.memref_slice %arg15[%dma_start3A_135, %mul3A_126] : memref<16x1024xi32, #tpu.memory_space<hbm>> -> memref<16x128xi32, #tpu.memory_space<hbm>>
        tpu.enqueue_dma source(%dma_start3A_136 : memref<16x128xi32, #tpu.memory_space<hbm>>) target(%arg12 : memref<16x128xi32, #tpu.memory_space<vmem>>) target_semaphore(%run_scoped3A : memref<!tpu.dma_semaphore, #tpu.memory_space<semaphore_mem>>)
        %dma_wait3A_137 = arith.constant 0 : i32
        %dma_wait3A_138 = tpu.memref_slice %arg15[%dma_wait3A_137, %mul3A_126] : memref<16x1024xi32, #tpu.memory_space<hbm>> -> memref<16x128xi32, #tpu.memory_space<hbm>>
        %dma_wait3A_139 = arith.constant 0 : i32
        %dma_wait3A_140 = tpu.memref_slice %arg15[%dma_wait3A_139, %mul3A_126] : memref<16x1024xi32, #tpu.memory_space<hbm>> -> memref<16x128xi32, #tpu.memory_space<hbm>>
        tpu.wait_dma2 semaphore(%run_scoped3A : memref<!tpu.dma_semaphore, #tpu.memory_space<semaphore_mem>>) src(%dma_wait3A_140 : memref<16x128xi32, #tpu.memory_space<hbm>>) dst(%arg12 : memref<16x128xi32, #tpu.memory_space<vmem>>)
        tpu.yield
      }) : () -> ()
      %scan3A_127 = arith.constant 0 : i32
      %scan3A_128 = arith.constant 8 : i32
      %scan3A_129 = arith.addi %scan3A_127, %scan3A_128 : i32
      %scan3A_130 = arith.constant 1 : i32
      %scan3A_131 = scf.for %scan3A_133 = %scan3A_127 to %scan3A_129 step %scan3A_130 iter_args(%scan3A_134 = %scan3A_124) -> (i32)  : i32 {
        %mul3A_135 = arith.constant 16 : i32
        %mul3A_136 = arith.muli %scan3A_133, %mul3A_135 : i32
        %broadcast_in_dim3A_137 = arith.constant 0 : i32
        %broadcast_in_dim3A_138 = vector.broadcast %broadcast_in_dim3A_137 : i32 to vector<16xi32>
        %get3A = arith.constant 0 : i32
        %get3A_139 = arith.index_cast %get3A : i32 to index
        %get3A_140 = arith.index_cast %mul3A_136 : i32 to index
        %get3A_141 = tpu.vector_load %arg12[%get3A_139, %get3A_140] {strides = array<i32>} : memref<16x128xi32, #tpu.memory_space<vmem>>, vector<16xi32>,
        %add3A_142 = arith.addi %broadcast_in_dim3A_138, %get3A_141 : vector<16xi32>
        %get3A_143 = arith.constant 1 : i32
        %get3A_144 = arith.index_cast %get3A_143 : i32 to index
        %get3A_145 = arith.index_cast %mul3A_136 : i32 to index
        %get3A_146 = tpu.vector_load %arg12[%get3A_144, %get3A_145] {strides = array<i32>} : memref<16x128xi32, #tpu.memory_space<vmem>>, vector<16xi32>,
        %add3A_147 = arith.addi %add3A_142, %get3A_146 : vector<16xi32>
        %get3A_148 = arith.constant 2 : i32
        %get3A_149 = arith.index_cast %get3A_148 : i32 to index
        %get3A_150 = arith.index_cast %mul3A_136 : i32 to index
        %get3A_151 = tpu.vector_load %arg12[%get3A_149, %get3A_150] {strides = array<i32>} : memref<16x128xi32, #tpu.memory_space<vmem>>, vector<16xi32>,
        %add3A_152 = arith.addi %add3A_147, %get3A_151 : vector<16xi32>
        %get3A_153 = arith.constant 3 : i32
        %get3A_154 = arith.index_cast %get3A_153 : i32 to index
        %get3A_155 = arith.index_cast %mul3A_136 : i32 to index
        %get3A_156 = tpu.vector_load %arg12[%get3A_154, %get3A_155] {strides = array<i32>} : memref<16x128xi32, #tpu.memory_space<vmem>>, vector<16xi32>,
        %add3A_157 = arith.addi %add3A_152, %get3A_156 : vector<16xi32>
        %get3A_158 = arith.constant 4 : i32
        %get3A_159 = arith.index_cast %get3A_158 : i32 to index
        %get3A_160 = arith.index_cast %mul3A_136 : i32 to index
        %get3A_161 = tpu.vector_load %arg12[%get3A_159, %get3A_160] {strides = array<i32>} : memref<16x128xi32, #tpu.memory_space<vmem>>, vector<16xi32>,
        %add3A_162 = arith.addi %add3A_157, %get3A_161 : vector<16xi32>
        %get3A_163 = arith.constant 5 : i32
        %get3A_164 = arith.index_cast %get3A_163 : i32 to index
        %get3A_165 = arith.index_cast %mul3A_136 : i32 to index
        %get3A_166 = tpu.vector_load %arg12[%get3A_164, %get3A_165] {strides = array<i32>} : memref<16x128xi32, #tpu.memory_space<vmem>>, vector<16xi32>,
        %add3A_167 = arith.addi %add3A_162, %get3A_166 : vector<16xi32>
        %get3A_168 = arith.constant 6 : i32
        %get3A_169 = arith.index_cast %get3A_168 : i32 to index
        %get3A_170 = arith.index_cast %mul3A_136 : i32 to index
        %get3A_171 = tpu.vector_load %arg12[%get3A_169, %get3A_170] {strides = array<i32>} : memref<16x128xi32, #tpu.memory_space<vmem>>, vector<16xi32>,
        %add3A_172 = arith.addi %add3A_167, %get3A_171 : vector<16xi32>
        %get3A_173 = arith.constant 7 : i32
        %get3A_174 = arith.index_cast %get3A_173 : i32 to index
        %get3A_175 = arith.index_cast %mul3A_136 : i32 to index
        %get3A_176 = tpu.vector_load %arg12[%get3A_174, %get3A_175] {strides = array<i32>} : memref<16x128xi32, #tpu.memory_space<vmem>>, vector<16xi32>,
        %add3A_177 = arith.addi %add3A_172, %get3A_176 : vector<16xi32>
        %get3A_178 = arith.constant 8 : i32
        %get3A_179 = arith.index_cast %get3A_178 : i32 to index
        %get3A_180 = arith.index_cast %mul3A_136 : i32 to index
        %get3A_181 = tpu.vector_load %arg12[%get3A_179, %get3A_180] {strides = array<i32>} : memref<16x128xi32, #tpu.memory_space<vmem>>, vector<16xi32>,
        %add3A_182 = arith.addi %add3A_177, %get3A_181 : vector<16xi32>
        %get3A_183 = arith.constant 9 : i32
        %get3A_184 = arith.index_cast %get3A_183 : i32 to index
        %get3A_185 = arith.index_cast %mul3A_136 : i32 to index
        %get3A_186 = tpu.vector_load %arg12[%get3A_184, %get3A_185] {strides = array<i32>} : memref<16x128xi32, #tpu.memory_space<vmem>>, vector<16xi32>,
        %add3A_187 = arith.addi %add3A_182, %get3A_186 : vector<16xi32>
        %get3A_188 = arith.constant 10 : i32
        %get3A_189 = arith.index_cast %get3A_188 : i32 to index
        %get3A_190 = arith.index_cast %mul3A_136 : i32 to index
        %get3A_191 = tpu.vector_load %arg12[%get3A_189, %get3A_190] {strides = array<i32>} : memref<16x128xi32, #tpu.memory_space<vmem>>, vector<16xi32>,
        %add3A_192 = arith.addi %add3A_187, %get3A_191 : vector<16xi32>
        %get3A_193 = arith.constant 11 : i32
        %get3A_194 = arith.index_cast %get3A_193 : i32 to index
        %get3A_195 = arith.index_cast %mul3A_136 : i32 to index
        %get3A_196 = tpu.vector_load %arg12[%get3A_194, %get3A_195] {strides = array<i32>} : memref<16x128xi32, #tpu.memory_space<vmem>>, vector<16xi32>,
        %add3A_197 = arith.addi %add3A_192, %get3A_196 : vector<16xi32>
        %get3A_198 = arith.constant 12 : i32
        %get3A_199 = arith.index_cast %get3A_198 : i32 to index
        %get3A_200 = arith.index_cast %mul3A_136 : i32 to index
        %get3A_201 = tpu.vector_load %arg12[%get3A_199, %get3A_200] {strides = array<i32>} : memref<16x128xi32, #tpu.memory_space<vmem>>, vector<16xi32>,
        %add3A_202 = arith.addi %add3A_197, %get3A_201 : vector<16xi32>
        %get3A_203 = arith.constant 13 : i32
        %get3A_204 = arith.index_cast %get3A_203 : i32 to index
        %get3A_205 = arith.index_cast %mul3A_136 : i32 to index
        %get3A_206 = tpu.vector_load %arg12[%get3A_204, %get3A_205] {strides = array<i32>} : memref<16x128xi32, #tpu.memory_space<vmem>>, vector<16xi32>,
        %add3A_207 = arith.addi %add3A_202, %get3A_206 : vector<16xi32>
        %get3A_208 = arith.constant 14 : i32
        %get3A_209 = arith.index_cast %get3A_208 : i32 to index
        %get3A_210 = arith.index_cast %mul3A_136 : i32 to index
        %get3A_211 = tpu.vector_load %arg12[%get3A_209, %get3A_210] {strides = array<i32>} : memref<16x128xi32, #tpu.memory_space<vmem>>, vector<16xi32>,
        %add3A_212 = arith.addi %add3A_207, %get3A_211 : vector<16xi32>
        %get3A_213 = arith.constant 15 : i32
        %get3A_214 = arith.index_cast %get3A_213 : i32 to index
        %get3A_215 = arith.index_cast %mul3A_136 : i32 to index
        %get3A_216 = tpu.vector_load %arg12[%get3A_214, %get3A_215] {strides = array<i32>} : memref<16x128xi32, #tpu.memory_space<vmem>>, vector<16xi32>,
        %add3A_217 = arith.addi %add3A_212, %get3A_216 : vector<16xi32>
        %broadcast_in_dim3A_218 = arith.constant true
        %broadcast_in_dim3A_219 = vector.broadcast %broadcast_in_dim3A_218 : i1 to vector<16xi1>
        %masked_cumsum3A = tpu.scan <sum>, %add3A_217 masked %broadcast_in_dim3A_219 : vector<16xi32>, vector<16xi1> -> vector<16xi32>
        %sub3A = arith.subi %masked_cumsum3A, %add3A_217 : vector<16xi32>
        %add3A_220 = vector.broadcast %scan3A_134 : i32 to vector<16xi32>
        %add3A_221 = arith.addi %sub3A, %add3A_220 : vector<16xi32>
        %broadcast_in_dim3A_222 = arith.constant 0 : i32
        %broadcast_in_dim3A_223 = vector.broadcast %broadcast_in_dim3A_222 : i32 to vector<16xi32>
        %gt3A = arith.constant 0 : i32
        %gt3A_224 = arith.cmpi sgt, %mul3A_2, %gt3A : i32
        %get3A_225 = arith.constant 0 : i32
        %get3A_226 = arith.index_cast %get3A_225 : i32 to index
        %get3A_227 = arith.index_cast %mul3A_136 : i32 to index
        %get3A_228 = tpu.vector_load %arg12[%get3A_226, %get3A_227] {strides = array<i32>} : memref<16x128xi32, #tpu.memory_space<vmem>>, vector<16xi32>,
        %jit3A = arith.constant 0 : i32
        %broadcast_in_dim3A_229 = vector.broadcast %jit3A : i32 to vector<16xi32>
        %select_n3A = arith.select %gt3A_224, %get3A_228, %broadcast_in_dim3A_229 : vector<16xi32>
        %add3A_230 = arith.addi %broadcast_in_dim3A_223, %select_n3A : vector<16xi32>
        %gt3A_231 = arith.constant 1 : i32
        %gt3A_232 = arith.cmpi sgt, %mul3A_2, %gt3A_231 : i32
        %get3A_233 = arith.constant 1 : i32
        %get3A_234 = arith.index_cast %get3A_233 : i32 to index
        %get3A_235 = arith.index_cast %mul3A_136 : i32 to index
        %get3A_236 = tpu.vector_load %arg12[%get3A_234, %get3A_235] {strides = array<i32>} : memref<16x128xi32, #tpu.memory_space<vmem>>, vector<16xi32>,
        %jit3A_237 = arith.constant 0 : i32
        %broadcast_in_dim3A_238 = vector.broadcast %jit3A_237 : i32 to vector<16xi32>
        %select_n3A_239 = arith.select %gt3A_232, %get3A_236, %broadcast_in_dim3A_238 : vector<16xi32>
        %add3A_240 = arith.addi %add3A_230, %select_n3A_239 : vector<16xi32>
        %gt3A_241 = arith.constant 2 : i32
        %gt3A_242 = arith.cmpi sgt, %mul3A_2, %gt3A_241 : i32
        %get3A_243 = arith.constant 2 : i32
        %get3A_244 = arith.index_cast %get3A_243 : i32 to index
        %get3A_245 = arith.index_cast %mul3A_136 : i32 to index
        %get3A_246 = tpu.vector_load %arg12[%get3A_244, %get3A_245] {strides = array<i32>} : memref<16x128xi32, #tpu.memory_space<vmem>>, vector<16xi32>,
        %jit3A_247 = arith.constant 0 : i32
        %broadcast_in_dim3A_248 = vector.broadcast %jit3A_247 : i32 to vector<16xi32>
        %select_n3A_249 = arith.select %gt3A_242, %get3A_246, %broadcast_in_dim3A_248 : vector<16xi32>
        %add3A_250 = arith.addi %add3A_240, %select_n3A_249 : vector<16xi32>
        %gt3A_251 = arith.constant 3 : i32
        %gt3A_252 = arith.cmpi sgt, %mul3A_2, %gt3A_251 : i32
        %get3A_253 = arith.constant 3 : i32
        %get3A_254 = arith.index_cast %get3A_253 : i32 to index
        %get3A_255 = arith.index_cast %mul3A_136 : i32 to index
        %get3A_256 = tpu.vector_load %arg12[%get3A_254, %get3A_255] {strides = array<i32>} : memref<16x128xi32, #tpu.memory_space<vmem>>, vector<16xi32>,
        %jit3A_257 = arith.constant 0 : i32
        %broadcast_in_dim3A_258 = vector.broadcast %jit3A_257 : i32 to vector<16xi32>
        %select_n3A_259 = arith.select %gt3A_252, %get3A_256, %broadcast_in_dim3A_258 : vector<16xi32>
        %add3A_260 = arith.addi %add3A_250, %select_n3A_259 : vector<16xi32>
        %gt3A_261 = arith.constant 4 : i32
        %gt3A_262 = arith.cmpi sgt, %mul3A_2, %gt3A_261 : i32
        %get3A_263 = arith.constant 4 : i32
        %get3A_264 = arith.index_cast %get3A_263 : i32 to index
        %get3A_265 = arith.index_cast %mul3A_136 : i32 to index
        %get3A_266 = tpu.vector_load %arg12[%get3A_264, %get3A_265] {strides = array<i32>} : memref<16x128xi32, #tpu.memory_space<vmem>>, vector<16xi32>,
        %jit3A_267 = arith.constant 0 : i32
        %broadcast_in_dim3A_268 = vector.broadcast %jit3A_267 : i32 to vector<16xi32>
        %select_n3A_269 = arith.select %gt3A_262, %get3A_266, %broadcast_in_dim3A_268 : vector<16xi32>
        %add3A_270 = arith.addi %add3A_260, %select_n3A_269 : vector<16xi32>
        %gt3A_271 = arith.constant 5 : i32
        %gt3A_272 = arith.cmpi sgt, %mul3A_2, %gt3A_271 : i32
        %get3A_273 = arith.constant 5 : i32
        %get3A_274 = arith.index_cast %get3A_273 : i32 to index
        %get3A_275 = arith.index_cast %mul3A_136 : i32 to index
        %get3A_276 = tpu.vector_load %arg12[%get3A_274, %get3A_275] {strides = array<i32>} : memref<16x128xi32, #tpu.memory_space<vmem>>, vector<16xi32>,
        %jit3A_277 = arith.constant 0 : i32
        %broadcast_in_dim3A_278 = vector.broadcast %jit3A_277 : i32 to vector<16xi32>
        %select_n3A_279 = arith.select %gt3A_272, %get3A_276, %broadcast_in_dim3A_278 : vector<16xi32>
        %add3A_280 = arith.addi %add3A_270, %select_n3A_279 : vector<16xi32>
        %gt3A_281 = arith.constant 6 : i32
        %gt3A_282 = arith.cmpi sgt, %mul3A_2, %gt3A_281 : i32
        %get3A_283 = arith.constant 6 : i32
        %get3A_284 = arith.index_cast %get3A_283 : i32 to index
        %get3A_285 = arith.index_cast %mul3A_136 : i32 to index
        %get3A_286 = tpu.vector_load %arg12[%get3A_284, %get3A_285] {strides = array<i32>} : memref<16x128xi32, #tpu.memory_space<vmem>>, vector<16xi32>,
        %jit3A_287 = arith.constant 0 : i32
        %broadcast_in_dim3A_288 = vector.broadcast %jit3A_287 : i32 to vector<16xi32>
        %select_n3A_289 = arith.select %gt3A_282, %get3A_286, %broadcast_in_dim3A_288 : vector<16xi32>
        %add3A_290 = arith.addi %add3A_280, %select_n3A_289 : vector<16xi32>
        %gt3A_291 = arith.constant 7 : i32
        %gt3A_292 = arith.cmpi sgt, %mul3A_2, %gt3A_291 : i32
        %get3A_293 = arith.constant 7 : i32
        %get3A_294 = arith.index_cast %get3A_293 : i32 to index
        %get3A_295 = arith.index_cast %mul3A_136 : i32 to index
        %get3A_296 = tpu.vector_load %arg12[%get3A_294, %get3A_295] {strides = array<i32>} : memref<16x128xi32, #tpu.memory_space<vmem>>, vector<16xi32>,
        %jit3A_297 = arith.constant 0 : i32
        %broadcast_in_dim3A_298 = vector.broadcast %jit3A_297 : i32 to vector<16xi32>
        %select_n3A_299 = arith.select %gt3A_292, %get3A_296, %broadcast_in_dim3A_298 : vector<16xi32>
        %add3A_300 = arith.addi %add3A_290, %select_n3A_299 : vector<16xi32>
        %gt3A_301 = arith.constant 8 : i32
        %gt3A_302 = arith.cmpi sgt, %mul3A_2, %gt3A_301 : i32
        %get3A_303 = arith.constant 8 : i32
        %get3A_304 = arith.index_cast %get3A_303 : i32 to index
        %get3A_305 = arith.index_cast %mul3A_136 : i32 to index
        %get3A_306 = tpu.vector_load %arg12[%get3A_304, %get3A_305] {strides = array<i32>} : memref<16x128xi32, #tpu.memory_space<vmem>>, vector<16xi32>,
        %jit3A_307 = arith.constant 0 : i32
        %broadcast_in_dim3A_308 = vector.broadcast %jit3A_307 : i32 to vector<16xi32>
        %select_n3A_309 = arith.select %gt3A_302, %get3A_306, %broadcast_in_dim3A_308 : vector<16xi32>
        %add3A_310 = arith.addi %add3A_300, %select_n3A_309 : vector<16xi32>
        %gt3A_311 = arith.constant 9 : i32
        %gt3A_312 = arith.cmpi sgt, %mul3A_2, %gt3A_311 : i32
        %get3A_313 = arith.constant 9 : i32
        %get3A_314 = arith.index_cast %get3A_313 : i32 to index
        %get3A_315 = arith.index_cast %mul3A_136 : i32 to index
        %get3A_316 = tpu.vector_load %arg12[%get3A_314, %get3A_315] {strides = array<i32>} : memref<16x128xi32, #tpu.memory_space<vmem>>, vector<16xi32>,
        %jit3A_317 = arith.constant 0 : i32
        %broadcast_in_dim3A_318 = vector.broadcast %jit3A_317 : i32 to vector<16xi32>
        %select_n3A_319 = arith.select %gt3A_312, %get3A_316, %broadcast_in_dim3A_318 : vector<16xi32>
        %add3A_320 = arith.addi %add3A_310, %select_n3A_319 : vector<16xi32>
        %gt3A_321 = arith.constant 10 : i32
        %gt3A_322 = arith.cmpi sgt, %mul3A_2, %gt3A_321 : i32
        %get3A_323 = arith.constant 10 : i32
        %get3A_324 = arith.index_cast %get3A_323 : i32 to index
        %get3A_325 = arith.index_cast %mul3A_136 : i32 to index
        %get3A_326 = tpu.vector_load %arg12[%get3A_324, %get3A_325] {strides = array<i32>} : memref<16x128xi32, #tpu.memory_space<vmem>>, vector<16xi32>,
        %jit3A_327 = arith.constant 0 : i32
        %broadcast_in_dim3A_328 = vector.broadcast %jit3A_327 : i32 to vector<16xi32>
        %select_n3A_329 = arith.select %gt3A_322, %get3A_326, %broadcast_in_dim3A_328 : vector<16xi32>
        %add3A_330 = arith.addi %add3A_320, %select_n3A_329 : vector<16xi32>
        %gt3A_331 = arith.constant 11 : i32
        %gt3A_332 = arith.cmpi sgt, %mul3A_2, %gt3A_331 : i32
        %get3A_333 = arith.constant 11 : i32
        %get3A_334 = arith.index_cast %get3A_333 : i32 to index
        %get3A_335 = arith.index_cast %mul3A_136 : i32 to index
        %get3A_336 = tpu.vector_load %arg12[%get3A_334, %get3A_335] {strides = array<i32>} : memref<16x128xi32, #tpu.memory_space<vmem>>, vector<16xi32>,
        %jit3A_337 = arith.constant 0 : i32
        %broadcast_in_dim3A_338 = vector.broadcast %jit3A_337 : i32 to vector<16xi32>
        %select_n3A_339 = arith.select %gt3A_332, %get3A_336, %broadcast_in_dim3A_338 : vector<16xi32>
        %add3A_340 = arith.addi %add3A_330, %select_n3A_339 : vector<16xi32>
        %gt3A_341 = arith.constant 12 : i32
        %gt3A_342 = arith.cmpi sgt, %mul3A_2, %gt3A_341 : i32
        %get3A_343 = arith.constant 12 : i32
        %get3A_344 = arith.index_cast %get3A_343 : i32 to index
        %get3A_345 = arith.index_cast %mul3A_136 : i32 to index
        %get3A_346 = tpu.vector_load %arg12[%get3A_344, %get3A_345] {strides = array<i32>} : memref<16x128xi32, #tpu.memory_space<vmem>>, vector<16xi32>,
        %jit3A_347 = arith.constant 0 : i32
        %broadcast_in_dim3A_348 = vector.broadcast %jit3A_347 : i32 to vector<16xi32>
        %select_n3A_349 = arith.select %gt3A_342, %get3A_346, %broadcast_in_dim3A_348 : vector<16xi32>
        %add3A_350 = arith.addi %add3A_340, %select_n3A_349 : vector<16xi32>
        %gt3A_351 = arith.constant 13 : i32
        %gt3A_352 = arith.cmpi sgt, %mul3A_2, %gt3A_351 : i32
        %get3A_353 = arith.constant 13 : i32
        %get3A_354 = arith.index_cast %get3A_353 : i32 to index
        %get3A_355 = arith.index_cast %mul3A_136 : i32 to index
        %get3A_356 = tpu.vector_load %arg12[%get3A_354, %get3A_355] {strides = array<i32>} : memref<16x128xi32, #tpu.memory_space<vmem>>, vector<16xi32>,
        %jit3A_357 = arith.constant 0 : i32
        %broadcast_in_dim3A_358 = vector.broadcast %jit3A_357 : i32 to vector<16xi32>
        %select_n3A_359 = arith.select %gt3A_352, %get3A_356, %broadcast_in_dim3A_358 : vector<16xi32>
        %add3A_360 = arith.addi %add3A_350, %select_n3A_359 : vector<16xi32>
        %gt3A_361 = arith.constant 14 : i32
        %gt3A_362 = arith.cmpi sgt, %mul3A_2, %gt3A_361 : i32
        %get3A_363 = arith.constant 14 : i32
        %get3A_364 = arith.index_cast %get3A_363 : i32 to index
        %get3A_365 = arith.index_cast %mul3A_136 : i32 to index
        %get3A_366 = tpu.vector_load %arg12[%get3A_364, %get3A_365] {strides = array<i32>} : memref<16x128xi32, #tpu.memory_space<vmem>>, vector<16xi32>,
        %jit3A_367 = arith.constant 0 : i32
        %broadcast_in_dim3A_368 = vector.broadcast %jit3A_367 : i32 to vector<16xi32>
        %select_n3A_369 = arith.select %gt3A_362, %get3A_366, %broadcast_in_dim3A_368 : vector<16xi32>
        %add3A_370 = arith.addi %add3A_360, %select_n3A_369 : vector<16xi32>
        %gt3A_371 = arith.constant 15 : i32
        %gt3A_372 = arith.cmpi sgt, %mul3A_2, %gt3A_371 : i32
        %get3A_373 = arith.constant 15 : i32
        %get3A_374 = arith.index_cast %get3A_373 : i32 to index
        %get3A_375 = arith.index_cast %mul3A_136 : i32 to index
        %get3A_376 = tpu.vector_load %arg12[%get3A_374, %get3A_375] {strides = array<i32>} : memref<16x128xi32, #tpu.memory_space<vmem>>, vector<16xi32>,
        %jit3A_377 = arith.constant 0 : i32
        %broadcast_in_dim3A_378 = vector.broadcast %jit3A_377 : i32 to vector<16xi32>
        %select_n3A_379 = arith.select %gt3A_372, %get3A_376, %broadcast_in_dim3A_378 : vector<16xi32>
        %add3A_380 = arith.addi %add3A_370, %select_n3A_379 : vector<16xi32>
        %add3A_381 = arith.addi %add3A_221, %add3A_380 : vector<16xi32>
        %mul3A_382 = arith.constant 128 : i32
        %mul3A_383 = arith.muli %scan3A_123, %mul3A_382 : i32
        %mul3A_384 = arith.constant 16 : i32
        %mul3A_385 = arith.muli %scan3A_133, %mul3A_384 : i32
        %add3A_386 = arith.addi %mul3A_383, %mul3A_385 : i32
        %swap3A = arith.index_cast %add3A_386 : i32 to index
        %swap3A_387 = tpu.vector_load %arg8[%swap3A] {strides = array<i32>} : memref<1024xi32, #tpu.memory_space<vmem>>, vector<16xi32>,
        tpu.vector_store %arg8[%swap3A], %add3A_381 {strides = array<i32>} : memref<1024xi32, #tpu.memory_space<vmem>>, vector<16xi32>,
        %reduce_sum3A = arith.constant true
        %reduce_sum3A_388 = vector.broadcast %reduce_sum3A : i1 to vector<16xi1>
        %reduce_sum3A_389 = tpu.scan <sum>, %add3A_217 masked %reduce_sum3A_388 : vector<16xi32>, vector<16xi1> -> vector<16xi32>
        %reduce_sum3A_390 = vector.extract %reduce_sum3A_389[15] : i32 from vector<16xi32>
        %add3A_391 = arith.addi %scan3A_134, %reduce_sum3A_390 : i32
        scf.yield %add3A_391 : i32
      }
      %scan3A_132 = arith.constant 8 : i32
      scf.yield %scan3A_131 : i32
    }
    %scan3A_102 = arith.constant 8 : i32
    %scan3A_103 = arith.constant 0 : i32
    %scan3A_104 = arith.constant 0 : i32
    %scan3A_105 = arith.constant 512 : i32
    %scan3A_106 = arith.addi %scan3A_104, %scan3A_105 : i32
    %scan3A_107 = arith.constant 1 : i32
    %scan3A_108 = scf.for %scan3A_123 = %scan3A_104 to %scan3A_106 step %scan3A_107 iter_args(%scan3A_124 = %scan3A_103) -> (i32)  : i32 {
      %mul3A_125 = arith.constant 2 : i32
      %mul3A_126 = arith.muli %scan3A_123, %mul3A_125 : i32
      %add3A_127 = arith.constant 0 : i32
      %add3A_128 = arith.addi %mul3A_126, %add3A_127 : i32
      %mul3A_129 = arith.constant 16 : i32
      %mul3A_130 = arith.muli %add3A_128, %mul3A_129 : i32
      %add3A_131 = arith.constant 0 : i32
      %add3A_132 = arith.addi %add3A_131, %mul3A_130 : i32
      %get3A = arith.index_cast %add3A_132 : i32 to index
      %get3A_133 = tpu.vector_load %arg6[%get3A] {strides = array<i32>} : memref<16384xi32, #tpu.memory_space<vmem>>, vector<16xi32>,
      %get3A_134 = arith.index_cast %add3A_132 : i32 to index
      %get3A_135 = tpu.vector_load %arg7[%get3A_134] {strides = array<i32>} : memref<16384xi32, #tpu.memory_space<vmem>>, vector<16xi32>,
      %shift_right_arithmetic3A = arith.constant 20 : i32
      %shift_right_arithmetic3A_136 = vector.broadcast %shift_right_arithmetic3A : i32 to vector<16xi32>
      %shift_right_arithmetic3A_137 = arith.shrsi %get3A_133, %shift_right_arithmetic3A_136 : vector<16xi32>
      %and3A = arith.constant 1023 : i32
      %and3A_138 = vector.broadcast %and3A : i32 to vector<16xi32>
      %and3A_139 = arith.andi %shift_right_arithmetic3A_137, %and3A_138 : vector<16xi32>
      %broadcast_in_dim3A_140 = arith.constant true
      %broadcast_in_dim3A_141 = vector.broadcast %broadcast_in_dim3A_140 : i1 to vector<16xi1>
      %unique3A, %unique3A_142 = tpu.scan_count mask(%broadcast_in_dim3A_141 : vector<16xi1>) value(%and3A_139 : vector<16xi32>) : vector<16xi1>, vector<16xi32>
      %gather3A = tpu.vector_load_idx %arg8[%and3A_139] : memref<1024xi32, #tpu.memory_space<vmem>>[vector<16xi32>], vector<16xi32>,
      %add3A_143 = arith.addi %gather3A, %unique3A_142 : vector<16xi32>
      %sub3A = arith.constant 1 : i32
      %sub3A_144 = vector.broadcast %sub3A : i32 to vector<16xi32>
      %sub3A_145 = arith.subi %add3A_143, %sub3A_144 : vector<16xi32>
      tpu.vector_store_idx %arg8[%and3A_139], %unique3A_142 masked %unique3A {add = true} : memref<1024xi32, #tpu.memory_space<vmem>>[vector<16xi32>], vector<16xi32>, vector<16xi1>
      %swap3A = arith.index_cast %add3A_132 : i32 to index
      %swap3A_146 = tpu.vector_load %arg13[%swap3A] {strides = array<i32>} : memref<16384xi32, #tpu.memory_space<vmem>>, vector<16xi32>,
      tpu.vector_store %arg13[%swap3A], %sub3A_145 {strides = array<i32>} : memref<16384xi32, #tpu.memory_space<vmem>>, vector<16xi32>,
      %mul3A_147 = arith.constant 2 : i32
      %mul3A_148 = arith.muli %scan3A_123, %mul3A_147 : i32
      %add3A_149 = arith.constant 1 : i32
      %add3A_150 = arith.addi %mul3A_148, %add3A_149 : i32
      %mul3A_151 = arith.constant 16 : i32
      %mul3A_152 = arith.muli %add3A_150, %mul3A_151 : i32
      %add3A_153 = arith.constant 0 : i32
      %add3A_154 = arith.addi %add3A_153, %mul3A_152 : i32
      %get3A_155 = arith.index_cast %add3A_154 : i32 to index
      %get3A_156 = tpu.vector_load %arg6[%get3A_155] {strides = array<i32>} : memref<16384xi32, #tpu.memory_space<vmem>>, vector<16xi32>,
      %get3A_157 = arith.index_cast %add3A_154 : i32 to index
      %get3A_158 = tpu.vector_load %arg7[%get3A_157] {strides = array<i32>} : memref<16384xi32, #tpu.memory_space<vmem>>, vector<16xi32>,
      %shift_right_arithmetic3A_159 = arith.constant 20 : i32
      %shift_right_arithmetic3A_160 = vector.broadcast %shift_right_arithmetic3A_159 : i32 to vector<16xi32>
      %shift_right_arithmetic3A_161 = arith.shrsi %get3A_156, %shift_right_arithmetic3A_160 : vector<16xi32>
      %and3A_162 = arith.constant 1023 : i32
      %and3A_163 = vector.broadcast %and3A_162 : i32 to vector<16xi32>
      %and3A_164 = arith.andi %shift_right_arithmetic3A_161, %and3A_163 : vector<16xi32>
      %broadcast_in_dim3A_165 = arith.constant true
      %broadcast_in_dim3A_166 = vector.broadcast %broadcast_in_dim3A_165 : i1 to vector<16xi1>
      %unique3A_167, %unique3A_168 = tpu.scan_count mask(%broadcast_in_dim3A_166 : vector<16xi1>) value(%and3A_164 : vector<16xi32>) : vector<16xi1>, vector<16xi32>
      %gather3A_169 = tpu.vector_load_idx %arg8[%and3A_164] : memref<1024xi32, #tpu.memory_space<vmem>>[vector<16xi32>], vector<16xi32>,
      %add3A_170 = arith.addi %gather3A_169, %unique3A_168 : vector<16xi32>
      %sub3A_171 = arith.constant 1 : i32
      %sub3A_172 = vector.broadcast %sub3A_171 : i32 to vector<16xi32>
      %sub3A_173 = arith.subi %add3A_170, %sub3A_172 : vector<16xi32>
      tpu.vector_store_idx %arg8[%and3A_164], %unique3A_168 masked %unique3A_167 {add = true} : memref<1024xi32, #tpu.memory_space<vmem>>[vector<16xi32>], vector<16xi32>, vector<16xi1>
      %swap3A_174 = arith.index_cast %add3A_154 : i32 to index
      %swap3A_175 = tpu.vector_load %arg13[%swap3A_174] {strides = array<i32>} : memref<16384xi32, #tpu.memory_space<vmem>>, vector<16xi32>,
      tpu.vector_store %arg13[%swap3A_174], %sub3A_173 {strides = array<i32>} : memref<16384xi32, #tpu.memory_space<vmem>>, vector<16xi32>,
      %scan3A_176 = arith.constant 0 : i32
      scf.yield %scan3A_176 : i32
    }
    %scan3A_109 = arith.constant 512 : i32
    %dma_start3A_110 = arith.constant 0 : i32
    %dma_start3A_111 = tpu.memref_slice %arg16[%dma_start3A_110] : memref<262144xi32, #tpu.memory_space<vmem_shared>> -> memref<262144xi32, #tpu.memory_space<vmem_shared>>
    tpu.enqueue_indirect_dma source(%arg13 : memref<16384xi32, #tpu.memory_space<vmem>>) target(%dma_start3A_111 : memref<262144xi32, #tpu.memory_space<vmem_shared>>) offsets(%arg7 : memref<16384xi32, #tpu.memory_space<vmem>>) semaphore(%arg18 : memref<!tpu.dma_semaphore, #tpu.memory_space<semaphore_mem>>)
    %dma_start3A_112 = arith.constant 0 : i32
    %dma_start3A_113 = tpu.memref_slice %arg17[%dma_start3A_112] : memref<262144xi32, #tpu.memory_space<vmem_shared>> -> memref<262144xi32, #tpu.memory_space<vmem_shared>>
    tpu.enqueue_indirect_dma source(%arg6 : memref<16384xi32, #tpu.memory_space<vmem>>) target(%dma_start3A_113 : memref<262144xi32, #tpu.memory_space<vmem_shared>>) offsets(%arg13 : memref<16384xi32, #tpu.memory_space<vmem>>) semaphore(%arg18 : memref<!tpu.dma_semaphore, #tpu.memory_space<semaphore_mem>>)
    %dma_wait3A_114 = arith.constant 0 : i32
    %dma_wait3A_115 = tpu.memref_slice %arg16[%dma_wait3A_114] : memref<262144xi32, #tpu.memory_space<vmem_shared>> -> memref<262144xi32, #tpu.memory_space<vmem_shared>>
    tpu.wait_indirect_dma semaphore(%arg18 : memref<!tpu.dma_semaphore, #tpu.memory_space<semaphore_mem>>) src(%arg13 : memref<16384xi32, #tpu.memory_space<vmem>>) dst(%dma_wait3A_115 : memref<262144xi32, #tpu.memory_space<vmem_shared>>)
    %dma_wait3A_116 = arith.constant 0 : i32
    %dma_wait3A_117 = tpu.memref_slice %arg17[%dma_wait3A_116] : memref<262144xi32, #tpu.memory_space<vmem_shared>> -> memref<262144xi32, #tpu.memory_space<vmem_shared>>
    tpu.wait_indirect_dma semaphore(%arg18 : memref<!tpu.dma_semaphore, #tpu.memory_space<semaphore_mem>>) src(%arg6 : memref<16384xi32, #tpu.memory_space<vmem>>) dst(%dma_wait3A_117 : memref<262144xi32, #tpu.memory_space<vmem_shared>>)
    %barrier3A_118 = arith.constant 0 : index
    tpu.barrier barrier_id(%barrier3A_118)
    "tpu.region"() ({
      %run_scoped3A = tpu.sem_alloc : memref<!tpu.dma_semaphore, #tpu.memory_space<semaphore_mem>>
      %dma_start3A_123 = tpu.memref_slice %arg3[%mul3A_0] : memref<262144xi32, #tpu.memory_space<hbm>> -> memref<16384xi32, #tpu.memory_space<hbm>>
      %dma_start3A_124 = tpu.memref_slice %arg3[%mul3A_0] : memref<262144xi32, #tpu.memory_space<hbm>> -> memref<16384xi32, #tpu.memory_space<hbm>>
      tpu.enqueue_dma source(%dma_start3A_124 : memref<16384xi32, #tpu.memory_space<hbm>>) target(%arg6 : memref<16384xi32, #tpu.memory_space<vmem>>) target_semaphore(%run_scoped3A : memref<!tpu.dma_semaphore, #tpu.memory_space<semaphore_mem>>)
      %dma_wait3A_125 = tpu.memref_slice %arg3[%mul3A_0] : memref<262144xi32, #tpu.memory_space<hbm>> -> memref<16384xi32, #tpu.memory_space<hbm>>
      %dma_wait3A_126 = tpu.memref_slice %arg3[%mul3A_0] : memref<262144xi32, #tpu.memory_space<hbm>> -> memref<16384xi32, #tpu.memory_space<hbm>>
      tpu.wait_dma2 semaphore(%run_scoped3A : memref<!tpu.dma_semaphore, #tpu.memory_space<semaphore_mem>>) src(%dma_wait3A_126 : memref<16384xi32, #tpu.memory_space<hbm>>) dst(%arg6 : memref<16384xi32, #tpu.memory_space<vmem>>)
      tpu.yield
    }) : () -> ()
    %dma_start3A_119 = arith.constant 0 : i32
    %dma_start3A_120 = tpu.memref_slice %arg17[%dma_start3A_119] : memref<262144xi32, #tpu.memory_space<vmem_shared>> -> memref<262144xi32, #tpu.memory_space<vmem_shared>>
    tpu.enqueue_indirect_dma source(%dma_start3A_120 : memref<262144xi32, #tpu.memory_space<vmem_shared>>) target(%arg14 : memref<16384xi32, #tpu.memory_space<vmem>>) offsets(%arg6 : memref<16384xi32, #tpu.memory_space<vmem>>) semaphore(%arg18 : memref<!tpu.dma_semaphore, #tpu.memory_space<semaphore_mem>>)
    %dma_wait3A_121 = arith.constant 0 : i32
    %dma_wait3A_122 = tpu.memref_slice %arg17[%dma_wait3A_121] : memref<262144xi32, #tpu.memory_space<vmem_shared>> -> memref<262144xi32, #tpu.memory_space<vmem_shared>>
    tpu.wait_indirect_dma semaphore(%arg18 : memref<!tpu.dma_semaphore, #tpu.memory_space<semaphore_mem>>) src(%dma_wait3A_122 : memref<262144xi32, #tpu.memory_space<vmem_shared>>) dst(%arg14 : memref<16384xi32, #tpu.memory_space<vmem>>)
    "tpu.region"() ({
      %run_scoped3A = tpu.sem_alloc : memref<!tpu.dma_semaphore, #tpu.memory_space<semaphore_mem>>
      %dma_start3A_123 = tpu.memref_slice %arg5[%mul3A_0] : memref<262144xi32, #tpu.memory_space<hbm>> -> memref<16384xi32, #tpu.memory_space<hbm>>
      %dma_start3A_124 = tpu.memref_slice %arg5[%mul3A_0] : memref<262144xi32, #tpu.memory_space<hbm>> -> memref<16384xi32, #tpu.memory_space<hbm>>
      tpu.enqueue_dma source(%arg14 : memref<16384xi32, #tpu.memory_space<vmem>>) target(%dma_start3A_124 : memref<16384xi32, #tpu.memory_space<hbm>>) target_semaphore(%run_scoped3A : memref<!tpu.dma_semaphore, #tpu.memory_space<semaphore_mem>>)
      %dma_wait3A_125 = tpu.memref_slice %arg5[%mul3A_0] : memref<262144xi32, #tpu.memory_space<hbm>> -> memref<16384xi32, #tpu.memory_space<hbm>>
      %dma_wait3A_126 = tpu.memref_slice %arg5[%mul3A_0] : memref<262144xi32, #tpu.memory_space<hbm>> -> memref<16384xi32, #tpu.memory_space<hbm>>
      tpu.wait_dma2 semaphore(%run_scoped3A : memref<!tpu.dma_semaphore, #tpu.memory_space<semaphore_mem>>) src(%arg14 : memref<16384xi32, #tpu.memory_space<vmem>>) dst(%dma_wait3A_126 : memref<16384xi32, #tpu.memory_space<hbm>>)
      tpu.yield
    }) : () -> ()
    "tpu.region"() ({
      %run_scoped3A = tpu.sem_alloc : memref<!tpu.dma_semaphore, #tpu.memory_space<semaphore_mem>>
      %dma_start3A_123 = tpu.memref_slice %arg4[%mul3A_0] : memref<262144xi32, #tpu.memory_space<hbm>> -> memref<16384xi32, #tpu.memory_space<hbm>>
      %dma_start3A_124 = tpu.memref_slice %arg16[%mul3A_0] : memref<262144xi32, #tpu.memory_space<vmem_shared>> -> memref<16384xi32, #tpu.memory_space<vmem_shared>>
      tpu.enqueue_dma source(%dma_start3A_124 : memref<16384xi32, #tpu.memory_space<vmem_shared>>) target(%dma_start3A_123 : memref<16384xi32, #tpu.memory_space<hbm>>) target_semaphore(%run_scoped3A : memref<!tpu.dma_semaphore, #tpu.memory_space<semaphore_mem>>)
      %dma_wait3A_125 = tpu.memref_slice %arg4[%mul3A_0] : memref<262144xi32, #tpu.memory_space<hbm>> -> memref<16384xi32, #tpu.memory_space<hbm>>
      %dma_wait3A_126 = tpu.memref_slice %arg16[%mul3A_0] : memref<262144xi32, #tpu.memory_space<vmem_shared>> -> memref<16384xi32, #tpu.memory_space<vmem_shared>>
      tpu.wait_dma2 semaphore(%run_scoped3A : memref<!tpu.dma_semaphore, #tpu.memory_space<semaphore_mem>>) src(%dma_wait3A_126 : memref<16384xi32, #tpu.memory_space<vmem_shared>>) dst(%dma_wait3A_125 : memref<16384xi32, #tpu.memory_space<hbm>>)
      tpu.yield
    }) : () -> ()
    return
  }
}

module attributes {stable_mosaic.version = 14 : i64} {
  func.func @_tc_post(%arg0: memref<2048x128xi32, #tpu.memory_space<vmem>>, %arg1: memref<2048x128xi32, #tpu.memory_space<vmem>>, %arg2: memref<2048x128xi32, #tpu.memory_space<vmem>>, %arg3: memref<1x1xf32, #tpu.memory_space<vmem>>, %arg4: memref<1x1xi32, #tpu.memory_space<vmem>>, %arg5: memref<1x1xi32, #tpu.memory_space<vmem>>, %arg6: memref<1x1xf32, #tpu.memory_space<vmem>>) attributes {dimension_semantics = [], scalar_prefetch = 0 : i64, scratch_operands = 0 : i64, tpu.core_type = #tpu.core_type<tc>} {
    %get3A = arith.constant 0 : index
    %get3A_0 = arith.constant 0 : index
    %get3A_1 = vector.load %arg0[%get3A, %get3A_0] : memref<2048x128xi32, #tpu.memory_space<vmem>>, vector<2048x128xi32>
    %lt3A = arith.constant 1 : i32
    %lt3A_2 = vector.broadcast %lt3A : i32 to vector<2048x128xi32>
    %lt3A_3 = arith.cmpi slt, %get3A_1, %lt3A_2 : vector<2048x128xi32>
    %get3A_4 = arith.constant 0 : index
    %get3A_5 = arith.constant 0 : index
    %get3A_6 = vector.load %arg4[%get3A_4, %get3A_5] : memref<1x1xi32, #tpu.memory_space<vmem>>, vector<1x1xi32>
    %get3A_7 = vector.extract %get3A_6[0, 0] : i32 from vector<1x1xi32>
    %get3A_8 = arith.constant 0 : index
    %get3A_9 = arith.constant 0 : index
    %get3A_10 = vector.load %arg5[%get3A_8, %get3A_9] : memref<1x1xi32, #tpu.memory_space<vmem>>, vector<1x1xi32>
    %get3A_11 = vector.extract %get3A_10[0, 0] : i32 from vector<1x1xi32>
    %get3A_12 = arith.constant 0 : index
    %get3A_13 = arith.constant 0 : index
    %get3A_14 = vector.load %arg1[%get3A_12, %get3A_13] : memref<2048x128xi32, #tpu.memory_space<vmem>>, vector<2048x128xi32>
    %mul3A = arith.constant 4 : i32
    %mul3A_15 = arith.muli %mul3A, %get3A_7 : i32
    %eq3A = arith.constant 0 : i32
    %eq3A_16 = arith.cmpi eq, %mul3A_15, %eq3A : i32
    %jit3A = arith.constant 100 : i32
    %select_n3A = arith.select %eq3A_16, %jit3A, %mul3A_15 : i32
    %jit3A_17 = arith.constant 5 : i32
    %div3A = arith.divsi %select_n3A, %jit3A_17 : i32
    %sign3A = arith.constant 0 : i32
    %sign3A_18 = arith.cmpi sgt, %select_n3A, %sign3A : i32
    %sign3A_19 = arith.extui %sign3A_18 : i1 to i32
    %sign3A_20 = arith.constant 0 : i32
    %sign3A_21 = arith.cmpi slt, %select_n3A, %sign3A_20 : i32
    %sign3A_22 = arith.extui %sign3A_21 : i1 to i32
    %sign3A_23 = arith.subi %sign3A_19, %sign3A_22 : i32
    %sign3A_24 = arith.constant 0 : i32
    %sign3A_25 = arith.cmpi sgt, %jit3A_17, %sign3A_24 : i32
    %sign3A_26 = arith.extui %sign3A_25 : i1 to i32
    %sign3A_27 = arith.constant 0 : i32
    %sign3A_28 = arith.cmpi slt, %jit3A_17, %sign3A_27 : i32
    %sign3A_29 = arith.extui %sign3A_28 : i1 to i32
    %sign3A_30 = arith.subi %sign3A_26, %sign3A_29 : i32
    %ne3A = arith.cmpi ne, %sign3A_23, %sign3A_30 : i32
    %rem3A = arith.remsi %select_n3A, %jit3A_17 : i32
    %ne3A_31 = arith.constant 0 : i32
    %ne3A_32 = arith.cmpi ne, %rem3A, %ne3A_31 : i32
    %and3A = arith.andi %ne3A, %ne3A_32 : i1
    %sub3A = arith.constant 1 : i32
    %sub3A_33 = arith.subi %div3A, %sub3A : i32
    %select_n3A_34 = arith.select %and3A, %sub3A_33, %div3A : i32
    %jit3A_35 = arith.constant 5 : i32
    %div3A_36 = arith.divsi %get3A_11, %jit3A_35 : i32
    %sign3A_37 = arith.constant 0 : i32
    %sign3A_38 = arith.cmpi sgt, %get3A_11, %sign3A_37 : i32
    %sign3A_39 = arith.extui %sign3A_38 : i1 to i32
    %sign3A_40 = arith.constant 0 : i32
    %sign3A_41 = arith.cmpi slt, %get3A_11, %sign3A_40 : i32
    %sign3A_42 = arith.extui %sign3A_41 : i1 to i32
    %sign3A_43 = arith.subi %sign3A_39, %sign3A_42 : i32
    %sign3A_44 = arith.constant 0 : i32
    %sign3A_45 = arith.cmpi sgt, %jit3A_35, %sign3A_44 : i32
    %sign3A_46 = arith.extui %sign3A_45 : i1 to i32
    %sign3A_47 = arith.constant 0 : i32
    %sign3A_48 = arith.cmpi slt, %jit3A_35, %sign3A_47 : i32
    %sign3A_49 = arith.extui %sign3A_48 : i1 to i32
    %sign3A_50 = arith.subi %sign3A_46, %sign3A_49 : i32
    %ne3A_51 = arith.cmpi ne, %sign3A_43, %sign3A_50 : i32
    %rem3A_52 = arith.remsi %get3A_11, %jit3A_35 : i32
    %ne3A_53 = arith.constant 0 : i32
    %ne3A_54 = arith.cmpi ne, %rem3A_52, %ne3A_53 : i32
    %and3A_55 = arith.andi %ne3A_51, %ne3A_54 : i1
    %sub3A_56 = arith.constant 1 : i32
    %sub3A_57 = arith.subi %div3A_36, %sub3A_56 : i32
    %select_n3A_58 = arith.select %and3A_55, %sub3A_57, %div3A_36 : i32
    %sub3A_59 = arith.constant 200 : i32
    %sub3A_60 = vector.broadcast %sub3A_59 : i32 to vector<2048x128xi32>
    %sub3A_61 = arith.subi %get3A_14, %sub3A_60 : vector<2048x128xi32>
    %broadcast_in_dim3A = arith.constant 0 : i32
    %broadcast_in_dim3A_62 = vector.broadcast %broadcast_in_dim3A : i32 to vector<2048x128xi32>
    %mul3A_63 = arith.constant 0 : i32
    %mul3A_64 = arith.muli %mul3A_63, %select_n3A_58 : i32
    %ge3A = vector.broadcast %mul3A_64 : i32 to vector<2048x128xi32>
    %ge3A_65 = arith.cmpi sge, %sub3A_61, %ge3A : vector<2048x128xi32>
    %add3A = arith.addi %mul3A_64, %select_n3A_34 : i32
    %lt3A_66 = vector.broadcast %add3A : i32 to vector<2048x128xi32>
    %lt3A_67 = arith.cmpi slt, %sub3A_61, %lt3A_66 : vector<2048x128xi32>
    %and3A_68 = arith.andi %ge3A_65, %lt3A_67 : vector<2048x128xi1>
    %convert_element_type3A = arith.extui %and3A_68 : vector<2048x128xi1> to vector<2048x128xi32>
    %add3A_69 = arith.addi %broadcast_in_dim3A_62, %convert_element_type3A : vector<2048x128xi32>
    %mul3A_70 = arith.constant 1 : i32
    %mul3A_71 = arith.muli %mul3A_70, %select_n3A_58 : i32
    %ge3A_72 = vector.broadcast %mul3A_71 : i32 to vector<2048x128xi32>
    %ge3A_73 = arith.cmpi sge, %sub3A_61, %ge3A_72 : vector<2048x128xi32>
    %add3A_74 = arith.addi %mul3A_71, %select_n3A_34 : i32
    %lt3A_75 = vector.broadcast %add3A_74 : i32 to vector<2048x128xi32>
    %lt3A_76 = arith.cmpi slt, %sub3A_61, %lt3A_75 : vector<2048x128xi32>
    %and3A_77 = arith.andi %ge3A_73, %lt3A_76 : vector<2048x128xi1>
    %convert_element_type3A_78 = arith.extui %and3A_77 : vector<2048x128xi1> to vector<2048x128xi32>
    %add3A_79 = arith.addi %add3A_69, %convert_element_type3A_78 : vector<2048x128xi32>
    %mul3A_80 = arith.constant 2 : i32
    %mul3A_81 = arith.muli %mul3A_80, %select_n3A_58 : i32
    %ge3A_82 = vector.broadcast %mul3A_81 : i32 to vector<2048x128xi32>
    %ge3A_83 = arith.cmpi sge, %sub3A_61, %ge3A_82 : vector<2048x128xi32>
    %add3A_84 = arith.addi %mul3A_81, %select_n3A_34 : i32
    %lt3A_85 = vector.broadcast %add3A_84 : i32 to vector<2048x128xi32>
    %lt3A_86 = arith.cmpi slt, %sub3A_61, %lt3A_85 : vector<2048x128xi32>
    %and3A_87 = arith.andi %ge3A_83, %lt3A_86 : vector<2048x128xi1>
    %convert_element_type3A_88 = arith.extui %and3A_87 : vector<2048x128xi1> to vector<2048x128xi32>
    %add3A_89 = arith.addi %add3A_79, %convert_element_type3A_88 : vector<2048x128xi32>
    %mul3A_90 = arith.constant 3 : i32
    %mul3A_91 = arith.muli %mul3A_90, %select_n3A_58 : i32
    %ge3A_92 = vector.broadcast %mul3A_91 : i32 to vector<2048x128xi32>
    %ge3A_93 = arith.cmpi sge, %sub3A_61, %ge3A_92 : vector<2048x128xi32>
    %add3A_94 = arith.addi %mul3A_91, %select_n3A_34 : i32
    %lt3A_95 = vector.broadcast %add3A_94 : i32 to vector<2048x128xi32>
    %lt3A_96 = arith.cmpi slt, %sub3A_61, %lt3A_95 : vector<2048x128xi32>
    %and3A_97 = arith.andi %ge3A_93, %lt3A_96 : vector<2048x128xi1>
    %convert_element_type3A_98 = arith.extui %and3A_97 : vector<2048x128xi1> to vector<2048x128xi32>
    %add3A_99 = arith.addi %add3A_89, %convert_element_type3A_98 : vector<2048x128xi32>
    %mul3A_100 = arith.constant 4 : i32
    %mul3A_101 = arith.muli %mul3A_100, %select_n3A_58 : i32
    %ge3A_102 = vector.broadcast %mul3A_101 : i32 to vector<2048x128xi32>
    %ge3A_103 = arith.cmpi sge, %sub3A_61, %ge3A_102 : vector<2048x128xi32>
    %add3A_104 = arith.addi %mul3A_101, %select_n3A_34 : i32
    %lt3A_105 = vector.broadcast %add3A_104 : i32 to vector<2048x128xi32>
    %lt3A_106 = arith.cmpi slt, %sub3A_61, %lt3A_105 : vector<2048x128xi32>
    %and3A_107 = arith.andi %ge3A_103, %lt3A_106 : vector<2048x128xi1>
    %convert_element_type3A_108 = arith.extui %and3A_107 : vector<2048x128xi1> to vector<2048x128xi32>
    %add3A_109 = arith.addi %add3A_99, %convert_element_type3A_108 : vector<2048x128xi32>
    %ge3A_110 = arith.constant 200 : i32
    %ge3A_111 = vector.broadcast %ge3A_110 : i32 to vector<2048x128xi32>
    %ge3A_112 = arith.cmpi sge, %get3A_14, %ge3A_111 : vector<2048x128xi32>
    %lt3A_113 = vector.broadcast %get3A_11 : i32 to vector<2048x128xi32>
    %lt3A_114 = arith.cmpi slt, %get3A_14, %lt3A_113 : vector<2048x128xi32>
    %and3A_115 = arith.andi %ge3A_112, %lt3A_114 : vector<2048x128xi1>
    %jit3A_116 = arith.constant 0 : i32
    %broadcast_in_dim3A_117 = vector.broadcast %jit3A_116 : i32 to vector<2048x128xi32>
    %select_n3A_118 = arith.select %and3A_115, %add3A_109, %broadcast_in_dim3A_117 : vector<2048x128xi1>, vector<2048x128xi32>
    %convert_element_type3A_119 = arith.sitofp %select_n3A_118 : vector<2048x128xi32> to vector<2048x128xf32>
    %get3A_120 = arith.constant 0 : index
    %get3A_121 = arith.constant 0 : index
    %get3A_122 = vector.load %arg2[%get3A_120, %get3A_121] : memref<2048x128xi32, #tpu.memory_space<vmem>>, vector<2048x128xi32>
    %sub3A_123 = arith.constant 1065353215 : i32
    %sub3A_124 = vector.broadcast %sub3A_123 : i32 to vector<2048x128xi32>
    %sub3A_125 = arith.subi %sub3A_124, %get3A_122 : vector<2048x128xi32>
    %bitcast_convert_type3A = tpu.bitcast %sub3A_125 : vector<2048x128xi32> -> vector<2048x128xf32>
    %sub3A_126 = arith.constant 1.000000e+00 : f32
    %sub3A_127 = vector.broadcast %sub3A_126 : f32 to vector<2048x128xf32>
    %sub3A_128 = arith.subf %sub3A_127, %bitcast_convert_type3A : vector<2048x128xf32>
    %log3A = math.log %sub3A_128 : vector<2048x128xf32>
    %max3A = arith.constant -1.000000e+02 : f32
    %max3A_129 = vector.broadcast %max3A : f32 to vector<2048x128xf32>
    %max3A_130 = arith.maximumf %log3A, %max3A_129 : vector<2048x128xf32>
    %neg3A = arith.constant 0.000000e+00 : f32
    %neg3A_131 = vector.broadcast %neg3A : f32 to vector<2048x128xf32>
    %neg3A_132 = arith.subf %neg3A_131, %max3A_130 : vector<2048x128xf32>
    %mul3A_133 = arith.mulf %convert_element_type3A_119, %neg3A_132 : vector<2048x128xf32>
    %jit3A_134 = arith.constant 0.000000e+00 : f32
    %broadcast_in_dim3A_135 = vector.broadcast %jit3A_134 : f32 to vector<2048x128xf32>
    %select_n3A_136 = arith.select %lt3A_3, %mul3A_133, %broadcast_in_dim3A_135 : vector<2048x128xi1>, vector<2048x128xf32>
    %reduce_sum3A = vector.shape_cast %select_n3A_136 : vector<2048x128xf32> to vector<1x2048x128xf32>
    %reduce_sum3A_137 = arith.constant dense<0.000000e+00> : vector<1xf32>
    %reduce_sum3A_138 = vector.multi_reduction <add>, %reduce_sum3A, %reduce_sum3A_137 [1, 2] : vector<1x2048x128xf32> to vector<1xf32>
    %reduce_sum3A_139 = vector.shape_cast %reduce_sum3A_138 : vector<1xf32> to vector<1x1x1xf32>
    %reduce_sum3A_140 = vector.extract %reduce_sum3A_139[0, 0, 0] : f32 from vector<1x1x1xf32>
    %get3A_141 = arith.constant 0 : index
    %get3A_142 = arith.constant 0 : index
    %get3A_143 = vector.load %arg4[%get3A_141, %get3A_142] : memref<1x1xi32, #tpu.memory_space<vmem>>, vector<1x1xi32>
    %get3A_144 = vector.extract %get3A_143[0, 0] : i32 from vector<1x1xi32>
    %get3A_145 = arith.constant 0 : index
    %get3A_146 = arith.constant 0 : index
    %get3A_147 = vector.load %arg5[%get3A_145, %get3A_146] : memref<1x1xi32, #tpu.memory_space<vmem>>, vector<1x1xi32>
    %get3A_148 = vector.extract %get3A_147[0, 0] : i32 from vector<1x1xi32>
    %iota3A = tpu.iota {dimensions = array<i32: 0>} : vector<2048x128xi32>
    %mul3A_149 = arith.constant 128 : i32
    %mul3A_150 = vector.broadcast %mul3A_149 : i32 to vector<2048x128xi32>
    %mul3A_151 = arith.muli %iota3A, %mul3A_150 : vector<2048x128xi32>
    %iota3A_152 = tpu.iota {dimensions = array<i32: 1>} : vector<2048x128xi32>
    %add3A_153 = arith.addi %mul3A_151, %iota3A_152 : vector<2048x128xi32>
    %mul3A_154 = arith.constant 4 : i32
    %mul3A_155 = arith.muli %mul3A_154, %get3A_144 : i32
    %eq3A_156 = arith.constant 0 : i32
    %eq3A_157 = arith.cmpi eq, %mul3A_155, %eq3A_156 : i32
    %jit3A_158 = arith.constant 100 : i32
    %select_n3A_159 = arith.select %eq3A_157, %jit3A_158, %mul3A_155 : i32
    %jit3A_160 = arith.constant 5 : i32
    %div3A_161 = arith.divsi %select_n3A_159, %jit3A_160 : i32
    %sign3A_162 = arith.constant 0 : i32
    %sign3A_163 = arith.cmpi sgt, %select_n3A_159, %sign3A_162 : i32
    %sign3A_164 = arith.extui %sign3A_163 : i1 to i32
    %sign3A_165 = arith.constant 0 : i32
    %sign3A_166 = arith.cmpi slt, %select_n3A_159, %sign3A_165 : i32
    %sign3A_167 = arith.extui %sign3A_166 : i1 to i32
    %sign3A_168 = arith.subi %sign3A_164, %sign3A_167 : i32
    %sign3A_169 = arith.constant 0 : i32
    %sign3A_170 = arith.cmpi sgt, %jit3A_160, %sign3A_169 : i32
    %sign3A_171 = arith.extui %sign3A_170 : i1 to i32
    %sign3A_172 = arith.constant 0 : i32
    %sign3A_173 = arith.cmpi slt, %jit3A_160, %sign3A_172 : i32
    %sign3A_174 = arith.extui %sign3A_173 : i1 to i32
    %sign3A_175 = arith.subi %sign3A_171, %sign3A_174 : i32
    %ne3A_176 = arith.cmpi ne, %sign3A_168, %sign3A_175 : i32
    %rem3A_177 = arith.remsi %select_n3A_159, %jit3A_160 : i32
    %ne3A_178 = arith.constant 0 : i32
    %ne3A_179 = arith.cmpi ne, %rem3A_177, %ne3A_178 : i32
    %and3A_180 = arith.andi %ne3A_176, %ne3A_179 : i1
    %sub3A_181 = arith.constant 1 : i32
    %sub3A_182 = arith.subi %div3A_161, %sub3A_181 : i32
    %select_n3A_183 = arith.select %and3A_180, %sub3A_182, %div3A_161 : i32
    %jit3A_184 = arith.constant 5 : i32
    %div3A_185 = arith.divsi %get3A_148, %jit3A_184 : i32
    %sign3A_186 = arith.constant 0 : i32
    %sign3A_187 = arith.cmpi sgt, %get3A_148, %sign3A_186 : i32
    %sign3A_188 = arith.extui %sign3A_187 : i1 to i32
    %sign3A_189 = arith.constant 0 : i32
    %sign3A_190 = arith.cmpi slt, %get3A_148, %sign3A_189 : i32
    %sign3A_191 = arith.extui %sign3A_190 : i1 to i32
    %sign3A_192 = arith.subi %sign3A_188, %sign3A_191 : i32
    %sign3A_193 = arith.constant 0 : i32
    %sign3A_194 = arith.cmpi sgt, %jit3A_184, %sign3A_193 : i32
    %sign3A_195 = arith.extui %sign3A_194 : i1 to i32
    %sign3A_196 = arith.constant 0 : i32
    %sign3A_197 = arith.cmpi slt, %jit3A_184, %sign3A_196 : i32
    %sign3A_198 = arith.extui %sign3A_197 : i1 to i32
    %sign3A_199 = arith.subi %sign3A_195, %sign3A_198 : i32
    %ne3A_200 = arith.cmpi ne, %sign3A_192, %sign3A_199 : i32
    %rem3A_201 = arith.remsi %get3A_148, %jit3A_184 : i32
    %ne3A_202 = arith.constant 0 : i32
    %ne3A_203 = arith.cmpi ne, %rem3A_201, %ne3A_202 : i32
    %and3A_204 = arith.andi %ne3A_200, %ne3A_203 : i1
    %sub3A_205 = arith.constant 1 : i32
    %sub3A_206 = arith.subi %div3A_185, %sub3A_205 : i32
    %select_n3A_207 = arith.select %and3A_204, %sub3A_206, %div3A_185 : i32
    %sub3A_208 = arith.constant 200 : i32
    %sub3A_209 = vector.broadcast %sub3A_208 : i32 to vector<2048x128xi32>
    %sub3A_210 = arith.subi %add3A_153, %sub3A_209 : vector<2048x128xi32>
    %broadcast_in_dim3A_211 = arith.constant 0 : i32
    %broadcast_in_dim3A_212 = vector.broadcast %broadcast_in_dim3A_211 : i32 to vector<2048x128xi32>
    %mul3A_213 = arith.constant 0 : i32
    %mul3A_214 = arith.muli %mul3A_213, %select_n3A_207 : i32
    %ge3A_215 = vector.broadcast %mul3A_214 : i32 to vector<2048x128xi32>
    %ge3A_216 = arith.cmpi sge, %sub3A_210, %ge3A_215 : vector<2048x128xi32>
    %add3A_217 = arith.addi %mul3A_214, %select_n3A_183 : i32
    %lt3A_218 = vector.broadcast %add3A_217 : i32 to vector<2048x128xi32>
    %lt3A_219 = arith.cmpi slt, %sub3A_210, %lt3A_218 : vector<2048x128xi32>
    %and3A_220 = arith.andi %ge3A_216, %lt3A_219 : vector<2048x128xi1>
    %convert_element_type3A_221 = arith.extui %and3A_220 : vector<2048x128xi1> to vector<2048x128xi32>
    %add3A_222 = arith.addi %broadcast_in_dim3A_212, %convert_element_type3A_221 : vector<2048x128xi32>
    %mul3A_223 = arith.constant 1 : i32
    %mul3A_224 = arith.muli %mul3A_223, %select_n3A_207 : i32
    %ge3A_225 = vector.broadcast %mul3A_224 : i32 to vector<2048x128xi32>
    %ge3A_226 = arith.cmpi sge, %sub3A_210, %ge3A_225 : vector<2048x128xi32>
    %add3A_227 = arith.addi %mul3A_224, %select_n3A_183 : i32
    %lt3A_228 = vector.broadcast %add3A_227 : i32 to vector<2048x128xi32>
    %lt3A_229 = arith.cmpi slt, %sub3A_210, %lt3A_228 : vector<2048x128xi32>
    %and3A_230 = arith.andi %ge3A_226, %lt3A_229 : vector<2048x128xi1>
    %convert_element_type3A_231 = arith.extui %and3A_230 : vector<2048x128xi1> to vector<2048x128xi32>
    %add3A_232 = arith.addi %add3A_222, %convert_element_type3A_231 : vector<2048x128xi32>
    %mul3A_233 = arith.constant 2 : i32
    %mul3A_234 = arith.muli %mul3A_233, %select_n3A_207 : i32
    %ge3A_235 = vector.broadcast %mul3A_234 : i32 to vector<2048x128xi32>
    %ge3A_236 = arith.cmpi sge, %sub3A_210, %ge3A_235 : vector<2048x128xi32>
    %add3A_237 = arith.addi %mul3A_234, %select_n3A_183 : i32
    %lt3A_238 = vector.broadcast %add3A_237 : i32 to vector<2048x128xi32>
    %lt3A_239 = arith.cmpi slt, %sub3A_210, %lt3A_238 : vector<2048x128xi32>
    %and3A_240 = arith.andi %ge3A_236, %lt3A_239 : vector<2048x128xi1>
    %convert_element_type3A_241 = arith.extui %and3A_240 : vector<2048x128xi1> to vector<2048x128xi32>
    %add3A_242 = arith.addi %add3A_232, %convert_element_type3A_241 : vector<2048x128xi32>
    %mul3A_243 = arith.constant 3 : i32
    %mul3A_244 = arith.muli %mul3A_243, %select_n3A_207 : i32
    %ge3A_245 = vector.broadcast %mul3A_244 : i32 to vector<2048x128xi32>
    %ge3A_246 = arith.cmpi sge, %sub3A_210, %ge3A_245 : vector<2048x128xi32>
    %add3A_247 = arith.addi %mul3A_244, %select_n3A_183 : i32
    %lt3A_248 = vector.broadcast %add3A_247 : i32 to vector<2048x128xi32>
    %lt3A_249 = arith.cmpi slt, %sub3A_210, %lt3A_248 : vector<2048x128xi32>
    %and3A_250 = arith.andi %ge3A_246, %lt3A_249 : vector<2048x128xi1>
    %convert_element_type3A_251 = arith.extui %and3A_250 : vector<2048x128xi1> to vector<2048x128xi32>
    %add3A_252 = arith.addi %add3A_242, %convert_element_type3A_251 : vector<2048x128xi32>
    %mul3A_253 = arith.constant 4 : i32
    %mul3A_254 = arith.muli %mul3A_253, %select_n3A_207 : i32
    %ge3A_255 = vector.broadcast %mul3A_254 : i32 to vector<2048x128xi32>
    %ge3A_256 = arith.cmpi sge, %sub3A_210, %ge3A_255 : vector<2048x128xi32>
    %add3A_257 = arith.addi %mul3A_254, %select_n3A_183 : i32
    %lt3A_258 = vector.broadcast %add3A_257 : i32 to vector<2048x128xi32>
    %lt3A_259 = arith.cmpi slt, %sub3A_210, %lt3A_258 : vector<2048x128xi32>
    %and3A_260 = arith.andi %ge3A_256, %lt3A_259 : vector<2048x128xi1>
    %convert_element_type3A_261 = arith.extui %and3A_260 : vector<2048x128xi1> to vector<2048x128xi32>
    %add3A_262 = arith.addi %add3A_252, %convert_element_type3A_261 : vector<2048x128xi32>
    %ge3A_263 = arith.constant 200 : i32
    %ge3A_264 = vector.broadcast %ge3A_263 : i32 to vector<2048x128xi32>
    %ge3A_265 = arith.cmpi sge, %add3A_153, %ge3A_264 : vector<2048x128xi32>
    %lt3A_266 = vector.broadcast %get3A_148 : i32 to vector<2048x128xi32>
    %lt3A_267 = arith.cmpi slt, %add3A_153, %lt3A_266 : vector<2048x128xi32>
    %and3A_268 = arith.andi %ge3A_265, %lt3A_267 : vector<2048x128xi1>
    %jit3A_269 = arith.constant 0 : i32
    %broadcast_in_dim3A_270 = vector.broadcast %jit3A_269 : i32 to vector<2048x128xi32>
    %select_n3A_271 = arith.select %and3A_268, %add3A_262, %broadcast_in_dim3A_270 : vector<2048x128xi1>, vector<2048x128xi32>
    %convert_element_type3A_272 = arith.sitofp %select_n3A_271 : vector<2048x128xi32> to vector<2048x128xf32>
    %reduce_sum3A_273 = vector.shape_cast %convert_element_type3A_272 : vector<2048x128xf32> to vector<1x2048x128xf32>
    %reduce_sum3A_274 = arith.constant dense<0.000000e+00> : vector<1xf32>
    %reduce_sum3A_275 = vector.multi_reduction <add>, %reduce_sum3A_273, %reduce_sum3A_274 [1, 2] : vector<1x2048x128xf32> to vector<1xf32>
    %reduce_sum3A_276 = vector.shape_cast %reduce_sum3A_275 : vector<1xf32> to vector<1x1x1xf32>
    %reduce_sum3A_277 = vector.extract %reduce_sum3A_276[0, 0, 0] : f32 from vector<1x1x1xf32>
    %gt3A = arith.constant 0 : i32
    %gt3A_278 = arith.cmpi sgt, %get3A_144, %gt3A : i32
    %get3A_279 = arith.constant 0 : index
    %get3A_280 = arith.constant 0 : index
    %get3A_281 = vector.load %arg3[%get3A_279, %get3A_280] : memref<1x1xf32, #tpu.memory_space<vmem>>, vector<1x1xf32>
    %get3A_282 = vector.extract %get3A_281[0, 0] : f32 from vector<1x1xf32>
    %max3A_283 = arith.constant 1 : i32
    %max3A_284 = arith.maxsi %get3A_144, %max3A_283 : i32
    %convert_element_type3A_285 = arith.sitofp %max3A_284 : i32 to f32
    %div3A_286 = arith.divf %get3A_282, %convert_element_type3A_285 : f32
    %jit3A_287 = arith.constant 0.000000e+00 : f32
    %select_n3A_288 = arith.select %gt3A_278, %div3A_286, %jit3A_287 : f32
    %div3A_289 = arith.divf %reduce_sum3A_140, %reduce_sum3A_277 : f32
    %add3A_290 = arith.addf %select_n3A_288, %div3A_289 : f32
    %reshape3A = vector.broadcast %add3A_290 : f32 to vector<1x1xf32>
    %swap3A = arith.constant 0 : index
    %swap3A_291 = arith.constant 0 : index
    %swap3A_292 = vector.load %arg6[%swap3A, %swap3A_291] : memref<1x1xf32, #tpu.memory_space<vmem>>, vector<1x1xf32>
    tpu.vector_store %arg6[%swap3A, %swap3A_291], %reshape3A {strides = array<i32>} : memref<1x1xf32, #tpu.memory_space<vmem>>, vector<1x1xf32>,
    return
  }
}

module attributes {stable_mosaic.version = 14 : i64} {
  func.func @_tc_pre(%arg0: memref<2048x128xf32, #tpu.memory_space<vmem>>, %arg1: memref<2048x128xi32, #tpu.memory_space<vmem>>, %arg2: memref<2048x128xi32, #tpu.memory_space<vmem>>, %arg3: memref<2048x128xi32, #tpu.memory_space<vmem>>, %arg4: memref<1x1xf32, #tpu.memory_space<vmem>>, %arg5: memref<1x1xi32, #tpu.memory_space<vmem>>, %arg6: memref<1x1xi32, #tpu.memory_space<vmem>>) attributes {dimension_semantics = [], scalar_prefetch = 0 : i64, scratch_operands = 0 : i64, tpu.core_type = #tpu.core_type<tc>} {
    %get3A = arith.constant 0 : index
    %get3A_0 = arith.constant 0 : index
    %get3A_1 = vector.load %arg0[%get3A, %get3A_0] : memref<2048x128xf32, #tpu.memory_space<vmem>>, vector<2048x128xf32>
    %get3A_2 = arith.constant 0 : index
    %get3A_3 = arith.constant 0 : index
    %get3A_4 = vector.load %arg1[%get3A_2, %get3A_3] : memref<2048x128xi32, #tpu.memory_space<vmem>>, vector<2048x128xi32>
    %lt3A = arith.constant 1 : i32
    %lt3A_5 = vector.broadcast %lt3A : i32 to vector<2048x128xi32>
    %lt3A_6 = arith.cmpi slt, %get3A_4, %lt3A_5 : vector<2048x128xi32>
    %bitcast_convert_type3A = tpu.bitcast %get3A_1 : vector<2048x128xf32> -> vector<2048x128xi32>
    %sub3A = arith.constant 1065353215 : i32
    %sub3A_7 = vector.broadcast %sub3A : i32 to vector<2048x128xi32>
    %sub3A_8 = arith.subi %sub3A_7, %bitcast_convert_type3A : vector<2048x128xi32>
    %jit3A = arith.constant 1065353216 : i32
    %broadcast_in_dim3A = vector.broadcast %jit3A : i32 to vector<2048x128xi32>
    %select_n3A = arith.select %lt3A_6, %sub3A_8, %broadcast_in_dim3A : vector<2048x128xi1>, vector<2048x128xi32>
    %swap3A = arith.constant 0 : index
    %swap3A_9 = arith.constant 0 : index
    %swap3A_10 = vector.load %arg2[%swap3A, %swap3A_9] : memref<2048x128xi32, #tpu.memory_space<vmem>>, vector<2048x128xi32>
    tpu.vector_store %arg2[%swap3A, %swap3A_9], %select_n3A {strides = array<i32>} : memref<2048x128xi32, #tpu.memory_space<vmem>>, vector<2048x128xi32>,
    %convert_element_type3A = arith.extui %lt3A_6 : vector<2048x128xi1> to vector<2048x128xi32>
    %convert_element_type3A_11 = arith.sitofp %convert_element_type3A : vector<2048x128xi32> to vector<2048x128xf32>
    %iota3A = tpu.iota {dimensions = array<i32: 0>} : vector<128x128xi32>
    %iota3A_12 = tpu.iota {dimensions = array<i32: 1>} : vector<128x128xi32>
    %lt3A_13 = arith.cmpi slt, %iota3A, %iota3A_12 : vector<128x128xi32>
    %convert_element_type3A_14 = arith.extui %lt3A_13 : vector<128x128xi1> to vector<128x128xi32>
    %convert_element_type3A_15 = arith.sitofp %convert_element_type3A_14 : vector<128x128xi32> to vector<128x128xf32>
    %dot_general3A = arith.constant dense<0.000000e+00> : vector<2048x128xf32>
    %dot_general3A_16 = tpu.matmul %convert_element_type3A_11, %convert_element_type3A_15, %dot_general3A {dimension_numbers = #tpu.dot_dimension_numbers<[1], [0], [0], [1], [0, 0, 1, 1], [], []>, transpose_lhs_hint = false} : vector<2048x128xf32>, vector<128x128xf32>, vector<2048x128xf32> -> vector<2048x128xf32>
    %reduce_sum3A = arith.constant dense<0.000000e+00> : vector<2048xf32>
    %reduce_sum3A_17 = vector.multi_reduction <add>, %convert_element_type3A_11, %reduce_sum3A [1] : vector<2048x128xf32> to vector<2048xf32>
    %broadcast_in_dim3A_18 = vector.shape_cast %reduce_sum3A_17 : vector<2048xf32> to vector<2048x1xf32>
    %jit3A_19 = arith.constant 0 : i32
    %convert_element_type3A_20 = arith.sitofp %jit3A_19 : i32 to f32
    %pad3A = vector.broadcast %convert_element_type3A_20 : f32 to vector<1x1xf32>
    %pad3A_21 = tpu.concatenate %pad3A, %broadcast_in_dim3A_18 in 0 : vector<1x1xf32>, vector<2048x1xf32> -> vector<2049x1xf32>
    %slice3A = vector.extract_strided_slice %pad3A_21 {offsets = [0, 0], sizes = [2048, 1], strides = [1, 1]} : vector<2049x1xf32> to vector<2048x1xf32>
    %add3A = arith.addf %broadcast_in_dim3A_18, %slice3A : vector<2048x1xf32>
    %jit3A_22 = arith.constant 0 : i32
    %convert_element_type3A_23 = arith.sitofp %jit3A_22 : i32 to f32
    %pad3A_24 = vector.broadcast %convert_element_type3A_23 : f32 to vector<2x1xf32>
    %pad3A_25 = tpu.concatenate %pad3A_24, %add3A in 0 : vector<2x1xf32>, vector<2048x1xf32> -> vector<2050x1xf32>
    %slice3A_26 = vector.extract_strided_slice %pad3A_25 {offsets = [0, 0], sizes = [2048, 1], strides = [1, 1]} : vector<2050x1xf32> to vector<2048x1xf32>
    %add3A_27 = arith.addf %add3A, %slice3A_26 : vector<2048x1xf32>
    %jit3A_28 = arith.constant 0 : i32
    %convert_element_type3A_29 = arith.sitofp %jit3A_28 : i32 to f32
    %pad3A_30 = vector.broadcast %convert_element_type3A_29 : f32 to vector<4x1xf32>
    %pad3A_31 = tpu.concatenate %pad3A_30, %add3A_27 in 0 : vector<4x1xf32>, vector<2048x1xf32> -> vector<2052x1xf32>
    %slice3A_32 = vector.extract_strided_slice %pad3A_31 {offsets = [0, 0], sizes = [2048, 1], strides = [1, 1]} : vector<2052x1xf32> to vector<2048x1xf32>
    %add3A_33 = arith.addf %add3A_27, %slice3A_32 : vector<2048x1xf32>
    %jit3A_34 = arith.constant 0 : i32
    %convert_element_type3A_35 = arith.sitofp %jit3A_34 : i32 to f32
    %pad3A_36 = vector.broadcast %convert_element_type3A_35 : f32 to vector<8x1xf32>
    %pad3A_37 = tpu.concatenate %pad3A_36, %add3A_33 in 0 : vector<8x1xf32>, vector<2048x1xf32> -> vector<2056x1xf32>
    %slice3A_38 = vector.extract_strided_slice %pad3A_37 {offsets = [0, 0], sizes = [2048, 1], strides = [1, 1]} : vector<2056x1xf32> to vector<2048x1xf32>
    %add3A_39 = arith.addf %add3A_33, %slice3A_38 : vector<2048x1xf32>
    %jit3A_40 = arith.constant 0 : i32
    %convert_element_type3A_41 = arith.sitofp %jit3A_40 : i32 to f32
    %pad3A_42 = vector.broadcast %convert_element_type3A_41 : f32 to vector<16x1xf32>
    %pad3A_43 = tpu.concatenate %pad3A_42, %add3A_39 in 0 : vector<16x1xf32>, vector<2048x1xf32> -> vector<2064x1xf32>
    %slice3A_44 = vector.extract_strided_slice %pad3A_43 {offsets = [0, 0], sizes = [2048, 1], strides = [1, 1]} : vector<2064x1xf32> to vector<2048x1xf32>
    %add3A_45 = arith.addf %add3A_39, %slice3A_44 : vector<2048x1xf32>
    %jit3A_46 = arith.constant 0 : i32
    %convert_element_type3A_47 = arith.sitofp %jit3A_46 : i32 to f32
    %pad3A_48 = vector.broadcast %convert_element_type3A_47 : f32 to vector<32x1xf32>
    %pad3A_49 = tpu.concatenate %pad3A_48, %add3A_45 in 0 : vector<32x1xf32>, vector<2048x1xf32> -> vector<2080x1xf32>
    %slice3A_50 = vector.extract_strided_slice %pad3A_49 {offsets = [0, 0], sizes = [2048, 1], strides = [1, 1]} : vector<2080x1xf32> to vector<2048x1xf32>
    %add3A_51 = arith.addf %add3A_45, %slice3A_50 : vector<2048x1xf32>
    %jit3A_52 = arith.constant 0 : i32
    %convert_element_type3A_53 = arith.sitofp %jit3A_52 : i32 to f32
    %pad3A_54 = vector.broadcast %convert_element_type3A_53 : f32 to vector<64x1xf32>
    %pad3A_55 = tpu.concatenate %pad3A_54, %add3A_51 in 0 : vector<64x1xf32>, vector<2048x1xf32> -> vector<2112x1xf32>
    %slice3A_56 = vector.extract_strided_slice %pad3A_55 {offsets = [0, 0], sizes = [2048, 1], strides = [1, 1]} : vector<2112x1xf32> to vector<2048x1xf32>
    %add3A_57 = arith.addf %add3A_51, %slice3A_56 : vector<2048x1xf32>
    %jit3A_58 = arith.constant 0 : i32
    %convert_element_type3A_59 = arith.sitofp %jit3A_58 : i32 to f32
    %pad3A_60 = vector.broadcast %convert_element_type3A_59 : f32 to vector<128x1xf32>
    %pad3A_61 = tpu.concatenate %pad3A_60, %add3A_57 in 0 : vector<128x1xf32>, vector<2048x1xf32> -> vector<2176x1xf32>
    %slice3A_62 = vector.extract_strided_slice %pad3A_61 {offsets = [0, 0], sizes = [2048, 1], strides = [1, 1]} : vector<2176x1xf32> to vector<2048x1xf32>
    %add3A_63 = arith.addf %add3A_57, %slice3A_62 : vector<2048x1xf32>
    %jit3A_64 = arith.constant 0 : i32
    %convert_element_type3A_65 = arith.sitofp %jit3A_64 : i32 to f32
    %pad3A_66 = vector.broadcast %convert_element_type3A_65 : f32 to vector<256x1xf32>
    %pad3A_67 = tpu.concatenate %pad3A_66, %add3A_63 in 0 : vector<256x1xf32>, vector<2048x1xf32> -> vector<2304x1xf32>
    %slice3A_68 = vector.extract_strided_slice %pad3A_67 {offsets = [0, 0], sizes = [2048, 1], strides = [1, 1]} : vector<2304x1xf32> to vector<2048x1xf32>
    %add3A_69 = arith.addf %add3A_63, %slice3A_68 : vector<2048x1xf32>
    %jit3A_70 = arith.constant 0 : i32
    %convert_element_type3A_71 = arith.sitofp %jit3A_70 : i32 to f32
    %pad3A_72 = vector.broadcast %convert_element_type3A_71 : f32 to vector<512x1xf32>
    %pad3A_73 = tpu.concatenate %pad3A_72, %add3A_69 in 0 : vector<512x1xf32>, vector<2048x1xf32> -> vector<2560x1xf32>
    %slice3A_74 = vector.extract_strided_slice %pad3A_73 {offsets = [0, 0], sizes = [2048, 1], strides = [1, 1]} : vector<2560x1xf32> to vector<2048x1xf32>
    %add3A_75 = arith.addf %add3A_69, %slice3A_74 : vector<2048x1xf32>
    %jit3A_76 = arith.constant 0 : i32
    %convert_element_type3A_77 = arith.sitofp %jit3A_76 : i32 to f32
    %pad3A_78 = vector.broadcast %convert_element_type3A_77 : f32 to vector<1024x1xf32>
    %pad3A_79 = tpu.concatenate %pad3A_78, %add3A_75 in 0 : vector<1024x1xf32>, vector<2048x1xf32> -> vector<3072x1xf32>
    %slice3A_80 = vector.extract_strided_slice %pad3A_79 {offsets = [0, 0], sizes = [2048, 1], strides = [1, 1]} : vector<3072x1xf32> to vector<2048x1xf32>
    %add3A_81 = arith.addf %add3A_75, %slice3A_80 : vector<2048x1xf32>
    %sub3A_82 = arith.subf %add3A_81, %broadcast_in_dim3A_18 : vector<2048x1xf32>
    %add3A_83 = vector.broadcast %sub3A_82 : vector<2048x1xf32> to vector<2048x128xf32>
    %add3A_84 = arith.addf %dot_general3A_16, %add3A_83 : vector<2048x128xf32>
    %convert_element_type3A_85 = arith.fptosi %add3A_84 : vector<2048x128xf32> to vector<2048x128xi32>
    %swap3A_86 = arith.constant 0 : index
    %swap3A_87 = arith.constant 0 : index
    %swap3A_88 = vector.load %arg3[%swap3A_86, %swap3A_87] : memref<2048x128xi32, #tpu.memory_space<vmem>>, vector<2048x128xi32>
    tpu.vector_store %arg3[%swap3A_86, %swap3A_87], %convert_element_type3A_85 {strides = array<i32>} : memref<2048x128xi32, #tpu.memory_space<vmem>>, vector<2048x128xi32>,
    %log3A = math.log %get3A_1 : vector<2048x128xf32>
    %max3A = arith.constant -1.000000e+02 : f32
    %max3A_89 = vector.broadcast %max3A : f32 to vector<2048x128xf32>
    %max3A_90 = arith.maximumf %log3A, %max3A_89 : vector<2048x128xf32>
    %neg3A = arith.constant 0.000000e+00 : f32
    %neg3A_91 = vector.broadcast %neg3A : f32 to vector<2048x128xf32>
    %neg3A_92 = arith.subf %neg3A_91, %max3A_90 : vector<2048x128xf32>
    %jit3A_93 = arith.constant 0.000000e+00 : f32
    %broadcast_in_dim3A_94 = vector.broadcast %jit3A_93 : f32 to vector<2048x128xf32>
    %select_n3A_95 = arith.select %lt3A_6, %broadcast_in_dim3A_94, %neg3A_92 : vector<2048x128xi1>, vector<2048x128xf32>
    %reduce_sum3A_96 = vector.shape_cast %select_n3A_95 : vector<2048x128xf32> to vector<1x2048x128xf32>
    %reduce_sum3A_97 = arith.constant dense<0.000000e+00> : vector<1xf32>
    %reduce_sum3A_98 = vector.multi_reduction <add>, %reduce_sum3A_96, %reduce_sum3A_97 [1, 2] : vector<1x2048x128xf32> to vector<1xf32>
    %reduce_sum3A_99 = vector.shape_cast %reduce_sum3A_98 : vector<1xf32> to vector<1x1x1xf32>
    %reduce_sum3A_100 = vector.extract %reduce_sum3A_99[0, 0, 0] : f32 from vector<1x1x1xf32>
    %reshape3A = vector.broadcast %reduce_sum3A_100 : f32 to vector<1x1xf32>
    %swap3A_101 = arith.constant 0 : index
    %swap3A_102 = arith.constant 0 : index
    %swap3A_103 = vector.load %arg4[%swap3A_101, %swap3A_102] : memref<1x1xf32, #tpu.memory_space<vmem>>, vector<1x1xf32>
    tpu.vector_store %arg4[%swap3A_101, %swap3A_102], %reshape3A {strides = array<i32>} : memref<1x1xf32, #tpu.memory_space<vmem>>, vector<1x1xf32>,
    %jit3A_104 = arith.constant 0 : i32
    %jit3A_105 = arith.constant 1 : i32
    %broadcast_in_dim3A_106 = vector.broadcast %jit3A_104 : i32 to vector<2048x128xi32>
    %broadcast_in_dim3A_107 = vector.broadcast %jit3A_105 : i32 to vector<2048x128xi32>
    %select_n3A_108 = arith.select %lt3A_6, %broadcast_in_dim3A_106, %broadcast_in_dim3A_107 : vector<2048x128xi1>, vector<2048x128xi32>
    %reduce_sum3A_109 = vector.shape_cast %select_n3A_108 : vector<2048x128xi32> to vector<1x2048x128xi32>
    %reduce_sum3A_110 = arith.constant dense<0> : vector<1xi32>
    %reduce_sum3A_111 = vector.multi_reduction <add>, %reduce_sum3A_109, %reduce_sum3A_110 [1, 2] : vector<1x2048x128xi32> to vector<1xi32>
    %reduce_sum3A_112 = vector.shape_cast %reduce_sum3A_111 : vector<1xi32> to vector<1x1x1xi32>
    %reduce_sum3A_113 = vector.extract %reduce_sum3A_112[0, 0, 0] : i32 from vector<1x1x1xi32>
    %reshape3A_114 = vector.broadcast %reduce_sum3A_113 : i32 to vector<1x1xi32>
    %swap3A_115 = arith.constant 0 : index
    %swap3A_116 = arith.constant 0 : index
    %swap3A_117 = vector.load %arg5[%swap3A_115, %swap3A_116] : memref<1x1xi32, #tpu.memory_space<vmem>>, vector<1x1xi32>
    tpu.vector_store %arg5[%swap3A_115, %swap3A_116], %reshape3A_114 {strides = array<i32>} : memref<1x1xi32, #tpu.memory_space<vmem>>, vector<1x1xi32>,
    %jit3A_118 = arith.constant 1 : i32
    %jit3A_119 = arith.constant 0 : i32
    %broadcast_in_dim3A_120 = vector.broadcast %jit3A_118 : i32 to vector<2048x128xi32>
    %broadcast_in_dim3A_121 = vector.broadcast %jit3A_119 : i32 to vector<2048x128xi32>
    %select_n3A_122 = arith.select %lt3A_6, %broadcast_in_dim3A_120, %broadcast_in_dim3A_121 : vector<2048x128xi1>, vector<2048x128xi32>
    %reduce_sum3A_123 = vector.shape_cast %select_n3A_122 : vector<2048x128xi32> to vector<1x2048x128xi32>
    %reduce_sum3A_124 = arith.constant dense<0> : vector<1xi32>
    %reduce_sum3A_125 = vector.multi_reduction <add>, %reduce_sum3A_123, %reduce_sum3A_124 [1, 2] : vector<1x2048x128xi32> to vector<1xi32>
    %reduce_sum3A_126 = vector.shape_cast %reduce_sum3A_125 : vector<1xi32> to vector<1x1x1xi32>
    %reduce_sum3A_127 = vector.extract %reduce_sum3A_126[0, 0, 0] : i32 from vector<1x1x1xi32>
    %reshape3A_128 = vector.broadcast %reduce_sum3A_127 : i32 to vector<1x1xi32>
    %swap3A_129 = arith.constant 0 : index
    %swap3A_130 = arith.constant 0 : index
    %swap3A_131 = vector.load %arg6[%swap3A_129, %swap3A_130] : memref<1x1xi32, #tpu.memory_space<vmem>>, vector<1x1xi32>
    tpu.vector_store %arg6[%swap3A_129, %swap3A_130], %reshape3A_128 {strides = array<i32>} : memref<1x1xi32, #tpu.memory_space<vmem>>, vector<1x1xi32>,
    return
  }
}

</mosaic_0001>

<sc_bundles>
// kernel: kernel.5.cloned.1.call-start
scs
__scs_entry_jumppad:
0x0: {  	(pc) =	sbr.rel $0x88, $3  }
0x1: {  	(tag) =	ssettag $0x0;
	lr =	simm.s32 $0x1  }
0x2: {  	[smem:$0x3F9F] =	sst lr;
	_ =	strace $0xD0000000  }
0x3: {  	_ = 	snop  }
0x4: {  	_ = 	snop  }
0x5: {  	_ = 	snop  }
0x6: {  	_ = 	snop  }
0x7: {  	_ = 	snop  }
__scs_overlays_trampoline_lowered:
0x8: {  	[smem:$0x3FAE] =	sst s0  }
0x9: {  	[smem:$0x3FAF] =	sst s1  }
0xa: {  	[smem:$0x3FB0] =	sst s2  }
0xb: {  	[smem:$0x3FB1] =	sst s3  }
0xc: {  	[smem:$0x3FB2] =	sst s4  }
0xd: {  	[smem:$0x3FB3] =	sst s5  }
0xe: {  	[smem:$0x3FB4] =	sst s6  }
0xf: {  	[smem:$0x3FB5] =	sst s7  }
0x10: {  	[smem:$0x3FB6] =	sst s8  }
0x11: {  	[smem:$0x3FB7] =	sst s9;
	s0 =	simm.s32 @!p0 $0x0  }
0x12: {  	s1 =	sld [smem:$0x3F9D];
	s0 =	simm.s32 @p0 $0x1  }
0x13: {  	[smem:$0x3FB8] =	sst s0;
	s0 =	simm.s32 @!p1 $0x0  }
0x14: {  	s2 =	sld [smem:$0x3F9C];
	s0 =	simm.s32 @p1 $0x1  }
0x15: {  	[smem:$0x3FB9] =	sst s0;
	s0 =	simm.s32 @!p2 $0x0  }
0x16: {  	s3 =	sld [smem:$0x3FDB];
	s0 =	simm.s32 @p2 $0x1  }
0x17: {  	s4 =	simm.s32 $0x1BF5;
	[smem:$0x3FBB] =	sst s0  }
0x18: {  	s0 =	sld [smem:$0x3F9E];
	_ =	swait.ge [sflag:s4], $0x0  }
0x19: {  	s7 =	sld [smem:$0x3F9F]  }
0x1a: {  	s8 =	sadd.s32 $0xFFFFE003, lr  }
0x1b: {  	s9 =	sadd.s32 $0xFFFFFEF7, lr;
	s5 =	simm.s32 $0xFFFFFFFF;
	p2 =	slt.u32 s8, $0xFFFFF086  }
0x1c: {  	p1 =	slt.u32 s9, $0xF7A;
	s5 =	simm.s32 @!p2 $0x0  }
0x1d: {  	s5 =	simm.s32 @p1 $0x1;
	p0 =	seq.s32 s7, s2  }
0x1e: {  	s7 =	smul.u32 @!p0 $0xF7A, s2;
	p2 =	seq.s32 @!p0 s5, $0x0  }
0x1f: {  	s9 =	smul.u32 $0xF7A, s1;
	s8 =	simm.s32 @!p0 $0x1BF5;
	p2 =	por !p2, p0  }
0x20: {  	[sflag:s8] =	ssyncset.s32 @!p0 $0xFFFFF086;
	s6 =	sadd.s32 @!p0 s3, s7;
	s7 =	simm.s32 @!p0 $0x108  }
0x21: {  	s3 =	sadd.s32 s3, s9;
	s6 =	sadd.s32 @!p0 $0x88, s6;
	s7 =	simm.s32 @p2 $0x1082  }
0x22: {  	[simem:s7], [sflag:s8] =	dma.local @!p0 [hbm:s6], $0xF7A  }
0x23: {  	s9 =	sor.u32 $0xD0000000, s2;
	s6 =	simm.s32 $0x108;
	_ =	swait.ge @!p0 [sflag:s8], $0x0  }
0x24: {  	s3 =	sadd.s32 $0x88, s3;
	s6 =	simm.s32 @!p1 $0x1082;
	[sflag:s4] =	ssyncset.s32 $0xFFFFF086  }
0x25: {  	[simem:s6], [sflag:s4] =	dma.local [hbm:s3], $0xF7A  }
0x26: {  	[smem:$0x3F9F] =	sst s1;
	(tag) =	ssettag s2;
	_ =	strace s9  }
0x27: {  	s1 =	sld [smem:$0x3FAF]  }
0x28: {  	s2 =	sld [smem:$0x3FB0]  }
0x29: {  	s4 =	sld [smem:$0x3FB2]  }
0x2a: {  	p0 =	seq.s32 s5, $0x0;
	s5 =	sld [smem:$0x3FB3]  }
0x2b: {  	s6 =	sld [smem:$0x3FB4]  }
0x2c: {  	s7 =	sld [smem:$0x3FB5]  }
0x2d: {  	s3 =	simm.s32 $0x108;
	s8 =	sld [smem:$0x3FB6]  }
0x2e: {  	s3 =	simm.s32 @!p0 $0x1082;
	s9 =	sld [smem:$0x3FB7]  }
0x2f: {  	lr =	sadd.s32 s0, s3;
	s0 =	sld [smem:$0x3FAE]  }
0x30: {  	s3 =	sld [smem:$0x3FB1]  }
0x31: {  	[smem:$0x3FBA] =	sst s10  }
0x32: {  	s10 =	sld [smem:$0x3FB8];
	_ =	sdelay $0x3  }
0x33: {  	p0 =	seq.s32 s10, $0x1;
	s10 =	sld [smem:$0x3FBA];
	_ =	sdelay $0x3  }
0x34: {  	[smem:$0x3FBA] =	sst s10  }
0x35: {  	s10 =	sld [smem:$0x3FB9];
	_ =	sdelay $0x3  }
0x36: {  	p1 =	seq.s32 s10, $0x1;
	s10 =	sld [smem:$0x3FBA];
	_ =	sdelay $0x3  }
0x37: {  	[smem:$0x3FBA] =	sst s10  }
0x38: {  	s10 =	sld [smem:$0x3FBB]  }
0x39: {  	_ = 	snop;
	(pc) =	sbr.ind lr, $3  }
0x3a: {  	_ = 	snop  }
0x3b: {  	_ = 	snop  }
0x3c: {  	p2 =	seq.s32 s10, $0x1;
	s10 =	sld [smem:$0x3FBA]  }
0x3d: {  	_ =	shalt  }
0x3e: {  	_ =	shalt  }
0x3f: {  	_ =	shalt  }
0x40: {  	_ =	shalt  }
0x41: {  	_ =	shalt  }
0x42: {  	_ =	shalt  }
0x43: {  	_ =	shalt  }
0x44: {  	_ =	shalt  }
0x45: {  	_ =	shalt  }
0x46: {  	_ =	shalt  }
0x47: {  	_ =	shalt  }
0x48: {  	_ =	shalt  }
0x49: {  	_ =	shalt  }
0x4a: {  	_ =	shalt  }
0x4b: {  	_ =	shalt  }
0x4c: {  	_ =	shalt  }
0x4d: {  	_ =	shalt  }
0x4e: {  	_ =	shalt  }
0x4f: {  	_ =	shalt  }
0x50: {  	_ =	shalt  }
0x51: {  	_ =	shalt  }
0x52: {  	_ =	shalt  }
0x53: {  	_ =	shalt  }
0x54: {  	_ =	shalt  }
0x55: {  	_ =	shalt  }
0x56: {  	_ =	shalt  }
0x57: {  	_ =	shalt  }
0x58: {  	_ =	shalt  }
0x59: {  	_ =	shalt  }
0x5a: {  	_ =	shalt  }
0x5b: {  	_ =	shalt  }
0x5c: {  	_ =	shalt  }
0x5d: {  	_ =	shalt  }
0x5e: {  	_ =	shalt  }
0x5f: {  	_ =	shalt  }
0x60: {  	_ =	shalt  }
0x61: {  	_ =	shalt  }
0x62: {  	_ =	shalt  }
0x63: {  	_ =	shalt  }
0x64: {  	_ =	shalt  }
0x65: {  	_ =	shalt  }
0x66: {  	_ =	shalt  }
0x67: {  	_ =	shalt  }
0x68: {  	_ =	shalt  }
0x69: {  	_ =	shalt  }
0x6a: {  	_ =	shalt  }
0x6b: {  	_ =	shalt  }
0x6c: {  	_ =	shalt  }
0x6d: {  	_ =	shalt  }
0x6e: {  	_ =	shalt  }
0x6f: {  	_ =	shalt  }
0x70: {  	_ =	shalt  }
0x71: {  	_ =	shalt  }
0x72: {  	_ =	shalt  }
0x73: {  	_ =	shalt  }
0x74: {  	_ =	shalt  }
0x75: {  	_ =	shalt  }
0x76: {  	_ =	shalt  }
0x77: {  	_ =	shalt  }
0x78: {  	_ =	shalt  }
0x79: {  	_ =	shalt  }
0x7a: {  	_ =	shalt  }
0x7b: {  	_ =	shalt  }
0x7c: {  	_ =	shalt  }
0x7d: {  	_ =	shalt  }
0x7e: {  	_ =	shalt  }
0x7f: {  	_ =	shalt  }
0x80: {  	_ =	shalt  }
0x81: {  	_ =	shalt  }
0x82: {  	_ =	shalt  }
0x83: {  	_ =	shalt  }
0x84: {  	_ =	shalt  }
0x85: {  	_ =	shalt  }
0x86: {  	_ =	shalt  }
0x87: {  	_ =	shalt  }
.Lfunc_end0:
.L_simem_size_0:
called_computation_lowered:
.L_overlay_start_0:
0x88: {  	s0 =	sld [smem:$0x3FD9]  }
0x89: {  	s1 =	sld [smem:$0x3FFE];
	_ =	sdelay $0x3  }
0x8a: {  	s0 =	sadd.s32 s1, s0  }
0x8b: {  	[smem:$0x3FC6] =	sst s0  }
0x8c: {  	_ = 	snop  }
0x8d: {  	(tm) =	ssettm $0x1  }
0x8e: {  	s16 =	sld [smem:$0x3FFB];
	_ =	sdelay $0x3  }
0x8f: {  	_ =	strace s16  }
0x90: {  	s1 =	sld [smem:$0x3FFC];
	_ =	sdelay $0x3  }
0x91: {  	_ =	strace s1  }
0x92: {  	s1 =	sld [smem:$0x3FFD];
	_ =	sdelay $0x3  }
0x93: {  	_ =	strace s1  }
0x94: {  	_ =	strace $0x8FFFFFFF  }
0x95: {  	s17 =	sld [smem:$0x3FDB];
	_ =	sdelay $0x1  }
0x96: {  	s2 =	simm.s32 $_scs_section_size  }
0x97: {  	s3 =	simm.s32 $_size__tile_overlayer_lowered;
	s4 =	simm.s32 $_tile_overlayer_lowered  }
0x98: {  	s20 =	simm.s32 $0x1BFF;
	s19 =	sshll.u32 s4, $0x1;
	s1 =	sadd.s32 s2, s17  }
0x99: {  	s5 =	simm.s32 $0x0;
	s18 =	sshll.u32 s3, $0x1;
	s3 =	sadd.s32 s19, s1  }
0x9a: {  	[timem:s5], [sflag:s20] =	dma.local [hbm:s3], s18  }
0x9b: {  	_ =	swait.ge [sflag:s20], s18  }
0x9c: {  	s2 =	ssub.s32 $0x0, s18;
	[sflag:s20] =	ssyncset.done $0x0  }
0x9d: {  	[sflag:s20] =	ssyncadd.s32 s2;
	_ =	sdelay $0x1  }
0x9e: {  	s21 =	simm.s32 $0x1B8B  }
0x9f: {  	_ =	swait.ge [sflag:s21], $0x1  }
0xa0: {  	[sflag:s21] =	ssyncset.done $0x0  }
0xa1: {  	s23 =	simm.s32 $0x1B8E;
	s22 =	sld [smem:$0x3FFE];
	[sflag:s21] =	ssyncadd.s32 $0xFFFFFFFF  }
0xa2: {  	s24 =	simm.s32 $execute0_lowered;
	[smem:$0x3FD2] =	sst s23  }
0xa3: {  	s3 =	sshll.u32 s24, $0x1;
	_ =	strace $0x80000046;
	[dreg:$0x1] =	wrdreg $0xFFFFFFFF  }
0xa4: {  	s25 =	simm.s32 $_size_execute0_lowered;
	s1 =	sadd.s32 s1, s3;
	[dreg:$0x0] =	wrdreg $0x0  }
0xa5: {  	s3 =	sshll.u32 s25, $0x1;
	[dreg:$0x2] =	wrdreg s1  }
0xa6: {  	[dreg:$0x3] =	wrdreg s3  }
0xa7: {  	[dreg:$0x4] =	wrdreg $0xC0  }
0xa8: {  	_ =	task [dreg:s5], $0x5FFFF  }
0xa9: {  	[dreg:$0x1] =	wrdreg $0xFFFFFFFF  }
0xaa: {  	[dreg:$0x0] =	wrdreg $0x60  }
0xab: {  	s0 =	sadd.s32 $0x400, s0;
	[dreg:$0x2] =	wrdreg s22  }
0xac: {  	[dreg:$0x3] =	wrdreg s0  }
0xad: {  	[dreg:$0x4] =	wrdreg $0x10C000  }
0xae: {  	[dreg:$0x5] =	wrdreg $0x14C000  }
0xaf: {  	[dreg:$0x6] =	wrdreg $0x9  }
0xb0: {  	_ =	task.clear_ibuf [dreg:s5], $0x7FFFF;
	_ =	strace $0x90000046  }
0xb1: {  	s26 =	simm.s32 $0x9;
	_ =	strace $0x80000048  }
0xb2: {  	_ =	swait.ge [sflag:s26], $0x1  }
0xb3: {  	[sflag:s26] =	ssyncadd.s32 $0xFFFFFFFF  }
0xb4: {  	_ =	strace $0x90000048  }
0xb5: {  	_ =	sfence  }
0xb6: {  	s28 =	sld [smem:$0x0];
	_ =	sdelay $0x1  }
0xb7: {  	s29 =	srdreg.scid  }
0xb8: {  	s30 =	sshll.u32 s29, $0xD;
	s31 =	sshrl.u32 s29, $0x2  }
0xb9: {  	s2 =	sand.u32 $0x4000, s30;
	s1 =	sand.u32 $0x1, s29;
	s0 =	sadd.s32 s31, s28  }
0xba: {  	s1 =	sor.u32 s2, s1;
	s0 =	sshll.u32 s0, $0x11  }
0xbb: {  	s0 =	sor.u32 s0, s1  }
0xbc: {  	s0 =	sadd.s32 $0x8F2B, s0  }
0xbd: {  	[sflag:s0] =	ssyncadd.remote.s32 $0x1  }
0xbe: {  	_ =	sfence.sel $0xFFFF  }
0xbf: {  	[dreg:$0x0] =	wrdreg $0xFFFFFFFF;
	(pc) =	sbr.abs _section_cstart, $3  }
0xc0: {  	[dreg:$0x1] =	wrdreg $0xFFFFFFFF  }
0xc1: {  	_ =	task.clear_ibuf [dreg:s5], $0x2FFFF;
	_ =	strace $0x9FFFFFFF  }
0xc2: {  	(tm) =	ssettm $0x7FFFFFFF  }
0xc3: {  	_ =	shalt  }
tec
execute0_lowered:
.L_overlay_start_1:
0x0: {  	(tag) =	ssettag $0x1  }
0x1: {  	s5 =	rddreg [dreg:$0x0]  }
0x2: {  	s8 =	rddreg [dreg:$0x1]  }
0x3: {  	s6 =	rddreg [dreg:$0x2]  }
0x4: {  	s3 =	rddreg [dreg:$0x3];
	s1 =	stileid.u32  }
0x5: {  	s0 =	rddreg [dreg:$0x4];
	s9 =	simm.s32 $0x0;
	s2 =	sshll.u32 s1, $0xB  }
0x6: {  	[smem:$0x7FF] =	sst s9;
	s4 =	sadd.s32 s2, s5  }
0x7: {  	s10 =	simm.s32 $0x2;
	_ =	strace $0x80000047;
	s4 =	sadd.s32 $0x1A00, s4  }
0x8: {  	[tilespmem:s9], [sflag:$0x2] =	stream.linear.gather [hbm4b:s4+s9], $0x4000, $0x38;
	[tilespmem:$0x18C00] =	vst v63  }
0x9: {  	_ =	swait.ge [sflag:s10], $0x4000  }
0xa: {  	s7 =	sadd.s32 $0x9A00, s5;
	s4 =	sadd.s32 $0x11A00, s5;
	[sflag:s10] =	ssyncset.done $0x0  }
0xb: {  	v0 =	vimm.s32 $0x0;
	s5 =	sadd.s32 $0x19A00, s5;
	[sflag:s10] =	ssyncadd.s32 $0xFFFFC000;
	s10 =	simm.s32 $0x0  }
.LBB2_1:
0xc: {  	p0 =	sne.s32 s10, $0xFC0  }
.Ltmp0:
0xd: {  	_ = 	snop;
	(pc) =	sbr.rel @p0 .LBB2_1-.Ltmp0, $3  }
0xe: {  	_ =	sdelay $0x1  }
0xf: {  	s11 =	sshra.s32 s10, $0x2  }
0x10: {  	s10 =	sadd.s32 $0x40, s10;
	[tilespmem:s11+$0x8000] =	vst v0  }
0x11: {  	s10 =	simm.s32 $0x8000  }
.LBB2_3:
0x12: {  	s11 =	sshra.s32 s9, $0x2  }
0x13: {  	v0 =	vld [tilespmem:s11+$0x0];
	_ =	sdelay $0x4  }
0x14: {  	v0 =	vand.u32 $0x3FF, v0  }
0x15: {  	(xrf1) =	vunique.msk.u32 $0xffff, v0;
	_ =	sdelay $0xd  }
0x16: {  	_, v1, vm0 =	vpop (xrf1);
	_ =	sdelay $0x5  }
0x17: {  	[tilespmem:v0+s10+$0x0] =	vst.idx.add.s32.msk vm0, v1  }
0x18: {  	v0 =	vld [tilespmem:s11+$0x10];
	_ =	sdelay $0x4  }
0x19: {  	v0 =	vand.u32 $0x3FF, v0  }
0x1a: {  	(xrf1) =	vunique.msk.u32 $0xffff, v0;
	_ =	sdelay $0xd  }
0x1b: {  	_, v1, vm0 =	vpop (xrf1)  }
0x1c: {  	p0 =	sne.s32 s9, $0xFF80  }
.Ltmp1:
0x1d: {  	_ = 	snop;
	(pc) =	sbr.rel @p0 .LBB2_3-.Ltmp1, $2  }
0x1e: {  	_ =	sdelay $0x2  }
0x1f: {  	s9 =	sadd.s32 $0x80, s9;
	[tilespmem:v0+s10+$0x0] =	vst.idx.add.s32.msk vm0, v1  }
0x20: {  	s9 =	sshll.u32 s1, $0x7;
	s10 =	sshll.u32 s1, $0x4  }
0x21: {  	s9 =	sor.u32 s10, s9  }
0x22: {  	s12 =	simm.s32 $0x80;
	s9 =	sand.u32 $0x470, s9  }
0x23: {  	s11 =	simm.s32 $0x8000;
	s10 =	simm.s32 $0x400;
	s9 =	sadd.s32 s8, s9  }
0x24: {  	[hbm4b:s9+s12] =	stream.strided.scatter [tilespmem:s11], [sflag:$0x2], $0x400, s10, s12, $0x38;
	[tilespmem:$0x18C00] =	vst v63  }
0x25: {  	s12 =	simm.s32 $0x2  }
0x26: {  	_ =	swait.ge [sflag:s12], $0x400  }
0x27: {  	p0 =	seq.s32 s1, $0xF;
	[sflag:s12] =	ssyncset.done $0x0  }
0x28: {  	s15 =	simm.s32 @!p0 $0x0;
	[sflag:s12] =	ssyncadd.s32 $0xFFFFFC00  }
0x29: {  	s15 =	simm.s32 @p0 $0x1;
	p0 =	sgt.u32 s1, $0xD;
	[bflag:$0x0] =	sbarrier.arrive $0xFFFF  }
0x2a: {  	[smem:$0x7F4] =	sst s15;
	s15 =	simm.s32 @!p0 $0x0  }
0x2b: {  	s15 =	simm.s32 @p0 $0x1;
	p0 =	sgt.u32 s1, $0xC  }
0x2c: {  	[smem:$0x7F5] =	sst s15;
	s15 =	simm.s32 @!p0 $0x0  }
0x2d: {  	s15 =	simm.s32 @p0 $0x1;
	p0 =	sgt.u32 s1, $0xB  }
0x2e: {  	[smem:$0x7F6] =	sst s15;
	s15 =	simm.s32 @!p0 $0x0  }
0x2f: {  	s15 =	simm.s32 @p0 $0x1;
	p0 =	sgt.u32 s1, $0xA  }
0x30: {  	[smem:$0x7F7] =	sst s15;
	s15 =	simm.s32 @!p0 $0x0  }
0x31: {  	s15 =	simm.s32 @p0 $0x1;
	p0 =	sgt.u32 s1, $0x9  }
0x32: {  	[smem:$0x7F8] =	sst s15;
	s15 =	simm.s32 @!p0 $0x0  }
0x33: {  	s15 =	simm.s32 @p0 $0x1;
	p0 =	sgt.u32 s1, $0x8  }
0x34: {  	[smem:$0x7F9] =	sst s15;
	s15 =	simm.s32 @!p0 $0x0  }
0x35: {  	s15 =	simm.s32 @p0 $0x1;
	p0 =	sgt.u32 s1, $0x7  }
0x36: {  	s16 =	simm.s32 $0x0;
	s13 =	simm.s32 $0x2000;
	s17 =	simm.s32 @!p0 $0x0  }
0x37: {  	s14 =	simm.s32 $0x8400;
	s17 =	simm.s32 @p0 $0x1;
	p0 =	sgt.u32 s1, $0x6  }
0x38: {  	p6 =	sgt.u32 s1, $0x4;
	[smem:$0x7FB] =	sst s17;
	s17 =	simm.s32 @!p0 $0x0  }
0x39: {  	p2 =	sgt.u32 s1, $0x2;
	s17 =	simm.s32 @p0 $0x1;
	p0 =	sgt.u32 s1, $0x5  }
0x3a: {  	p3 =	sgt.u32 s1, $0x1;
	[smem:$0x7FC] =	sst s17;
	s17 =	simm.s32 @!p0 $0x0  }
0x3b: {  	p4 =	seq.s32 s1, $0x0;
	[smem:$0x7FA] =	sst s15;
	s17 =	simm.s32 @p0 $0x1  }
0x3c: {  	s15 =	simm.s32 $0x0;
	p0 =	sgt.u32 s1, $0x3;
	[smem:$0x7FD] =	sst s17  }
.LBB2_5:
0x3d: {  	s17 =	sshll.u32 s15, $0x7  }
0x3e: {  	s17 =	sadd.s32 s8, s17  }
0x3f: {  	[tilespmem:s14], [sflag:$0x2] =	stream.strided.gather [hbm4b:s17+s10], $0x800, s13, s10, $0x38;
	[tilespmem:$0x18C00] =	vst v63  }
0x40: {  	_ =	swait.ge [sflag:s12], $0x800  }
0x41: {  	[sflag:s12] =	ssyncset.done $0x0  }
0x42: {  	s21 =	simm.s32 $0x0;
	[sflag:s12] =	ssyncadd.s32 $0xFFFFF800  }
0x43: {  	v0 =	vld [tilespmem:s21+$0x8480]  }
0x44: {  	v1 =	vld [tilespmem:s21+$0x8400]  }
0x45: {  	v2 =	vld [tilespmem:s21+$0x8500]  }
0x46: {  	v3 =	vld [tilespmem:s21+$0x8580]  }
0x47: {  	v4 =	vld [tilespmem:s21+$0x8600]  }
0x48: {  	v5 =	vld [tilespmem:s21+$0x8680]  }
0x49: {  	v7 =	vld [tilespmem:s21+$0x8700];
	v6 =	vadd.s32 v1, v0  }
0x4a: {  	v8 =	vld [tilespmem:s21+$0x8780];
	v6 =	vadd.s32 v2, v6  }
0x4b: {  	v9 =	vld [tilespmem:s21+$0x8800];
	v6 =	vadd.s32 v3, v6  }
0x4c: {  	v10 =	vld [tilespmem:s21+$0x8880];
	v6 =	vadd.s32 v4, v6  }
0x4d: {  	v11 =	vld [tilespmem:s21+$0x8900];
	v6 =	vadd.s32 v5, v6  }
0x4e: {  	s18 =	sld [smem:$0x7FD];
	v12 =	vld [tilespmem:s21+$0x8980];
	v1 =	vpsel p4, $0x0, v1;
	v0 =	vpsel !p3, $0x0, v0;
	v6 =	vadd.s32 v7, v6  }
0x4f: {  	s22 =	sld [smem:$0x7FC];
	v13 =	vld [tilespmem:s21+$0x8A00];
	v1 =	vadd.s32 s16, v1;
	v2 =	vpsel !p2, $0x0, v2;
	v6 =	vadd.s32 v8, v6  }
0x50: {  	s23 =	sld [smem:$0x7FB];
	v14 =	vld [tilespmem:s21+$0x8A80];
	v0 =	vadd.s32 v0, v1;
	v1 =	vpsel !p0, $0x0, v3;
	v6 =	vadd.s32 v9, v6  }
0x51: {  	s24 =	sld [smem:$0x7FA];
	v61 =	vld [tilespmem:s21+$0x8B00];
	p1 =	seq.s32 s18, $0x1;
	v0 =	vadd.s32 v2, v0;
	v2 =	vpsel !p6, $0x0, v4;
	v3 =	vadd.s32 v10, v6  }
0x52: {  	s25 =	sld [smem:$0x7F9];
	v62 =	vld [tilespmem:s21+$0x8B80];
	p5 =	seq.s32 s22, $0x1;
	v0 =	vadd.s32 v1, v0;
	v1 =	vpsel !p1, $0x0, v5;
	v3 =	vadd.s32 v11, v3  }
0x53: {  	s26 =	sld [smem:$0x7F8];
	v0 =	vadd.s32 v2, v0;
	v2 =	vpsel !p5, $0x0, v7;
	p5 =	seq.s32 s23, $0x1;
	v3 =	vadd.s32 v12, v3  }
0x54: {  	s28 =	sld [smem:$0x7F7];
	v0 =	vadd.s32 v1, v0;
	v1 =	vpsel !p5, $0x0, v8;
	p5 =	seq.s32 s24, $0x1;
	v3 =	vadd.s32 v13, v3  }
0x55: {  	s29 =	sld [smem:$0x7F6];
	v0 =	vadd.s32 v2, v0;
	v2 =	vpsel !p5, $0x0, v9;
	p5 =	seq.s32 s25, $0x1;
	v3 =	vadd.s32 v14, v3  }
0x56: {  	s30 =	sld [smem:$0x7F5];
	v0 =	vadd.s32 v1, v0;
	v1 =	vpsel !p5, $0x0, v10;
	p5 =	seq.s32 s26, $0x1;
	v3 =	vadd.s32 v61, v3  }
0x57: {  	s31 =	sld [smem:$0x7F4];
	v0 =	vadd.s32 v2, v0;
	v2 =	vpsel !p5, $0x0, v11;
	p5 =	seq.s32 s28, $0x1;
	v3 =	vadd.s32 v62, v3  }
0x58: {  	v0 =	vadd.s32 v1, v0;
	v1 =	vpsel !p5, $0x0, v12;
	p5 =	seq.s32 s29, $0x1;
	(xrf0) =	vadd.scan.msk.s32 $0xffff, v3  }
0x59: {  	v0 =	vadd.s32 v2, v0;
	v2 =	vpsel !p5, $0x0, v13;
	p5 =	seq.s32 s30, $0x1  }
0x5a: {  	v1 =	vadd.s32 v1, v0;
	v63 =	vpsel !p5, $0x0, v14;
	p5 =	seq.s32 s31, $0x1  }
0x5b: {  	v0 =	vmov s11;
	v1 =	vadd.s32 v2, v1;
	v2 =	vpsel !p5, $0x0, v61  }
0x5c: {  	v1 =	vadd.s32 v63, v1  }
0x5d: {  	v1 =	vadd.s32 v2, v1  }
0x5e: {  	v1 =	vsub.s32 v1, v3;
	v2, _, _ =	vpop (xrf0)  }
0x5f: {  	v1 =	vadd.s32 v2, v1  }
0x60: {  	s17 =	simm.s32 $0x10;
	[tilespmem:v0+s21+$0x0 ss:$0x1] =	vst.idx.msk $0xffff, v1  }
0x61: {  	s18 =	simm.s32 $0x80;
	(v2sf) =	vpush v2, $0xF;
	v1 =	vld [tilespmem:s17+$0x8480]  }
.LBB2_6:
0x62: {  	_ =	sdelay $0x4  }
0x63: {  	v2 =	vld [tilespmem:s17+$0x8400]  }
0x64: {  	v3 =	vld [tilespmem:s17+$0x8500]  }
0x65: {  	v4 =	vld [tilespmem:s17+$0x8580]  }
0x66: {  	v5 =	vld [tilespmem:s17+$0x8600]  }
0x67: {  	v6 =	vld [tilespmem:s17+$0x8680]  }
0x68: {  	v8 =	vld [tilespmem:s17+$0x8700];
	v7 =	vpsel !p3, $0x0, v1;
	v1 =	vadd.s32 v2, v1  }
0x69: {  	v9 =	vld [tilespmem:s17+$0x8780];
	v1 =	vadd.s32 v3, v1  }
0x6a: {  	v10 =	vld [tilespmem:s17+$0x8800];
	v1 =	vadd.s32 v4, v1  }
0x6b: {  	v11 =	vld [tilespmem:s17+$0x8880];
	v1 =	vadd.s32 v5, v1  }
0x6c: {  	v12 =	vld [tilespmem:s17+$0x8900];
	v1 =	vadd.s32 v6, v1;
	s23 =	spop (v2sf)  }
0x6d: {  	v13 =	vld [tilespmem:s17+$0x8980];
	v2 =	vpsel p4, $0x0, v2;
	v1 =	vadd.s32 v8, v1;
	s16 =	sadd.s32 s16, s23  }
0x6e: {  	s19 =	sld [smem:$0x7FD];
	v14 =	vld [tilespmem:s17+$0x8A00];
	v1 =	vadd.s32 v9, v1;
	v2 =	vadd.s32 s16, v2  }
0x6f: {  	s22 =	sld [smem:$0x7FC];
	v15 =	vld [tilespmem:s17+$0x8A80];
	v3 =	vpsel !p2, $0x0, v3;
	v1 =	vadd.s32 v10, v1;
	v2 =	vadd.s32 v7, v2  }
0x70: {  	s20 =	sld [smem:$0x7FB];
	v16 =	vld [tilespmem:s17+$0x8B00];
	v4 =	vpsel !p0, $0x0, v4;
	v1 =	vadd.s32 v11, v1;
	v2 =	vadd.s32 v3, v2  }
0x71: {  	s24 =	sld [smem:$0x7FA];
	v60 =	vld [tilespmem:s17+$0x8B80];
	p5 =	seq.s32 s19, $0x1;
	v5 =	vpsel !p6, $0x0, v5;
	v1 =	vadd.s32 v12, v1;
	v2 =	vadd.s32 v4, v2  }
0x72: {  	s25 =	sld [smem:$0x7F9];
	v6 =	vpsel !p5, $0x0, v6;
	p5 =	seq.s32 s22, $0x1;
	v1 =	vadd.s32 v13, v1;
	v2 =	vadd.s32 v5, v2  }
0x73: {  	s26 =	sld [smem:$0x7F8];
	v8 =	vpsel !p5, $0x0, v8;
	p5 =	seq.s32 s20, $0x1;
	v1 =	vadd.s32 v14, v1;
	v2 =	vadd.s32 v6, v2  }
0x74: {  	s28 =	sld [smem:$0x7F7];
	v9 =	vpsel !p5, $0x0, v9;
	p5 =	seq.s32 s24, $0x1;
	v1 =	vadd.s32 v15, v1;
	v2 =	vadd.s32 v8, v2  }
0x75: {  	s29 =	sld [smem:$0x7F6];
	v10 =	vpsel !p5, $0x0, v10;
	p5 =	seq.s32 s25, $0x1;
	v1 =	vadd.s32 v16, v1;
	v2 =	vadd.s32 v9, v2  }
0x76: {  	s30 =	sld [smem:$0x7F5];
	v11 =	vpsel !p5, $0x0, v11;
	p5 =	seq.s32 s26, $0x1;
	v1 =	vadd.s32 v60, v1;
	v2 =	vadd.s32 v10, v2  }
0x77: {  	s31 =	sld [smem:$0x7F4];
	v12 =	vpsel !p5, $0x0, v12;
	p5 =	seq.s32 s28, $0x1;
	(xrf0) =	vadd.scan.msk.s32 $0xffff, v1;
	v2 =	vadd.s32 v11, v2  }
0x78: {  	v3 =	vpsel !p5, $0x0, v13;
	p5 =	seq.s32 s29, $0x1;
	v2 =	vadd.s32 v12, v2  }
0x79: {  	v61 =	vpsel !p5, $0x0, v14;
	p5 =	seq.s32 s30, $0x1;
	v2 =	vadd.s32 v3, v2  }
0x7a: {  	v62 =	vpsel !p5, $0x0, v15;
	p5 =	seq.s32 s31, $0x1;
	v2 =	vadd.s32 v61, v2  }
0x7b: {  	p1 =	sne.s32 s18, $0x1C0;
	v63 =	vpsel !p5, $0x0, v16;
	v2 =	vadd.s32 v62, v2  }
.Ltmp2:
0x7c: {  	v2 =	vadd.s32 v63, v2;
	(pc) =	sbr.rel @p1 .LBB2_6-.Ltmp2, $4  }
0x7d: {  	v3, _, _ =	vpop (xrf0);
	v1 =	vsub.s32 v2, v1  }
0x7e: {  	v1 =	vadd.s32 v3, v1  }
0x7f: {  	[tilespmem:v0+s17+$0x0 ss:$0x1] =	vst.idx.msk $0xffff, v1;
	s17 =	sshra.s32 s18, $0x2  }
0x80: {  	(v2sf) =	vpush v3, $0xF;
	s18 =	sadd.s32 $0x40, s18;
	v1 =	vld [tilespmem:s17+$0x8480]  }
0x81: {  	v2 =	vld [tilespmem:s17+$0x8400]  }
0x82: {  	v3 =	vld [tilespmem:s17+$0x8500]  }
0x83: {  	v4 =	vld [tilespmem:s17+$0x8580]  }
0x84: {  	v5 =	vld [tilespmem:s17+$0x8600]  }
0x85: {  	v6 =	vld [tilespmem:s17+$0x8680]  }
0x86: {  	v8 =	vld [tilespmem:s17+$0x8700];
	v7 =	vadd.s32 v2, v1  }
0x87: {  	v9 =	vld [tilespmem:s17+$0x8780];
	v7 =	vadd.s32 v3, v7  }
0x88: {  	v10 =	vld [tilespmem:s17+$0x8800];
	v7 =	vadd.s32 v4, v7  }
0x89: {  	v11 =	vld [tilespmem:s17+$0x8880];
	v7 =	vadd.s32 v5, v7  }
0x8a: {  	v12 =	vld [tilespmem:s17+$0x8900];
	v7 =	vadd.s32 v6, v7  }
0x8b: {  	v13 =	vld [tilespmem:s17+$0x8980];
	v7 =	vadd.s32 v8, v7  }
0x8c: {  	v14 =	vld [tilespmem:s17+$0x8A00];
	v7 =	vadd.s32 v9, v7  }
0x8d: {  	v15 =	vld [tilespmem:s17+$0x8A80];
	v7 =	vadd.s32 v10, v7  }
0x8e: {  	v16 =	vld [tilespmem:s17+$0x8B00];
	v7 =	vadd.s32 v11, v7  }
0x8f: {  	v17 =	vld [tilespmem:s17+$0x8B80];
	v7 =	vadd.s32 v12, v7  }
0x90: {  	v7 =	vadd.s32 v13, v7  }
0x91: {  	v7 =	vadd.s32 v14, v7  }
0x92: {  	v7 =	vadd.s32 v15, v7  }
0x93: {  	v7 =	vadd.s32 v16, v7  }
0x94: {  	v7 =	vadd.s32 v17, v7  }
0x95: {  	(xrf0) =	vadd.scan.msk.s32 $0xffff, v7;
	_ =	sdelay $0x3  }
0x96: {  	s18 =	spop (v2sf)  }
0x97: {  	v2 =	vpsel p4, $0x0, v2;
	s16 =	sadd.s32 s16, s18  }
0x98: {  	s20 =	sld [smem:$0x7FD];
	v49 =	vpsel !p3, $0x0, v1;
	v2 =	vadd.s32 s16, v2;
	v50, _, _ =	vpop (xrf0)  }
0x99: {  	s21 =	sld [smem:$0x7FC];
	v51 =	vpsel !p2, $0x0, v3;
	v1 =	vadd.s32 v49, v2;
	(v2sf) =	vpush v50, $0xF  }
0x9a: {  	s22 =	sld [smem:$0x7FB];
	v52 =	vpsel !p0, $0x0, v4;
	v1 =	vadd.s32 v51, v1  }
0x9b: {  	s23 =	sld [smem:$0x7FA];
	p1 =	seq.s32 s20, $0x1;
	v53 =	vpsel !p6, $0x0, v5;
	v1 =	vadd.s32 v52, v1  }
0x9c: {  	s24 =	sld [smem:$0x7F9];
	p5 =	seq.s32 s21, $0x1;
	v54 =	vpsel !p1, $0x0, v6;
	v1 =	vadd.s32 v53, v1  }
0x9d: {  	s25 =	sld [smem:$0x7F8];
	v55 =	vpsel !p5, $0x0, v8;
	p5 =	seq.s32 s22, $0x1;
	v1 =	vadd.s32 v54, v1  }
0x9e: {  	s26 =	sld [smem:$0x7F7];
	v56 =	vpsel !p5, $0x0, v9;
	p5 =	seq.s32 s23, $0x1;
	v1 =	vadd.s32 v55, v1  }
0x9f: {  	s28 =	sld [smem:$0x7F6];
	v57 =	vpsel !p5, $0x0, v10;
	p5 =	seq.s32 s24, $0x1;
	v1 =	vadd.s32 v56, v1  }
0xa0: {  	s29 =	sld [smem:$0x7F5];
	v58 =	vpsel !p5, $0x0, v11;
	p5 =	seq.s32 s25, $0x1;
	v1 =	vadd.s32 v57, v1  }
0xa1: {  	s30 =	sld [smem:$0x7F4];
	v59 =	vpsel !p5, $0x0, v12;
	p5 =	seq.s32 s26, $0x1;
	v1 =	vadd.s32 v58, v1  }
0xa2: {  	v60 =	vpsel !p5, $0x0, v13;
	p5 =	seq.s32 s28, $0x1;
	v1 =	vadd.s32 v59, v1  }
0xa3: {  	s15 =	sadd.s32 $0x1, s15;
	v61 =	vpsel !p5, $0x0, v14;
	p5 =	seq.s32 s29, $0x1;
	v1 =	vadd.s32 v60, v1  }
0xa4: {  	p1 =	sne.s32 s15, $0x8;
	v62 =	vpsel !p5, $0x0, v15;
	p5 =	seq.s32 s30, $0x1;
	v1 =	vadd.s32 v61, v1  }
.Ltmp3:
0xa5: {  	v63 =	vpsel !p5, $0x0, v16;
	v1 =	vadd.s32 v62, v1;
	(pc) =	sbr.rel @p1 .LBB2_5-.Ltmp3, $4  }
0xa6: {  	v1 =	vadd.s32 v63, v1  }
0xa7: {  	v1 =	vsub.s32 v1, v7  }
0xa8: {  	v1 =	vadd.s32 v50, v1;
	s31 =	spop (v2sf)  }
0xa9: {  	s11 =	sadd.s32 $0x80, s11;
	[tilespmem:v0+s17+$0x0 ss:$0x1] =	vst.idx.msk $0xffff, v1;
	s16 =	sadd.s32 s16, s31  }
0xaa: {  	s10 =	simm.s32 @!p4 $0x0  }
0xab: {  	s10 =	simm.s32 @p4 $0x1  }
0xac: {  	[smem:$0x7EF] =	sst s10;
	s10 =	simm.s32 @!p3 $0x0  }
0xad: {  	s10 =	simm.s32 @p3 $0x1  }
0xae: {  	[smem:$0x7F0] =	sst s10;
	s10 =	simm.s32 @!p2 $0x0  }
0xaf: {  	s10 =	simm.s32 @p2 $0x1  }
0xb0: {  	[smem:$0x7F1] =	sst s10;
	s10 =	simm.s32 @!p0 $0x0  }
0xb1: {  	s10 =	simm.s32 @p0 $0x1  }
0xb2: {  	[smem:$0x7F2] =	sst s10;
	s10 =	simm.s32 @!p6 $0x0  }
0xb3: {  	s11 =	sshll.u32 s1, $0xE;
	s12 =	simm.s32 $0x0;
	s10 =	simm.s32 @p6 $0x1  }
0xb4: {  	v0 =	vlaneseq.u32;
	s13 =	simm.s32 $0x8000;
	[smem:$0x7F3] =	sst s10;
	s10 =	sor.u32 $0x10, s11  }
.LBB2_9:
0xb5: {  	s14 =	sshra.s32 s12, $0x2  }
0xb6: {  	v1 =	vld [tilespmem:s14+$0x0];
	_ =	sdelay $0x4  }
0xb7: {  	v1 =	vand.u32 $0x3FF, v1  }
0xb8: {  	(xrf1) =	vunique.msk.u32 $0xffff, v1;
	_ =	sdelay $0xd  }
0xb9: {  	_, v2, vm0 =	vpop (xrf1);
	_ =	sdelay $0x4  }
0xba: {  	v3 =	vld.idx.msk [tilespmem:v1+s13+$0x0], $0xffff  }
0xbb: {  	[tilespmem:v1+s13+$0x0] =	vst.idx.add.s32.msk vm0, v2  }
0xbc: {  	v1 =	vld [tilespmem:s14+$0x10];
	_ =	sdelay $0x4  }
0xbd: {  	v1 =	vand.u32 $0x3FF, v1  }
0xbe: {  	(xrf1) =	vunique.msk.u32 $0xffff, v1;
	_ =	sdelay $0x8  }
0xbf: {  	v2 =	vadd.s32 v2, v3  }
0xc0: {  	s15 =	sadd.s32 $0xFFFFFFF0, s10;
	v2 =	vadd.s32 $0xFFFFFFFF, v2  }
0xc1: {  	v3 =	vor.u32 s15, v0  }
0xc2: {  	[tilespmem:s14+$0x4000] =	vst v3  }
0xc3: {  	[tilespmem:s14+$0x8C00] =	vst v2  }
0xc4: {  	v3 =	vld.idx.msk [tilespmem:v1+s13+$0x0], $0xffff;
	_, v2, vm15 =	vpop (xrf1);
	_ =	sdelay $0x2  }
0xc5: {  	p1 =	sne.s32 s12, $0xFF80  }
.Ltmp4:
0xc6: {  	_ = 	snop;
	(pc) =	sbr.rel @p1 .LBB2_9-.Ltmp4, $4  }
0xc7: {  	v3 =	vadd.s32 v2, v3  }
0xc8: {  	v3 =	vadd.s32 $0xFFFFFFFF, v3;
	[tilespmem:v1+s13+$0x0] =	vst.idx.add.s32.msk vm15, v2  }
0xc9: {  	v1 =	vor.u32 s10, v0;
	[tilespmem:s14+$0x8C10] =	vst v3  }
0xca: {  	s12 =	sadd.s32 $0x80, s12;
	s10 =	sadd.s32 $0x20, s10;
	[tilespmem:s14+$0x4010] =	vst v1  }
0xcb: {  	s10 =	simm.s32 $0x8C00;
	s13 =	simm.s32 $0x4000  }
0xcc: {  	[spmem:s6] =	stream.indirect.scatter [tilespmem:s13], [sflag:$0x1], $0x1, s10, s13, $0xb8;
	[tilespmem:$0x18C00] =	vst v63  }
0xcd: {  	s12 =	simm.s32 $0x0;
	s30 =	simm.s32 $0x1  }
0xce: {  	[spmem:s3] =	stream.indirect.scatter [tilespmem:s12], [sflag:$0x1], $0x1, s10, s13, $0xb8;
	[tilespmem:$0x18C00] =	vst v63  }
0xcf: {  	_ =	swait.ge [sflag:s30], $0x4000  }
0xd0: {  	[sflag:s30] =	ssyncset.done $0x0  }
0xd1: {  	[sflag:s30] =	ssyncadd.s32 $0xFFFFC000  }
0xd2: {  	_ =	swait.ge [sflag:s30], $0x4000  }
0xd3: {  	[sflag:s30] =	ssyncset.done $0x0  }
0xd4: {  	[sflag:s30] =	ssyncadd.s32 $0xFFFFC000  }
0xd5: {  	s31 =	simm.s32 $0x2;
	s10 =	sadd.s32 s11, s6;
	[bflag:$0x0] =	sbarrier.arrive $0xFFFF  }
0xd6: {  	[tilespmem:s13], [sflag:$0x2] =	stream.linear.gather [spmem:s10], $0x4000, $0x38;
	[tilespmem:$0x18C00] =	vst v63  }
0xd7: {  	_ =	swait.ge [sflag:s31], $0x4000  }
0xd8: {  	[sflag:s31] =	ssyncset.done $0x0  }
0xd9: {  	s11 =	sadd.s32 s11, s3;
	[sflag:s31] =	ssyncadd.s32 $0xFFFFC000  }
0xda: {  	[tilespmem:s12], [sflag:$0x2] =	stream.linear.gather [spmem:s11], $0x4000, $0x38;
	[tilespmem:$0x18C00] =	vst v63  }
0xdb: {  	_ =	swait.ge [sflag:s31], $0x4000  }
0xdc: {  	[sflag:s31] =	ssyncset.done $0x0  }
0xdd: {  	v0 =	vimm.s32 $0x0;
	s13 =	simm.s32 $0x0;
	[sflag:s31] =	ssyncadd.s32 $0xFFFFC000  }
.LBB2_11:
0xde: {  	p1 =	sne.s32 s13, $0xFC0  }
.Ltmp5:
0xdf: {  	_ = 	snop;
	(pc) =	sbr.rel @p1 .LBB2_11-.Ltmp5, $3  }
0xe0: {  	_ =	sdelay $0x1  }
0xe1: {  	s14 =	sshra.s32 s13, $0x2  }
0xe2: {  	s13 =	sadd.s32 $0x40, s13;
	[tilespmem:s14+$0x8000] =	vst v0  }
0xe3: {  	s13 =	simm.s32 $0x8000  }
.LBB2_13:
0xe4: {  	s14 =	sshra.s32 s12, $0x2  }
0xe5: {  	v0 =	vld [tilespmem:s14+$0x0];
	_ =	sdelay $0x4  }
0xe6: {  	v0 =	vshrl.u32 v0, $0xA  }
0xe7: {  	v0 =	vand.u32 $0x3FF, v0  }
0xe8: {  	(xrf1) =	vunique.msk.u32 $0xffff, v0;
	_ =	sdelay $0xd  }
0xe9: {  	_, v1, vm0 =	vpop (xrf1);
	_ =	sdelay $0x5  }
0xea: {  	[tilespmem:v0+s13+$0x0] =	vst.idx.add.s32.msk vm0, v1  }
0xeb: {  	v0 =	vld [tilespmem:s14+$0x10];
	_ =	sdelay $0x4  }
0xec: {  	v0 =	vshrl.u32 v0, $0xA  }
0xed: {  	v0 =	vand.u32 $0x3FF, v0  }
0xee: {  	(xrf1) =	vunique.msk.u32 $0xffff, v0;
	_ =	sdelay $0xd  }
0xef: {  	_, v1, vm0 =	vpop (xrf1)  }
0xf0: {  	p1 =	sne.s32 s12, $0xFF80  }
.Ltmp6:
0xf1: {  	_ = 	snop;
	(pc) =	sbr.rel @p1 .LBB2_13-.Ltmp6, $2  }
0xf2: {  	_ =	sdelay $0x2  }
0xf3: {  	s12 =	sadd.s32 $0x80, s12;
	[tilespmem:v0+s13+$0x0] =	vst.idx.add.s32.msk vm0, v1  }
0xf4: {  	s14 =	simm.s32 $0x80;
	s12 =	simm.s32 $0x400;
	s13 =	simm.s32 $0x8000  }
0xf5: {  	[hbm4b:s9+s14] =	stream.strided.scatter [tilespmem:s13], [sflag:$0x2], $0x400, s12, s14, $0x38;
	[tilespmem:$0x18C00] =	vst v63  }
0xf6: {  	s14 =	simm.s32 $0x2  }
0xf7: {  	_ =	swait.ge [sflag:s14], $0x400  }
0xf8: {  	[sflag:s14] =	ssyncset.done $0x0  }
0xf9: {  	[sflag:s14] =	ssyncadd.s32 $0xFFFFFC00  }
0xfa: {  	[bflag:$0x0] =	sbarrier.arrive $0xFFFF  }
0xfb: {  	s19 =	sld [smem:$0x7F3]  }
0xfc: {  	s28 =	sld [smem:$0x7F2]  }
0xfd: {  	s29 =	sld [smem:$0x7F1]  }
0xfe: {  	s30 =	sld [smem:$0x7F0]  }
0xff: {  	s31 =	sld [smem:$0x7EF]  }
0x100: {  	s18 =	simm.s32 $0x0;
	s15 =	simm.s32 $0x2000;
	s16 =	simm.s32 $0x8400  }
0x101: {  	s17 =	simm.s32 $0x0;
	p6 =	seq.s32 s19, $0x1;
	p0 =	seq.s32 s28, $0x1  }
0x102: {  	p2 =	seq.s32 s29, $0x1;
	p3 =	seq.s32 s30, $0x1;
	p4 =	seq.s32 s31, $0x1  }
.LBB2_15:
0x103: {  	s19 =	sshll.u32 s17, $0x7  }
0x104: {  	s19 =	sadd.s32 s8, s19  }
0x105: {  	[tilespmem:s16], [sflag:$0x2] =	stream.strided.gather [hbm4b:s19+s12], $0x800, s15, s12, $0x38;
	[tilespmem:$0x18C00] =	vst v63  }
0x106: {  	_ =	swait.ge [sflag:s14], $0x800  }
0x107: {  	[sflag:s14] =	ssyncset.done $0x0  }
0x108: {  	s21 =	simm.s32 $0x0;
	[sflag:s14] =	ssyncadd.s32 $0xFFFFF800  }
0x109: {  	v0 =	vld [tilespmem:s21+$0x8480]  }
0x10a: {  	v1 =	vld [tilespmem:s21+$0x8400]  }
0x10b: {  	v2 =	vld [tilespmem:s21+$0x8500]  }
0x10c: {  	v3 =	vld [tilespmem:s21+$0x8580]  }
0x10d: {  	v4 =	vld [tilespmem:s21+$0x8600]  }
0x10e: {  	v5 =	vld [tilespmem:s21+$0x8680]  }
0x10f: {  	v7 =	vld [tilespmem:s21+$0x8700];
	v6 =	vadd.s32 v1, v0  }
0x110: {  	v8 =	vld [tilespmem:s21+$0x8780];
	v6 =	vadd.s32 v2, v6  }
0x111: {  	v9 =	vld [tilespmem:s21+$0x8800];
	v6 =	vadd.s32 v3, v6  }
0x112: {  	v10 =	vld [tilespmem:s21+$0x8880];
	v6 =	vadd.s32 v4, v6  }
0x113: {  	v11 =	vld [tilespmem:s21+$0x8900];
	v6 =	vadd.s32 v5, v6  }
0x114: {  	s20 =	sld [smem:$0x7FD];
	v12 =	vld [tilespmem:s21+$0x8980];
	v1 =	vpsel p4, $0x0, v1;
	v0 =	vpsel !p3, $0x0, v0;
	v6 =	vadd.s32 v7, v6  }
0x115: {  	s22 =	sld [smem:$0x7FC];
	v13 =	vld [tilespmem:s21+$0x8A00];
	v1 =	vadd.s32 s18, v1;
	v2 =	vpsel !p2, $0x0, v2;
	v6 =	vadd.s32 v8, v6  }
0x116: {  	s23 =	sld [smem:$0x7FB];
	v14 =	vld [tilespmem:s21+$0x8A80];
	v0 =	vadd.s32 v0, v1;
	v1 =	vpsel !p0, $0x0, v3;
	v6 =	vadd.s32 v9, v6  }
0x117: {  	s24 =	sld [smem:$0x7FA];
	v61 =	vld [tilespmem:s21+$0x8B00];
	p1 =	seq.s32 s20, $0x1;
	v0 =	vadd.s32 v2, v0;
	v2 =	vpsel !p6, $0x0, v4;
	v3 =	vadd.s32 v10, v6  }
0x118: {  	s25 =	sld [smem:$0x7F9];
	v62 =	vld [tilespmem:s21+$0x8B80];
	p5 =	seq.s32 s22, $0x1;
	v0 =	vadd.s32 v1, v0;
	v1 =	vpsel !p1, $0x0, v5;
	v3 =	vadd.s32 v11, v3  }
0x119: {  	s26 =	sld [smem:$0x7F8];
	v0 =	vadd.s32 v2, v0;
	v2 =	vpsel !p5, $0x0, v7;
	p5 =	seq.s32 s23, $0x1;
	v3 =	vadd.s32 v12, v3  }
0x11a: {  	s28 =	sld [smem:$0x7F7];
	v0 =	vadd.s32 v1, v0;
	v1 =	vpsel !p5, $0x0, v8;
	p5 =	seq.s32 s24, $0x1;
	v3 =	vadd.s32 v13, v3  }
0x11b: {  	s29 =	sld [smem:$0x7F6];
	v0 =	vadd.s32 v2, v0;
	v2 =	vpsel !p5, $0x0, v9;
	p5 =	seq.s32 s25, $0x1;
	v3 =	vadd.s32 v14, v3  }
0x11c: {  	s30 =	sld [smem:$0x7F5];
	v0 =	vadd.s32 v1, v0;
	v1 =	vpsel !p5, $0x0, v10;
	p5 =	seq.s32 s26, $0x1;
	v3 =	vadd.s32 v61, v3  }
0x11d: {  	s31 =	sld [smem:$0x7F4];
	v0 =	vadd.s32 v2, v0;
	v2 =	vpsel !p5, $0x0, v11;
	p5 =	seq.s32 s28, $0x1;
	v3 =	vadd.s32 v62, v3  }
0x11e: {  	v0 =	vadd.s32 v1, v0;
	v1 =	vpsel !p5, $0x0, v12;
	p5 =	seq.s32 s29, $0x1;
	(xrf0) =	vadd.scan.msk.s32 $0xffff, v3  }
0x11f: {  	v0 =	vadd.s32 v2, v0;
	v2 =	vpsel !p5, $0x0, v13;
	p5 =	seq.s32 s30, $0x1  }
0x120: {  	v1 =	vadd.s32 v1, v0;
	v63 =	vpsel !p5, $0x0, v14;
	p5 =	seq.s32 s31, $0x1  }
0x121: {  	v0 =	vmov s13;
	v1 =	vadd.s32 v2, v1;
	v2 =	vpsel !p5, $0x0, v61  }
0x122: {  	v1 =	vadd.s32 v63, v1  }
0x123: {  	v1 =	vadd.s32 v2, v1  }
0x124: {  	v1 =	vsub.s32 v1, v3;
	v2, _, _ =	vpop (xrf0)  }
0x125: {  	v1 =	vadd.s32 v2, v1  }
0x126: {  	s19 =	simm.s32 $0x10;
	[tilespmem:v0+s21+$0x0 ss:$0x1] =	vst.idx.msk $0xffff, v1  }
0x127: {  	s20 =	simm.s32 $0x80;
	(v2sf) =	vpush v2, $0xF;
	v1 =	vld [tilespmem:s19+$0x8480]  }
.LBB2_16:
0x128: {  	_ =	sdelay $0x4  }
0x129: {  	v2 =	vld [tilespmem:s19+$0x8400]  }
0x12a: {  	v3 =	vld [tilespmem:s19+$0x8500]  }
0x12b: {  	v4 =	vld [tilespmem:s19+$0x8580]  }
0x12c: {  	v5 =	vld [tilespmem:s19+$0x8600]  }
0x12d: {  	v6 =	vld [tilespmem:s19+$0x8680]  }
0x12e: {  	v8 =	vld [tilespmem:s19+$0x8700];
	v7 =	vpsel !p3, $0x0, v1;
	v1 =	vadd.s32 v2, v1  }
0x12f: {  	v9 =	vld [tilespmem:s19+$0x8780];
	v1 =	vadd.s32 v3, v1  }
0x130: {  	v10 =	vld [tilespmem:s19+$0x8800];
	v1 =	vadd.s32 v4, v1  }
0x131: {  	v11 =	vld [tilespmem:s19+$0x8880];
	v1 =	vadd.s32 v5, v1  }
0x132: {  	v12 =	vld [tilespmem:s19+$0x8900];
	s21 =	sld [smem:$0x7FD];
	v1 =	vadd.s32 v6, v1;
	s23 =	spop (v2sf)  }
0x133: {  	v13 =	vld [tilespmem:s19+$0x8980];
	s22 =	sld [smem:$0x7FC];
	v2 =	vpsel p4, $0x0, v2;
	v1 =	vadd.s32 v8, v1;
	s18 =	sadd.s32 s18, s23  }
0x134: {  	v14 =	vld [tilespmem:s19+$0x8A00];
	v3 =	vpsel !p2, $0x0, v3;
	v1 =	vadd.s32 v9, v1;
	v2 =	vadd.s32 s18, v2  }
0x135: {  	v15 =	vld [tilespmem:s19+$0x8A80];
	p5 =	seq.s32 s21, $0x1;
	v4 =	vpsel !p0, $0x0, v4;
	v1 =	vadd.s32 v10, v1;
	v2 =	vadd.s32 v7, v2  }
0x136: {  	v16 =	vld [tilespmem:s19+$0x8B00];
	v6 =	vpsel !p5, $0x0, v6;
	p5 =	seq.s32 s22, $0x1;
	s22 =	sld [smem:$0x7FB];
	v1 =	vadd.s32 v11, v1;
	v2 =	vadd.s32 v3, v2  }
0x137: {  	s24 =	sld [smem:$0x7FA];
	v60 =	vld [tilespmem:s19+$0x8B80];
	v5 =	vpsel !p6, $0x0, v5;
	v1 =	vadd.s32 v12, v1;
	v2 =	vadd.s32 v4, v2  }
0x138: {  	s25 =	sld [smem:$0x7F9];
	v1 =	vadd.s32 v13, v1;
	v2 =	vadd.s32 v5, v2  }
0x139: {  	s26 =	sld [smem:$0x7F8];
	v8 =	vpsel !p5, $0x0, v8;
	p5 =	seq.s32 s22, $0x1;
	v1 =	vadd.s32 v14, v1;
	v2 =	vadd.s32 v6, v2  }
0x13a: {  	s28 =	sld [smem:$0x7F7];
	v9 =	vpsel !p5, $0x0, v9;
	p5 =	seq.s32 s24, $0x1;
	v1 =	vadd.s32 v15, v1;
	v2 =	vadd.s32 v8, v2  }
0x13b: {  	s29 =	sld [smem:$0x7F6];
	v10 =	vpsel !p5, $0x0, v10;
	p5 =	seq.s32 s25, $0x1;
	v1 =	vadd.s32 v16, v1;
	v2 =	vadd.s32 v9, v2  }
0x13c: {  	s30 =	sld [smem:$0x7F5];
	v11 =	vpsel !p5, $0x0, v11;
	p5 =	seq.s32 s26, $0x1;
	v1 =	vadd.s32 v60, v1;
	v2 =	vadd.s32 v10, v2  }
0x13d: {  	s31 =	sld [smem:$0x7F4];
	v12 =	vpsel !p5, $0x0, v12;
	p5 =	seq.s32 s28, $0x1;
	(xrf0) =	vadd.scan.msk.s32 $0xffff, v1;
	v2 =	vadd.s32 v11, v2  }
0x13e: {  	v3 =	vpsel !p5, $0x0, v13;
	p5 =	seq.s32 s29, $0x1;
	v2 =	vadd.s32 v12, v2  }
0x13f: {  	v61 =	vpsel !p5, $0x0, v14;
	p5 =	seq.s32 s30, $0x1;
	v2 =	vadd.s32 v3, v2  }
0x140: {  	v62 =	vpsel !p5, $0x0, v15;
	p5 =	seq.s32 s31, $0x1;
	v2 =	vadd.s32 v61, v2  }
0x141: {  	p1 =	sne.s32 s20, $0x1C0;
	v63 =	vpsel !p5, $0x0, v16;
	v2 =	vadd.s32 v62, v2  }
.Ltmp7:
0x142: {  	v2 =	vadd.s32 v63, v2;
	(pc) =	sbr.rel @p1 .LBB2_16-.Ltmp7, $4  }
0x143: {  	v3, _, _ =	vpop (xrf0);
	v1 =	vsub.s32 v2, v1  }
0x144: {  	v1 =	vadd.s32 v3, v1  }
0x145: {  	[tilespmem:v0+s19+$0x0 ss:$0x1] =	vst.idx.msk $0xffff, v1;
	s19 =	sshra.s32 s20, $0x2  }
0x146: {  	(v2sf) =	vpush v3, $0xF;
	s20 =	sadd.s32 $0x40, s20;
	v1 =	vld [tilespmem:s19+$0x8480]  }
0x147: {  	v2 =	vld [tilespmem:s19+$0x8400]  }
0x148: {  	v3 =	vld [tilespmem:s19+$0x8500]  }
0x149: {  	v4 =	vld [tilespmem:s19+$0x8580]  }
0x14a: {  	v5 =	vld [tilespmem:s19+$0x8600]  }
0x14b: {  	v6 =	vld [tilespmem:s19+$0x8680]  }
0x14c: {  	v8 =	vld [tilespmem:s19+$0x8700];
	v7 =	vadd.s32 v2, v1  }
0x14d: {  	v9 =	vld [tilespmem:s19+$0x8780];
	v7 =	vadd.s32 v3, v7  }
0x14e: {  	v10 =	vld [tilespmem:s19+$0x8800];
	v7 =	vadd.s32 v4, v7  }
0x14f: {  	v11 =	vld [tilespmem:s19+$0x8880];
	v7 =	vadd.s32 v5, v7  }
0x150: {  	v12 =	vld [tilespmem:s19+$0x8900];
	v7 =	vadd.s32 v6, v7  }
0x151: {  	v13 =	vld [tilespmem:s19+$0x8980];
	v7 =	vadd.s32 v8, v7  }
0x152: {  	v14 =	vld [tilespmem:s19+$0x8A00];
	v7 =	vadd.s32 v9, v7  }
0x153: {  	v15 =	vld [tilespmem:s19+$0x8A80];
	v7 =	vadd.s32 v10, v7  }
0x154: {  	v16 =	vld [tilespmem:s19+$0x8B00];
	v7 =	vadd.s32 v11, v7  }
0x155: {  	v17 =	vld [tilespmem:s19+$0x8B80];
	v7 =	vadd.s32 v12, v7  }
0x156: {  	v7 =	vadd.s32 v13, v7  }
0x157: {  	v7 =	vadd.s32 v14, v7  }
0x158: {  	v7 =	vadd.s32 v15, v7  }
0x159: {  	v7 =	vadd.s32 v16, v7  }
0x15a: {  	v7 =	vadd.s32 v17, v7  }
0x15b: {  	(xrf0) =	vadd.scan.msk.s32 $0xffff, v7;
	_ =	sdelay $0x3  }
0x15c: {  	s20 =	spop (v2sf)  }
0x15d: {  	v2 =	vpsel p4, $0x0, v2;
	s18 =	sadd.s32 s18, s20  }
0x15e: {  	s31 =	sld [smem:$0x7FD];
	v49 =	vpsel !p3, $0x0, v1;
	v2 =	vadd.s32 s18, v2;
	v50, _, _ =	vpop (xrf0)  }
0x15f: {  	s21 =	sld [smem:$0x7FC];
	v51 =	vpsel !p2, $0x0, v3;
	v1 =	vadd.s32 v49, v2;
	(v2sf) =	vpush v50, $0xF  }
0x160: {  	s22 =	sld [smem:$0x7FB];
	v52 =	vpsel !p0, $0x0, v4;
	v1 =	vadd.s32 v51, v1  }
0x161: {  	s23 =	sld [smem:$0x7FA];
	p1 =	seq.s32 s31, $0x1;
	v53 =	vpsel !p6, $0x0, v5;
	v1 =	vadd.s32 v52, v1  }
0x162: {  	s24 =	sld [smem:$0x7F9];
	p5 =	seq.s32 s21, $0x1;
	v54 =	vpsel !p1, $0x0, v6;
	v1 =	vadd.s32 v53, v1  }
0x163: {  	s25 =	sld [smem:$0x7F8];
	v55 =	vpsel !p5, $0x0, v8;
	p5 =	seq.s32 s22, $0x1;
	v1 =	vadd.s32 v54, v1  }
0x164: {  	s26 =	sld [smem:$0x7F7];
	v56 =	vpsel !p5, $0x0, v9;
	p5 =	seq.s32 s23, $0x1;
	v1 =	vadd.s32 v55, v1  }
0x165: {  	s28 =	sld [smem:$0x7F6];
	v57 =	vpsel !p5, $0x0, v10;
	p5 =	seq.s32 s24, $0x1;
	v1 =	vadd.s32 v56, v1  }
0x166: {  	s29 =	sld [smem:$0x7F5];
	v58 =	vpsel !p5, $0x0, v11;
	p5 =	seq.s32 s25, $0x1;
	v1 =	vadd.s32 v57, v1  }
0x167: {  	s30 =	sld [smem:$0x7F4];
	v59 =	vpsel !p5, $0x0, v12;
	p5 =	seq.s32 s26, $0x1;
	v1 =	vadd.s32 v58, v1  }
0x168: {  	v60 =	vpsel !p5, $0x0, v13;
	p5 =	seq.s32 s28, $0x1;
	v1 =	vadd.s32 v59, v1  }
0x169: {  	s17 =	sadd.s32 $0x1, s17;
	v61 =	vpsel !p5, $0x0, v14;
	p5 =	seq.s32 s29, $0x1;
	v1 =	vadd.s32 v60, v1  }
0x16a: {  	p1 =	sne.s32 s17, $0x8;
	v62 =	vpsel !p5, $0x0, v15;
	p5 =	seq.s32 s30, $0x1;
	v1 =	vadd.s32 v61, v1  }
.Ltmp8:
0x16b: {  	v63 =	vpsel !p5, $0x0, v16;
	v1 =	vadd.s32 v62, v1;
	(pc) =	sbr.rel @p1 .LBB2_15-.Ltmp8, $4  }
0x16c: {  	v1 =	vadd.s32 v63, v1  }
0x16d: {  	v1 =	vsub.s32 v1, v7  }
0x16e: {  	v1 =	vadd.s32 v50, v1;
	s31 =	spop (v2sf)  }
0x16f: {  	s13 =	sadd.s32 $0x80, s13;
	[tilespmem:v0+s19+$0x0 ss:$0x1] =	vst.idx.msk $0xffff, v1;
	s18 =	sadd.s32 s18, s31  }
0x170: {  	s12 =	simm.s32 $0x0;
	s13 =	simm.s32 $0x8000  }
.LBB2_19:
0x171: {  	s14 =	sshra.s32 s12, $0x2  }
0x172: {  	v0 =	vld [tilespmem:s14+$0x0];
	_ =	sdelay $0x4  }
0x173: {  	v0 =	vshrl.u32 v0, $0xA  }
0x174: {  	v0 =	vand.u32 $0x3FF, v0  }
0x175: {  	(xrf1) =	vunique.msk.u32 $0xffff, v0;
	_ =	sdelay $0xd  }
0x176: {  	_, v1, vm0 =	vpop (xrf1);
	_ =	sdelay $0x4  }
0x177: {  	v2 =	vld.idx.msk [tilespmem:v0+s13+$0x0], $0xffff  }
0x178: {  	[tilespmem:v0+s13+$0x0] =	vst.idx.add.s32.msk vm0, v1  }
0x179: {  	v0 =	vld [tilespmem:s14+$0x10];
	_ =	sdelay $0x4  }
0x17a: {  	v0 =	vshrl.u32 v0, $0xA  }
0x17b: {  	v0 =	vand.u32 $0x3FF, v0  }
0x17c: {  	(xrf1) =	vunique.msk.u32 $0xffff, v0;
	_ =	sdelay $0xa  }
0x17d: {  	v1 =	vadd.s32 v1, v2  }
0x17e: {  	v1 =	vadd.s32 $0xFFFFFFFF, v1  }
0x17f: {  	[tilespmem:s14+$0x8C00] =	vst v1  }
0x180: {  	v63 =	vld.idx.msk [tilespmem:v0+s13+$0x0], $0xffff;
	_, v62, vm15 =	vpop (xrf1);
	_ =	sdelay $0x1  }
0x181: {  	p1 =	sne.s32 s12, $0xFF80  }
.Ltmp9:
0x182: {  	_ = 	snop;
	(pc) =	sbr.rel @p1 .LBB2_19-.Ltmp9, $4  }
0x183: {  	_ = 	snop  }
0x184: {  	v2 =	vadd.s32 v62, v63  }
0x185: {  	v2 =	vadd.s32 $0xFFFFFFFF, v2;
	[tilespmem:v0+s13+$0x0] =	vst.idx.add.s32.msk vm15, v62  }
0x186: {  	s12 =	sadd.s32 $0x80, s12;
	[tilespmem:s14+$0x8C10] =	vst v2  }
0x187: {  	s13 =	simm.s32 $0x8C00;
	s14 =	simm.s32 $0x4000  }
0x188: {  	[spmem:s6] =	stream.indirect.scatter [tilespmem:s14], [sflag:$0x1], $0x1, s13, s14, $0xb8;
	[tilespmem:$0x18C00] =	vst v63  }
0x189: {  	s12 =	simm.s32 $0x0;
	s30 =	simm.s32 $0x1  }
0x18a: {  	[spmem:s3] =	stream.indirect.scatter [tilespmem:s12], [sflag:$0x1], $0x1, s13, s14, $0xb8;
	[tilespmem:$0x18C00] =	vst v63  }
0x18b: {  	_ =	swait.ge [sflag:s30], $0x4000  }
0x18c: {  	[sflag:s30] =	ssyncset.done $0x0  }
0x18d: {  	[sflag:s30] =	ssyncadd.s32 $0xFFFFC000  }
0x18e: {  	_ =	swait.ge [sflag:s30], $0x4000  }
0x18f: {  	[sflag:s30] =	ssyncset.done $0x0  }
0x190: {  	[sflag:s30] =	ssyncadd.s32 $0xFFFFC000  }
0x191: {  	s31 =	simm.s32 $0x2;
	[bflag:$0x0] =	sbarrier.arrive $0xFFFF  }
0x192: {  	[tilespmem:s14], [sflag:$0x2] =	stream.linear.gather [spmem:s10], $0x4000, $0x38;
	[tilespmem:$0x18C00] =	vst v63  }
0x193: {  	_ =	swait.ge [sflag:s31], $0x4000  }
0x194: {  	[sflag:s31] =	ssyncset.done $0x0  }
0x195: {  	[sflag:s31] =	ssyncadd.s32 $0xFFFFC000  }
0x196: {  	[tilespmem:s12], [sflag:$0x2] =	stream.linear.gather [spmem:s11], $0x4000, $0x38;
	[tilespmem:$0x18C00] =	vst v63  }
0x197: {  	_ =	swait.ge [sflag:s31], $0x4000  }
0x198: {  	[sflag:s31] =	ssyncset.done $0x0  }
0x199: {  	v0 =	vimm.s32 $0x0;
	s11 =	simm.s32 $0x0;
	[sflag:s31] =	ssyncadd.s32 $0xFFFFC000  }
.LBB2_21:
0x19a: {  	p1 =	sne.s32 s11, $0xFC0  }
.Ltmp10:
0x19b: {  	_ = 	snop;
	(pc) =	sbr.rel @p1 .LBB2_21-.Ltmp10, $3  }
0x19c: {  	_ =	sdelay $0x1  }
0x19d: {  	s13 =	sshra.s32 s11, $0x2  }
0x19e: {  	s11 =	sadd.s32 $0x40, s11;
	[tilespmem:s13+$0x8000] =	vst v0  }
0x19f: {  	s11 =	simm.s32 $0x8000  }
.LBB2_23:
0x1a0: {  	s13 =	sshra.s32 s12, $0x2  }
0x1a1: {  	v0 =	vld [tilespmem:s13+$0x0];
	_ =	sdelay $0x4  }
0x1a2: {  	v0 =	vshrl.u32 v0, $0x14  }
0x1a3: {  	v0 =	vand.u32 $0x3FF, v0  }
0x1a4: {  	(xrf1) =	vunique.msk.u32 $0xffff, v0;
	_ =	sdelay $0xd  }
0x1a5: {  	_, v1, vm0 =	vpop (xrf1);
	_ =	sdelay $0x5  }
0x1a6: {  	[tilespmem:v0+s11+$0x0] =	vst.idx.add.s32.msk vm0, v1  }
0x1a7: {  	v0 =	vld [tilespmem:s13+$0x10];
	_ =	sdelay $0x4  }
0x1a8: {  	v0 =	vshrl.u32 v0, $0x14  }
0x1a9: {  	v0 =	vand.u32 $0x3FF, v0  }
0x1aa: {  	(xrf1) =	vunique.msk.u32 $0xffff, v0;
	_ =	sdelay $0xd  }
0x1ab: {  	_, v1, vm0 =	vpop (xrf1)  }
0x1ac: {  	p1 =	sne.s32 s12, $0xFF80  }
.Ltmp11:
0x1ad: {  	_ = 	snop;
	(pc) =	sbr.rel @p1 .LBB2_23-.Ltmp11, $2  }
0x1ae: {  	_ =	sdelay $0x2  }
0x1af: {  	s12 =	sadd.s32 $0x80, s12;
	[tilespmem:v0+s11+$0x0] =	vst.idx.add.s32.msk vm0, v1  }
0x1b0: {  	s13 =	simm.s32 $0x80;
	s11 =	simm.s32 $0x400;
	s12 =	simm.s32 $0x8000  }
0x1b1: {  	[hbm4b:s9+s13] =	stream.strided.scatter [tilespmem:s12], [sflag:$0x2], $0x400, s11, s13, $0x38;
	[tilespmem:$0x18C00] =	vst v63  }
0x1b2: {  	s9 =	simm.s32 $0x2  }
0x1b3: {  	_ =	swait.ge [sflag:s9], $0x400  }
0x1b4: {  	[sflag:s9] =	ssyncset.done $0x0  }
0x1b5: {  	[sflag:s9] =	ssyncadd.s32 $0xFFFFFC00  }
0x1b6: {  	[bflag:$0x0] =	sbarrier.arrive $0xFFFF  }
0x1b7: {  	s17 =	sld [smem:$0x7F3]  }
0x1b8: {  	s28 =	sld [smem:$0x7F2]  }
0x1b9: {  	s29 =	sld [smem:$0x7F1]  }
0x1ba: {  	s30 =	sld [smem:$0x7F0]  }
0x1bb: {  	s31 =	sld [smem:$0x7EF]  }
0x1bc: {  	s16 =	simm.s32 $0x0;
	s14 =	simm.s32 $0x8400;
	s15 =	simm.s32 $0x0  }
0x1bd: {  	s13 =	simm.s32 $0x2000;
	p6 =	seq.s32 s17, $0x1;
	p0 =	seq.s32 s28, $0x1  }
0x1be: {  	p2 =	seq.s32 s29, $0x1;
	p3 =	seq.s32 s30, $0x1;
	p4 =	seq.s32 s31, $0x1  }
.LBB2_25:
0x1bf: {  	s17 =	sshll.u32 s15, $0x7  }
0x1c0: {  	s17 =	sadd.s32 s8, s17  }
0x1c1: {  	[tilespmem:s14], [sflag:$0x2] =	stream.strided.gather [hbm4b:s17+s11], $0x800, s13, s11, $0x38;
	[tilespmem:$0x18C00] =	vst v63  }
0x1c2: {  	_ =	swait.ge [sflag:s9], $0x800  }
0x1c3: {  	[sflag:s9] =	ssyncset.done $0x0  }
0x1c4: {  	s21 =	simm.s32 $0x0;
	[sflag:s9] =	ssyncadd.s32 $0xFFFFF800  }
0x1c5: {  	v0 =	vld [tilespmem:s21+$0x8480]  }
0x1c6: {  	v1 =	vld [tilespmem:s21+$0x8400]  }
0x1c7: {  	v2 =	vld [tilespmem:s21+$0x8500]  }
0x1c8: {  	v3 =	vld [tilespmem:s21+$0x8580]  }
0x1c9: {  	v4 =	vld [tilespmem:s21+$0x8600]  }
0x1ca: {  	v5 =	vld [tilespmem:s21+$0x8680]  }
0x1cb: {  	v7 =	vld [tilespmem:s21+$0x8700];
	v6 =	vadd.s32 v1, v0  }
0x1cc: {  	v8 =	vld [tilespmem:s21+$0x8780];
	v6 =	vadd.s32 v2, v6  }
0x1cd: {  	v9 =	vld [tilespmem:s21+$0x8800];
	v6 =	vadd.s32 v3, v6  }
0x1ce: {  	v10 =	vld [tilespmem:s21+$0x8880];
	v6 =	vadd.s32 v4, v6  }
0x1cf: {  	v11 =	vld [tilespmem:s21+$0x8900];
	v6 =	vadd.s32 v5, v6  }
0x1d0: {  	s18 =	sld [smem:$0x7FD];
	v12 =	vld [tilespmem:s21+$0x8980];
	v1 =	vpsel p4, $0x0, v1;
	v0 =	vpsel !p3, $0x0, v0;
	v6 =	vadd.s32 v7, v6  }
0x1d1: {  	s22 =	sld [smem:$0x7FC];
	v13 =	vld [tilespmem:s21+$0x8A00];
	v1 =	vadd.s32 s16, v1;
	v2 =	vpsel !p2, $0x0, v2;
	v6 =	vadd.s32 v8, v6  }
0x1d2: {  	s23 =	sld [smem:$0x7FB];
	v14 =	vld [tilespmem:s21+$0x8A80];
	v0 =	vadd.s32 v0, v1;
	v1 =	vpsel !p0, $0x0, v3;
	v6 =	vadd.s32 v9, v6  }
0x1d3: {  	s24 =	sld [smem:$0x7FA];
	v61 =	vld [tilespmem:s21+$0x8B00];
	p1 =	seq.s32 s18, $0x1;
	v0 =	vadd.s32 v2, v0;
	v2 =	vpsel !p6, $0x0, v4;
	v3 =	vadd.s32 v10, v6  }
0x1d4: {  	s25 =	sld [smem:$0x7F9];
	v62 =	vld [tilespmem:s21+$0x8B80];
	p5 =	seq.s32 s22, $0x1;
	v0 =	vadd.s32 v1, v0;
	v1 =	vpsel !p1, $0x0, v5;
	v3 =	vadd.s32 v11, v3  }
0x1d5: {  	s26 =	sld [smem:$0x7F8];
	v0 =	vadd.s32 v2, v0;
	v2 =	vpsel !p5, $0x0, v7;
	p5 =	seq.s32 s23, $0x1;
	v3 =	vadd.s32 v12, v3  }
0x1d6: {  	s28 =	sld [smem:$0x7F7];
	v0 =	vadd.s32 v1, v0;
	v1 =	vpsel !p5, $0x0, v8;
	p5 =	seq.s32 s24, $0x1;
	v3 =	vadd.s32 v13, v3  }
0x1d7: {  	s29 =	sld [smem:$0x7F6];
	v0 =	vadd.s32 v2, v0;
	v2 =	vpsel !p5, $0x0, v9;
	p5 =	seq.s32 s25, $0x1;
	v3 =	vadd.s32 v14, v3  }
0x1d8: {  	s30 =	sld [smem:$0x7F5];
	v0 =	vadd.s32 v1, v0;
	v1 =	vpsel !p5, $0x0, v10;
	p5 =	seq.s32 s26, $0x1;
	v3 =	vadd.s32 v61, v3  }
0x1d9: {  	s31 =	sld [smem:$0x7F4];
	v0 =	vadd.s32 v2, v0;
	v2 =	vpsel !p5, $0x0, v11;
	p5 =	seq.s32 s28, $0x1;
	v3 =	vadd.s32 v62, v3  }
0x1da: {  	v0 =	vadd.s32 v1, v0;
	v1 =	vpsel !p5, $0x0, v12;
	p5 =	seq.s32 s29, $0x1;
	(xrf0) =	vadd.scan.msk.s32 $0xffff, v3  }
0x1db: {  	v0 =	vadd.s32 v2, v0;
	v2 =	vpsel !p5, $0x0, v13;
	p5 =	seq.s32 s30, $0x1  }
0x1dc: {  	v1 =	vadd.s32 v1, v0;
	v63 =	vpsel !p5, $0x0, v14;
	p5 =	seq.s32 s31, $0x1  }
0x1dd: {  	v0 =	vmov s12;
	v1 =	vadd.s32 v2, v1;
	v2 =	vpsel !p5, $0x0, v61  }
0x1de: {  	v1 =	vadd.s32 v63, v1  }
0x1df: {  	v1 =	vadd.s32 v2, v1  }
0x1e0: {  	v1 =	vsub.s32 v1, v3;
	v2, _, _ =	vpop (xrf0)  }
0x1e1: {  	v1 =	vadd.s32 v2, v1  }
0x1e2: {  	s17 =	simm.s32 $0x10;
	[tilespmem:v0+s21+$0x0 ss:$0x1] =	vst.idx.msk $0xffff, v1  }
0x1e3: {  	s18 =	simm.s32 $0x80;
	(v2sf) =	vpush v2, $0xF;
	v1 =	vld [tilespmem:s17+$0x8480]  }
.LBB2_26:
0x1e4: {  	_ =	sdelay $0x4  }
0x1e5: {  	v2 =	vld [tilespmem:s17+$0x8400]  }
0x1e6: {  	v3 =	vld [tilespmem:s17+$0x8500]  }
0x1e7: {  	v4 =	vld [tilespmem:s17+$0x8580]  }
0x1e8: {  	v5 =	vld [tilespmem:s17+$0x8600]  }
0x1e9: {  	v6 =	vld [tilespmem:s17+$0x8680]  }
0x1ea: {  	v8 =	vld [tilespmem:s17+$0x8700];
	v7 =	vpsel !p3, $0x0, v1;
	v1 =	vadd.s32 v2, v1  }
0x1eb: {  	v9 =	vld [tilespmem:s17+$0x8780];
	v1 =	vadd.s32 v3, v1  }
0x1ec: {  	v10 =	vld [tilespmem:s17+$0x8800];
	v1 =	vadd.s32 v4, v1  }
0x1ed: {  	v11 =	vld [tilespmem:s17+$0x8880];
	v1 =	vadd.s32 v5, v1  }
0x1ee: {  	v12 =	vld [tilespmem:s17+$0x8900];
	v1 =	vadd.s32 v6, v1;
	s23 =	spop (v2sf)  }
0x1ef: {  	v13 =	vld [tilespmem:s17+$0x8980];
	v2 =	vpsel p4, $0x0, v2;
	v1 =	vadd.s32 v8, v1;
	s16 =	sadd.s32 s16, s23  }
0x1f0: {  	s19 =	sld [smem:$0x7FD];
	v14 =	vld [tilespmem:s17+$0x8A00];
	v1 =	vadd.s32 v9, v1;
	v2 =	vadd.s32 s16, v2  }
0x1f1: {  	s22 =	sld [smem:$0x7FC];
	v15 =	vld [tilespmem:s17+$0x8A80];
	v3 =	vpsel !p2, $0x0, v3;
	v1 =	vadd.s32 v10, v1;
	v2 =	vadd.s32 v7, v2  }
0x1f2: {  	s20 =	sld [smem:$0x7FB];
	v16 =	vld [tilespmem:s17+$0x8B00];
	v4 =	vpsel !p0, $0x0, v4;
	v1 =	vadd.s32 v11, v1;
	v2 =	vadd.s32 v3, v2  }
0x1f3: {  	s24 =	sld [smem:$0x7FA];
	v60 =	vld [tilespmem:s17+$0x8B80];
	p5 =	seq.s32 s19, $0x1;
	v5 =	vpsel !p6, $0x0, v5;
	v1 =	vadd.s32 v12, v1;
	v2 =	vadd.s32 v4, v2  }
0x1f4: {  	s25 =	sld [smem:$0x7F9];
	v6 =	vpsel !p5, $0x0, v6;
	p5 =	seq.s32 s22, $0x1;
	v1 =	vadd.s32 v13, v1;
	v2 =	vadd.s32 v5, v2  }
0x1f5: {  	s26 =	sld [smem:$0x7F8];
	v8 =	vpsel !p5, $0x0, v8;
	p5 =	seq.s32 s20, $0x1;
	v1 =	vadd.s32 v14, v1;
	v2 =	vadd.s32 v6, v2  }
0x1f6: {  	s28 =	sld [smem:$0x7F7];
	v9 =	vpsel !p5, $0x0, v9;
	p5 =	seq.s32 s24, $0x1;
	v1 =	vadd.s32 v15, v1;
	v2 =	vadd.s32 v8, v2  }
0x1f7: {  	s29 =	sld [smem:$0x7F6];
	v10 =	vpsel !p5, $0x0, v10;
	p5 =	seq.s32 s25, $0x1;
	v1 =	vadd.s32 v16, v1;
	v2 =	vadd.s32 v9, v2  }
0x1f8: {  	s30 =	sld [smem:$0x7F5];
	v11 =	vpsel !p5, $0x0, v11;
	p5 =	seq.s32 s26, $0x1;
	v1 =	vadd.s32 v60, v1;
	v2 =	vadd.s32 v10, v2  }
0x1f9: {  	s31 =	sld [smem:$0x7F4];
	v12 =	vpsel !p5, $0x0, v12;
	p5 =	seq.s32 s28, $0x1;
	(xrf0) =	vadd.scan.msk.s32 $0xffff, v1;
	v2 =	vadd.s32 v11, v2  }
0x1fa: {  	v3 =	vpsel !p5, $0x0, v13;
	p5 =	seq.s32 s29, $0x1;
	v2 =	vadd.s32 v12, v2  }
0x1fb: {  	v61 =	vpsel !p5, $0x0, v14;
	p5 =	seq.s32 s30, $0x1;
	v2 =	vadd.s32 v3, v2  }
0x1fc: {  	v62 =	vpsel !p5, $0x0, v15;
	p5 =	seq.s32 s31, $0x1;
	v2 =	vadd.s32 v61, v2  }
0x1fd: {  	p1 =	sne.s32 s18, $0x1C0;
	v63 =	vpsel !p5, $0x0, v16;
	v2 =	vadd.s32 v62, v2  }
.Ltmp12:
0x1fe: {  	v2 =	vadd.s32 v63, v2;
	(pc) =	sbr.rel @p1 .LBB2_26-.Ltmp12, $4  }
0x1ff: {  	v3, _, _ =	vpop (xrf0);
	v1 =	vsub.s32 v2, v1  }
0x200: {  	v1 =	vadd.s32 v3, v1  }
0x201: {  	[tilespmem:v0+s17+$0x0 ss:$0x1] =	vst.idx.msk $0xffff, v1;
	s17 =	sshra.s32 s18, $0x2  }
0x202: {  	(v2sf) =	vpush v3, $0xF;
	s18 =	sadd.s32 $0x40, s18;
	v1 =	vld [tilespmem:s17+$0x8480]  }
0x203: {  	v2 =	vld [tilespmem:s17+$0x8400]  }
0x204: {  	v3 =	vld [tilespmem:s17+$0x8500]  }
0x205: {  	v4 =	vld [tilespmem:s17+$0x8580]  }
0x206: {  	v5 =	vld [tilespmem:s17+$0x8600]  }
0x207: {  	v6 =	vld [tilespmem:s17+$0x8680]  }
0x208: {  	v8 =	vld [tilespmem:s17+$0x8700];
	v7 =	vadd.s32 v2, v1  }
0x209: {  	v9 =	vld [tilespmem:s17+$0x8780];
	v7 =	vadd.s32 v3, v7  }
0x20a: {  	v10 =	vld [tilespmem:s17+$0x8800];
	v7 =	vadd.s32 v4, v7  }
0x20b: {  	v11 =	vld [tilespmem:s17+$0x8880];
	v7 =	vadd.s32 v5, v7  }
0x20c: {  	v12 =	vld [tilespmem:s17+$0x8900];
	v7 =	vadd.s32 v6, v7  }
0x20d: {  	v13 =	vld [tilespmem:s17+$0x8980];
	v7 =	vadd.s32 v8, v7  }
0x20e: {  	v14 =	vld [tilespmem:s17+$0x8A00];
	v7 =	vadd.s32 v9, v7  }
0x20f: {  	v15 =	vld [tilespmem:s17+$0x8A80];
	v7 =	vadd.s32 v10, v7  }
0x210: {  	v16 =	vld [tilespmem:s17+$0x8B00];
	v7 =	vadd.s32 v11, v7  }
0x211: {  	v17 =	vld [tilespmem:s17+$0x8B80];
	v7 =	vadd.s32 v12, v7  }
0x212: {  	v7 =	vadd.s32 v13, v7  }
0x213: {  	v7 =	vadd.s32 v14, v7  }
0x214: {  	v7 =	vadd.s32 v15, v7  }
0x215: {  	v7 =	vadd.s32 v16, v7  }
0x216: {  	v7 =	vadd.s32 v17, v7  }
0x217: {  	(xrf0) =	vadd.scan.msk.s32 $0xffff, v7;
	_ =	sdelay $0x3  }
0x218: {  	s18 =	spop (v2sf)  }
0x219: {  	v2 =	vpsel p4, $0x0, v2;
	s16 =	sadd.s32 s16, s18  }
0x21a: {  	s20 =	sld [smem:$0x7FD];
	v49 =	vpsel !p3, $0x0, v1;
	v2 =	vadd.s32 s16, v2;
	v50, _, _ =	vpop (xrf0)  }
0x21b: {  	s21 =	sld [smem:$0x7FC];
	v51 =	vpsel !p2, $0x0, v3;
	v1 =	vadd.s32 v49, v2;
	(v2sf) =	vpush v50, $0xF  }
0x21c: {  	s22 =	sld [smem:$0x7FB];
	v52 =	vpsel !p0, $0x0, v4;
	v1 =	vadd.s32 v51, v1  }
0x21d: {  	s23 =	sld [smem:$0x7FA];
	p1 =	seq.s32 s20, $0x1;
	v53 =	vpsel !p6, $0x0, v5;
	v1 =	vadd.s32 v52, v1  }
0x21e: {  	s24 =	sld [smem:$0x7F9];
	p5 =	seq.s32 s21, $0x1;
	v54 =	vpsel !p1, $0x0, v6;
	v1 =	vadd.s32 v53, v1  }
0x21f: {  	s25 =	sld [smem:$0x7F8];
	v55 =	vpsel !p5, $0x0, v8;
	p5 =	seq.s32 s22, $0x1;
	v1 =	vadd.s32 v54, v1  }
0x220: {  	s26 =	sld [smem:$0x7F7];
	v56 =	vpsel !p5, $0x0, v9;
	p5 =	seq.s32 s23, $0x1;
	v1 =	vadd.s32 v55, v1  }
0x221: {  	s28 =	sld [smem:$0x7F6];
	v57 =	vpsel !p5, $0x0, v10;
	p5 =	seq.s32 s24, $0x1;
	v1 =	vadd.s32 v56, v1  }
0x222: {  	s29 =	sld [smem:$0x7F5];
	v58 =	vpsel !p5, $0x0, v11;
	p5 =	seq.s32 s25, $0x1;
	v1 =	vadd.s32 v57, v1  }
0x223: {  	s30 =	sld [smem:$0x7F4];
	v59 =	vpsel !p5, $0x0, v12;
	p5 =	seq.s32 s26, $0x1;
	v1 =	vadd.s32 v58, v1  }
0x224: {  	v60 =	vpsel !p5, $0x0, v13;
	p5 =	seq.s32 s28, $0x1;
	v1 =	vadd.s32 v59, v1  }
0x225: {  	s15 =	sadd.s32 $0x1, s15;
	v61 =	vpsel !p5, $0x0, v14;
	p5 =	seq.s32 s29, $0x1;
	v1 =	vadd.s32 v60, v1  }
0x226: {  	p1 =	sne.s32 s15, $0x8;
	v62 =	vpsel !p5, $0x0, v15;
	p5 =	seq.s32 s30, $0x1;
	v1 =	vadd.s32 v61, v1  }
.Ltmp13:
0x227: {  	v63 =	vpsel !p5, $0x0, v16;
	v1 =	vadd.s32 v62, v1;
	(pc) =	sbr.rel @p1 .LBB2_25-.Ltmp13, $4  }
0x228: {  	v1 =	vadd.s32 v63, v1  }
0x229: {  	v1 =	vsub.s32 v1, v7  }
0x22a: {  	v1 =	vadd.s32 v50, v1;
	s31 =	spop (v2sf)  }
0x22b: {  	s12 =	sadd.s32 $0x80, s12;
	[tilespmem:v0+s17+$0x0 ss:$0x1] =	vst.idx.msk $0xffff, v1;
	s16 =	sadd.s32 s16, s31  }
0x22c: {  	s8 =	simm.s32 $0x0;
	s9 =	simm.s32 $0x8000  }
.LBB2_29:
0x22d: {  	s11 =	sshra.s32 s8, $0x2  }
0x22e: {  	v0 =	vld [tilespmem:s11+$0x0];
	_ =	sdelay $0x4  }
0x22f: {  	v0 =	vshrl.u32 v0, $0x14  }
0x230: {  	v0 =	vand.u32 $0x3FF, v0  }
0x231: {  	(xrf1) =	vunique.msk.u32 $0xffff, v0;
	_ =	sdelay $0xd  }
0x232: {  	_, v1, vm0 =	vpop (xrf1);
	_ =	sdelay $0x4  }
0x233: {  	v2 =	vld.idx.msk [tilespmem:v0+s9+$0x0], $0xffff  }
0x234: {  	[tilespmem:v0+s9+$0x0] =	vst.idx.add.s32.msk vm0, v1  }
0x235: {  	v0 =	vld [tilespmem:s11+$0x10];
	_ =	sdelay $0x4  }
0x236: {  	v0 =	vshrl.u32 v0, $0x14  }
0x237: {  	v0 =	vand.u32 $0x3FF, v0  }
0x238: {  	(xrf1) =	vunique.msk.u32 $0xffff, v0;
	_ =	sdelay $0xa  }
0x239: {  	v1 =	vadd.s32 v1, v2  }
0x23a: {  	v1 =	vadd.s32 $0xFFFFFFFF, v1  }
0x23b: {  	[tilespmem:s11+$0x8C00] =	vst v1  }
0x23c: {  	v63 =	vld.idx.msk [tilespmem:v0+s9+$0x0], $0xffff;
	_, v62, vm15 =	vpop (xrf1);
	_ =	sdelay $0x1  }
0x23d: {  	p0 =	sne.s32 s8, $0xFF80  }
.Ltmp14:
0x23e: {  	_ = 	snop;
	(pc) =	sbr.rel @p0 .LBB2_29-.Ltmp14, $4  }
0x23f: {  	_ = 	snop  }
0x240: {  	v2 =	vadd.s32 v62, v63  }
0x241: {  	v2 =	vadd.s32 $0xFFFFFFFF, v2;
	[tilespmem:v0+s9+$0x0] =	vst.idx.add.s32.msk vm15, v62  }
0x242: {  	s8 =	sadd.s32 $0x80, s8;
	[tilespmem:s11+$0x8C10] =	vst v2  }
0x243: {  	s8 =	simm.s32 $0x4000;
	s9 =	simm.s32 $0x8C00  }
0x244: {  	[spmem:s6] =	stream.indirect.scatter [tilespmem:s9], [sflag:$0x1], $0x1, s8, s8, $0xb8;
	[tilespmem:$0x18C00] =	vst v63  }
0x245: {  	s24 =	simm.s32 $0x0;
	s25 =	simm.s32 $0x1  }
0x246: {  	[spmem:s3] =	stream.indirect.scatter [tilespmem:s24], [sflag:$0x1], $0x1, s9, s8, $0xb8;
	[tilespmem:$0x18C00] =	vst v63  }
0x247: {  	_ =	swait.ge [sflag:s25], $0x4000  }
0x248: {  	[sflag:s25] =	ssyncset.done $0x0  }
0x249: {  	[sflag:s25] =	ssyncadd.s32 $0xFFFFC000  }
0x24a: {  	_ =	swait.ge [sflag:s25], $0x4000  }
0x24b: {  	[sflag:s25] =	ssyncset.done $0x0  }
0x24c: {  	[sflag:s25] =	ssyncadd.s32 $0xFFFFC000  }
0x24d: {  	s7 =	sadd.s32 s7, s2;
	s26 =	simm.s32 $0x2;
	[bflag:$0x0] =	sbarrier.arrive $0xFFFF  }
0x24e: {  	[tilespmem:s24], [sflag:$0x2] =	stream.linear.gather [hbm4b:s7+s24], $0x4000, $0x38;
	[tilespmem:$0x18C00] =	vst v63  }
0x24f: {  	_ =	swait.ge [sflag:s26], $0x4000  }
0x250: {  	[sflag:s26] =	ssyncset.done $0x0  }
0x251: {  	s11 =	simm.s32 $0xCC00;
	[sflag:s26] =	ssyncadd.s32 $0xFFFFC000  }
0x252: {  	[tilespmem:s11], [sflag:$0x1] =	stream.indirect.gather [spmem:s3], $0x1, s24, s8, $0xb8;
	[tilespmem:$0x18C00] =	vst v63  }
0x253: {  	_ =	swait.ge [sflag:s25], $0x4000  }
0x254: {  	[sflag:s25] =	ssyncset.done $0x0  }
0x255: {  	s28 =	sadd.s32 s5, s2;
	[sflag:s25] =	ssyncadd.s32 $0xFFFFC000  }
0x256: {  	[hbm4b:s28+s24] =	stream.linear.scatter [tilespmem:s11], [sflag:$0x2], $0x4000, $0x38;
	[tilespmem:$0x18C00] =	vst v63  }
0x257: {  	_ =	swait.ge [sflag:s26], $0x4000  }
0x258: {  	s29 =	sadd.s32 s4, s2;
	s30 =	sshll.u32 s1, $0x6;
	[sflag:s26] =	ssyncset.done $0x0  }
0x259: {  	s31 =	sshrl.u32 s10, $0x3;
	s3 =	sor.u32 $0x1C02, s30;
	[sflag:s26] =	ssyncadd.s32 $0xFFFFC000  }
0x25a: {  	[hbm:s29], [sflag:s3] =	dma.local [spmem:s31], $0x800  }
0x25b: {  	_ =	swait.ge [sflag:s26], $0x800  }
0x25c: {  	[sflag:s26] =	ssyncset.done $0x0  }
0x25d: {  	[sflag:s26] =	ssyncadd.s32 $0xFFFFF800  }
0x25e: {  	_ =	sfence.sel $0x180000  }
0x25f: {  	[bflag:$0x0] =	sbarrier.arrive $0xFFFF  }
0x260: {  	p0 =	sne.s32 s1, $0x0;
	_ =	strace $0x90000047  }
0x261: {  	s0 =	sadd.s32 @!p0 $0x100000, s0;
	[bflag:$0x2] =	sbarrier.arrive $0xFFFF  }
0x262: {  	[sflag:s0] =	ssyncadd.tile.s32 @!p0 $0x1;
	_ =	shalt  }
.Lfunc_end2:
_tile_overlayer_lowered:
.L_overlay_start_2:
0x263: {  	(tag) =	ssettag $0x2  }
0x264: {  	s0 =	rddreg [dreg:$0x0];
	s2 =	stileid.u32  }
0x265: {  	s1 =	rddreg [dreg:$0x1];
	p0 =	sne.s32 s2, $0x0  }
0x266: {  	s3 =	rddreg [dreg:$0x2];
	[bflag:$0x3] =	sbarrier.arrive $0xFFFF;
	s2 =	simm.s32 @!p0 $0x1C02  }
0x267: {  	[timem:s3], [sflag:s2] =	dma.local @!p0 [hbm:s0], s1  }
0x268: {  	s0 =	simm.s32 @!p0 $0x2  }
0x269: {  	_ =	swait.ge @!p0 [sflag:s0], s1  }
0x26a: {  	s1 =	ssub.s32 @!p0 $0x0, s1;
	[sflag:s0] =	ssyncset.done @!p0 $0x0  }
0x26b: {  	[sflag:s0] =	ssyncadd.s32 @!p0 s1  }
0x26c: {  	[bflag:$0x3] =	sbarrier.arrive $0xFFFF  }
0x26d: {  	_ =	shalt  }

</sc_bundles>
